<compile_context>
chip_gen: v7x
topology: tpu7x:2x2x1
jax: 0.10.2.dev20260603
libtpu: 0.0.44.dev20260713+nightly
codegen_flags: <defaults>
</compile_context>

<pallas_src>
import functools

import jax
import jax.numpy as jnp
from jax import lax
from jax.experimental import pallas as pl
from jax.experimental.pallas import tpu as pltpu
from jax.experimental.pallas import tpu_sc as plsc

N_NODES = 10000
N_EDGES = 320000
D_FEAT = 128
D_EDGE = 16
D_HID = 128

NC = 2
NS = 16
NW = NC * NS
C = 80
NBUF = 4
EDGES_PER_W = N_EDGES // NW
CHUNKS = EDGES_PER_W // C
N_PAD = 10240
ROWS_PER_TILE = N_PAD // NS
ZROWS = 32


def _proj_body(edges_ref, we_ref, be_ref, nodes_ref, wr_ref, ws_ref,
               eout_ref, pr_ref, ps_ref):
    eout_ref[:] = (
        jnp.dot(edges_ref[:], we_ref[:], preferred_element_type=jnp.float32)
        + be_ref[:]
    )
    n = nodes_ref[:]
    pr_ref[:] = jnp.dot(n, wr_ref[:], preferred_element_type=jnp.float32)
    ps_ref[:] = jnp.dot(n, ws_ref[:], preferred_element_type=jnp.float32)


def _sc_edge_body(eproj_hbm, pr_hbm, ps_hbm, send_hbm, recv_hbm,
                  edges_out_hbm, agg_out_hbm,
                  ridx0, ridx1, ridx2, ridx3, sidx0, sidx1, sidx2, sidx3,
                  acc0, acc1, acc2, acc3, zbuf_v, agg_sh,
                  lsem0, lsem1, lsem2, lsem3, gsem0, gsem1, gsem2, gsem3,
                  osem0, osem1, osem2, osem3, csem0, csem1, csem2, csem3):
    c = lax.axis_index("c")
    s = lax.axis_index("s")
    w = s * NC + c
    ridx = (ridx0, ridx1, ridx2, ridx3)
    sidx = (sidx0, sidx1, sidx2, sidx3)
    acc = (acc0, acc1, acc2, acc3)
    lsem = (lsem0, lsem1, lsem2, lsem3)
    gsem = (gsem0, gsem1, gsem2, gsem3)
    osem = (osem0, osem1, osem2, osem3)
    csem = (csem0, csem1, csem2, csem3)

    zero16 = jnp.zeros((16,), jnp.float32)

    def _zrow(i, carry):
        for j in range(8):
            zbuf_v[i, pl.ds(j * 16, 16)] = zero16
        return carry

    lax.fori_loop(0, ZROWS, _zrow, 0)
    for k in range(ROWS_PER_TILE // ZROWS):
        pltpu.sync_copy(
            zbuf_v, agg_sh.at[pl.ds(s * ROWS_PER_TILE + k * ZROWS, ZROWS), :]
        )
    plsc.subcore_barrier()

    def _load(i, b):
        base = w * EDGES_PER_W + i * C
        pltpu.async_copy(recv_hbm.at[pl.ds(base, C)], ridx[b], lsem[b])
        pltpu.async_copy(send_hbm.at[pl.ds(base, C)], sidx[b], lsem[b])
        pltpu.async_copy(eproj_hbm.at[pl.ds(base, C), :], acc[b], lsem[b])

    def _gathers(b):
        pltpu.make_async_copy(recv_hbm.at[pl.ds(0, C)], ridx[b], lsem[b]).wait()
        pltpu.make_async_copy(send_hbm.at[pl.ds(0, C)], sidx[b], lsem[b]).wait()
        pltpu.make_async_copy(
            eproj_hbm.at[pl.ds(0, C), :], acc[b], lsem[b]
        ).wait()
        pltpu.async_copy(pr_hbm.at[ridx[b]], acc[b], gsem[b], add=True)
        pltpu.async_copy(ps_hbm.at[sidx[b]], acc[b], gsem[b], add=True)

    def _finish(i, b):
        base = w * EDGES_PER_W + i * C
        pltpu.make_async_copy(pr_hbm.at[ridx[b]], acc[b], gsem[b]).wait()
        pltpu.make_async_copy(ps_hbm.at[sidx[b]], acc[b], gsem[b]).wait()

        def _relu_row(e, cc):
            for j in range(8):
                x = acc[b][e, pl.ds(j * 16, 16)]
                acc[b][e, pl.ds(j * 16, 16)] = jnp.maximum(x, 0.0)
            return cc

        lax.fori_loop(0, C, _relu_row, 0)
        pltpu.async_copy(acc[b], edges_out_hbm.at[pl.ds(base, C), :], osem[b])
        pltpu.async_copy(acc[b], agg_sh.at[ridx[b]], csem[b], add=True)

    def _drain(b):
        pltpu.make_async_copy(
            acc[b], edges_out_hbm.at[pl.ds(0, C), :], osem[b]
        ).wait()
        pltpu.make_async_copy(acc[b], agg_sh.at[ridx[b]], csem[b]).wait()

    _load(0, 0)
    _load(1, 1)
    _gathers(0)

    for r in range(4):
        i = r
        _gathers((r + 1) % NBUF)
        if i >= 2:
            _drain((r + 2) % NBUF)
        _load(i + 2, (r + 2) % NBUF)
        _finish(i, r)

    def _body(jj, carry):
        i0 = 4 * jj
        for r in range(4):
            i = i0 + r
            _gathers((r + 1) % NBUF)
            _drain((r + 2) % NBUF)

            @pl.when(i + 2 < CHUNKS)
            def _():
                _load(i + 2, (r + 2) % NBUF)

            _finish(i, r)
        return carry

    lax.fori_loop(1, 31, _body, 0)

    _drain(2)
    _finish(124, 0)
    _drain(3)
    _drain(0)

    plsc.subcore_barrier()
    pltpu.sync_copy(
        agg_sh.at[pl.ds(s * ROWS_PER_TILE, ROWS_PER_TILE), :],
        agg_out_hbm.at[c, pl.ds(s * ROWS_PER_TILE, ROWS_PER_TILE), :],
    )


def _node_global_body(agg2_ref, nodes_ref, wna_ref, wnn_ref, bn_ref,
                      wga_ref, wgb_ref, bg_ref, nodes_out_ref, glob_out_ref):
    agg = agg2_ref[0] + agg2_ref[1]
    h = jnp.maximum(
        jnp.dot(agg, wna_ref[:], preferred_element_type=jnp.float32)
        + jnp.dot(nodes_ref[:], wnn_ref[:], preferred_element_type=jnp.float32)
        + bn_ref[:],
        0.0,
    )
    nodes_out_ref[:] = h
    se = jnp.sum(agg, axis=0, keepdims=True)
    sn = jnp.sum(h, axis=0, keepdims=True)
    g = (
        jnp.dot(se, wga_ref[:], preferred_element_type=jnp.float32)
        + jnp.dot(sn, wgb_ref[:], preferred_element_type=jnp.float32)
        + bg_ref[:]
    )
    glob_out_ref[:] = jnp.maximum(g, 0.0)


def kernel(nodes, edges, senders, receivers, We, be, Wn, bn, Wg, bg):
    we_e = We[:D_EDGE]
    we_r = We[D_EDGE:D_EDGE + D_FEAT]
    we_s = We[D_EDGE + D_FEAT:]

    eblk = 12800
    nblk = 400
    e_proj, pr, ps = pl.pallas_call(
        _proj_body,
        grid=(N_EDGES // eblk,),
        in_specs=[
            pl.BlockSpec((eblk, D_EDGE), lambda i: (i, 0)),
            pl.BlockSpec((D_EDGE, D_HID), lambda i: (0, 0)),
            pl.BlockSpec((1, D_HID), lambda i: (0, 0)),
            pl.BlockSpec((nblk, D_FEAT), lambda i: (i, 0)),
            pl.BlockSpec((D_FEAT, D_HID), lambda i: (0, 0)),
            pl.BlockSpec((D_FEAT, D_HID), lambda i: (0, 0)),
        ],
        out_specs=[
            pl.BlockSpec((eblk, D_HID), lambda i: (i, 0)),
            pl.BlockSpec((nblk, D_HID), lambda i: (i, 0)),
            pl.BlockSpec((nblk, D_HID), lambda i: (i, 0)),
        ],
        out_shape=[
            jax.ShapeDtypeStruct((N_EDGES, D_HID), jnp.float32),
            jax.ShapeDtypeStruct((N_NODES, D_HID), jnp.float32),
            jax.ShapeDtypeStruct((N_NODES, D_HID), jnp.float32),
        ],
    )(edges, we_e, be.reshape(1, D_HID), nodes, we_r, we_s)

    sc_edge = pl.kernel(
        _sc_edge_body,
        out_type=(
            jax.ShapeDtypeStruct((N_EDGES, D_HID), jnp.float32),
            jax.ShapeDtypeStruct((NC, N_PAD, D_HID), jnp.float32),
        ),
        mesh=plsc.VectorSubcoreMesh(core_axis_name="c", subcore_axis_name="s"),
        scratch_types=(
            [pltpu.VMEM((C,), jnp.int32)] * 8
            + [pltpu.VMEM((C, D_HID), jnp.float32)] * 4
            + [
                pltpu.VMEM((ZROWS, D_HID), jnp.float32),
                pltpu.VMEM_SHARED((N_PAD, D_HID), jnp.float32),
            ]
            + [pltpu.SemaphoreType.DMA] * 16
        ),
    )
    new_edges, agg2 = sc_edge(e_proj, pr, ps, senders, receivers)
    agg2 = agg2[:, :N_NODES, :]

    new_nodes, new_globals = pl.pallas_call(
        _node_global_body,
        grid=(1,),
        in_specs=[
            pl.BlockSpec((NC, N_NODES, D_HID), lambda i: (0, 0, 0)),
            pl.BlockSpec((N_NODES, D_FEAT), lambda i: (0, 0)),
            pl.BlockSpec((D_HID, D_HID), lambda i: (0, 0)),
            pl.BlockSpec((D_FEAT, D_HID), lambda i: (0, 0)),
            pl.BlockSpec((1, D_HID), lambda i: (0, 0)),
            pl.BlockSpec((D_HID, D_HID), lambda i: (0, 0)),
            pl.BlockSpec((D_HID, D_HID), lambda i: (0, 0)),
            pl.BlockSpec((1, D_HID), lambda i: (0, 0)),
        ],
        out_specs=[
            pl.BlockSpec((N_NODES, D_HID), lambda i: (0, 0)),
            pl.BlockSpec((1, D_HID), lambda i: (0, 0)),
        ],
        out_shape=[
            jax.ShapeDtypeStruct((N_NODES, D_HID), jnp.float32),
            jax.ShapeDtypeStruct((1, D_HID), jnp.float32),
        ],
    )(
        agg2, nodes, Wn[:D_HID], Wn[D_HID:], bn.reshape(1, D_HID),
        Wg[:D_HID], Wg[D_HID:], bg.reshape(1, D_HID),
    )

    return (new_edges, new_nodes, new_globals)

# --- scband reference (transcript-rebuilt; emitter-appended) ---
"""Pipeline reference for scband-graph-network-65249143160999 (READ-ONLY COPY).

The authoritative reference and input builder live on the scoring server;
editing this copy changes nothing except your own understanding.
"""

import jax, jax.numpy as jnp
import numpy as np

N_NODES = 10000
N_EDGES = 320000
D_FEAT = 128
D_EDGE = 16
D_HID = 128


def setup_inputs(seed: int = 0) -> dict:
    key = jax.random.key(seed)
    ks = jax.random.split(key, 12)
    nodes = jax.random.normal(ks[0], (N_NODES, D_FEAT), dtype=jnp.float32)
    edges = jax.random.normal(ks[1], (N_EDGES, D_EDGE), dtype=jnp.float32)
    senders = jax.random.randint(ks[2], (N_EDGES,), 0, N_NODES, dtype=jnp.int32)
    receivers = jax.random.randint(ks[3], (N_EDGES,), 0, N_NODES, dtype=jnp.int32)
    # Edge model: input = [edges, nodes[receivers], nodes[senders]] -> D_EDGE + 2*D_FEAT = 272
    We = jax.random.normal(ks[4], (D_EDGE + 2 * D_FEAT, D_HID), dtype=jnp.float32) * 0.05
    be = jnp.zeros((D_HID,), dtype=jnp.float32)
    # Node model: input = [agg_received_edges, nodes] -> D_HID + D_FEAT = 256
    Wn = jax.random.normal(ks[5], (D_HID + D_FEAT, D_HID), dtype=jnp.float32) * 0.05
    bn = jnp.zeros((D_HID,), dtype=jnp.float32)
    # Global model: input = [sum_edges, sum_nodes] -> 2*D_HID = 256
    Wg = jax.random.normal(ks[6], (2 * D_HID, D_HID), dtype=jnp.float32) * 0.05
    bg = jnp.zeros((D_HID,), dtype=jnp.float32)
    return {"nodes": nodes, "edges": edges, "senders": senders, "receivers": receivers,
            "We": We, "be": be, "Wn": Wn, "bn": bn, "Wg": Wg, "bg": bg}


def reference(nodes, edges, senders, receivers, We, be, Wn, bn, Wg, bg):
    # EdgeBlock: use_edges + use_receiver_nodes + use_sender_nodes
    edge_in = jnp.concatenate([edges, jnp.take(nodes, receivers, axis=0), jnp.take(nodes, senders, axis=0)], axis=-1)
    new_edges = jax.nn.relu(edge_in @ We + be)
    # NodeBlock: aggregate updated edges to receiver nodes (scatter-add / segment_sum), concat with nodes
    agg_edges = jax.ops.segment_sum(new_edges, receivers, num_segments=N_NODES)
    node_in = jnp.concatenate([agg_edges, nodes], axis=-1)
    new_nodes = jax.nn.relu(node_in @ Wn + bn)
    # GlobalBlock: use_edges + use_nodes (sum-aggregated)
    glob_in = jnp.concatenate([jnp.sum(new_edges, axis=0), jnp.sum(new_nodes, axis=0)], axis=-1).reshape(1, -1)
    new_globals = jax.nn.relu(glob_in @ Wg + bg)
    return (new_edges, new_nodes, new_globals)

if __name__ == "__main__":
    import jax
    _d = setup_inputs()
    print(jax.jit(kernel)(*tuple(_d.values())))

</pallas_src>

<mosaic_0001>
#map = affine_map<(d0, d1) -> (0, 0)>
#map1 = affine_map<(d0, d1) -> (0)>
#map2 = affine_map<(d0, d1) -> (0, 0, 0)>
module attributes {stable_mosaic.version = 14 : i64} {
  func.func @_sc_edge_body(%arg0: i32, %arg1: i32, %arg2: memref<320000x128xf32, #tpu.memory_space<hbm>>, %arg3: memref<10000x128xf32, #tpu.memory_space<hbm>>, %arg4: memref<10000x128xf32, #tpu.memory_space<hbm>>, %arg5: memref<320000xi32, #tpu.memory_space<hbm>>, %arg6: memref<320000xi32, #tpu.memory_space<hbm>>, %arg7: memref<320000x128xf32, #tpu.memory_space<hbm>>, %arg8: memref<2x10240x128xf32, #tpu.memory_space<hbm>>, %arg9: memref<80xi32, #tpu.memory_space<vmem>>, %arg10: memref<80xi32, #tpu.memory_space<vmem>>, %arg11: memref<80xi32, #tpu.memory_space<vmem>>, %arg12: memref<80xi32, #tpu.memory_space<vmem>>, %arg13: memref<80xi32, #tpu.memory_space<vmem>>, %arg14: memref<80xi32, #tpu.memory_space<vmem>>, %arg15: memref<80xi32, #tpu.memory_space<vmem>>, %arg16: memref<80xi32, #tpu.memory_space<vmem>>, %arg17: memref<80x128xf32, #tpu.memory_space<vmem>>, %arg18: memref<80x128xf32, #tpu.memory_space<vmem>>, %arg19: memref<80x128xf32, #tpu.memory_space<vmem>>, %arg20: memref<80x128xf32, #tpu.memory_space<vmem>>, %arg21: memref<32x128xf32, #tpu.memory_space<vmem>>, %arg22: memref<10240x128xf32, #tpu.memory_space<vmem_shared>>, %arg23: memref<!tpu.dma_semaphore, #tpu.memory_space<semaphore_mem>>, %arg24: memref<!tpu.dma_semaphore, #tpu.memory_space<semaphore_mem>>, %arg25: memref<!tpu.dma_semaphore, #tpu.memory_space<semaphore_mem>>, %arg26: memref<!tpu.dma_semaphore, #tpu.memory_space<semaphore_mem>>, %arg27: memref<!tpu.dma_semaphore, #tpu.memory_space<semaphore_mem>>, %arg28: memref<!tpu.dma_semaphore, #tpu.memory_space<semaphore_mem>>, %arg29: memref<!tpu.dma_semaphore, #tpu.memory_space<semaphore_mem>>, %arg30: memref<!tpu.dma_semaphore, #tpu.memory_space<semaphore_mem>>, %arg31: memref<!tpu.dma_semaphore, #tpu.memory_space<semaphore_mem>>, %arg32: memref<!tpu.dma_semaphore, #tpu.memory_space<semaphore_mem>>, %arg33: memref<!tpu.dma_semaphore, #tpu.memory_space<semaphore_mem>>, %arg34: memref<!tpu.dma_semaphore, #tpu.memory_space<semaphore_mem>>, %arg35: memref<!tpu.dma_semaphore, #tpu.memory_space<semaphore_mem>>, %arg36: memref<!tpu.dma_semaphore, #tpu.memory_space<semaphore_mem>>, %arg37: memref<!tpu.dma_semaphore, #tpu.memory_space<semaphore_mem>>, %arg38: memref<!tpu.dma_semaphore, #tpu.memory_space<semaphore_mem>>) attributes {dimension_semantics = [#tpu.dimension_semantics<core_parallel>, #tpu.dimension_semantics<subcore_parallel>], iteration_bounds = array<i64: 2, 16>, scalar_prefetch = 0 : i64, scratch_operands = 30 : i64, tpu.core_type = #tpu.core_type<sc_vector_subcore>, window_params = [{transform_indices = #map}, {transform_indices = #map}, {transform_indices = #map}, {transform_indices = #map1}, {transform_indices = #map1}, {transform_indices = #map}, {transform_indices = #map2}]} {
    %mul3A = arith.constant 2 : i32
    %mul3A_0 = arith.muli %arg1, %mul3A : i32
    %add3A = arith.addi %mul3A_0, %arg0 : i32
    %broadcast_in_dim3A = arith.constant 0.000000e+00 : f32
    %broadcast_in_dim3A_1 = vector.broadcast %broadcast_in_dim3A : f32 to vector<16xf32>
    %scan3A = arith.constant 0 : i32
    %scan3A_2 = arith.constant 0 : i32
    %scan3A_3 = arith.constant 32 : i32
    %scan3A_4 = arith.addi %scan3A_2, %scan3A_3 : i32
    %scan3A_5 = arith.constant 1 : i32
    scf.for %scan3A_428 = %scan3A_2 to %scan3A_4 step %scan3A_5  : i32 {
      %swap3A = arith.index_cast %scan3A_428 : i32 to index
      %swap3A_429 = arith.constant 0 : index
      %swap3A_430 = tpu.vector_load %arg21[%swap3A, %swap3A_429] {strides = array<i32>} : memref<32x128xf32, #tpu.memory_space<vmem>>, vector<1x16xf32>,
      %swap3A_431 = vector.shape_cast %swap3A_430 : vector<1x16xf32> to vector<16xf32>
      %swap3A_432 = vector.shape_cast %broadcast_in_dim3A_1 : vector<16xf32> to vector<1x16xf32>
      tpu.vector_store %arg21[%swap3A, %swap3A_429], %swap3A_432 {strides = array<i32>} : memref<32x128xf32, #tpu.memory_space<vmem>>, vector<1x16xf32>,
      %swap3A_433 = arith.index_cast %scan3A_428 : i32 to index
      %swap3A_434 = arith.constant 16 : index
      %swap3A_435 = tpu.vector_load %arg21[%swap3A_433, %swap3A_434] {strides = array<i32>} : memref<32x128xf32, #tpu.memory_space<vmem>>, vector<1x16xf32>,
      %swap3A_436 = vector.shape_cast %swap3A_435 : vector<1x16xf32> to vector<16xf32>
      %swap3A_437 = vector.shape_cast %broadcast_in_dim3A_1 : vector<16xf32> to vector<1x16xf32>
      tpu.vector_store %arg21[%swap3A_433, %swap3A_434], %swap3A_437 {strides = array<i32>} : memref<32x128xf32, #tpu.memory_space<vmem>>, vector<1x16xf32>,
      %swap3A_438 = arith.index_cast %scan3A_428 : i32 to index
      %swap3A_439 = arith.constant 32 : index
      %swap3A_440 = tpu.vector_load %arg21[%swap3A_438, %swap3A_439] {strides = array<i32>} : memref<32x128xf32, #tpu.memory_space<vmem>>, vector<1x16xf32>,
      %swap3A_441 = vector.shape_cast %swap3A_440 : vector<1x16xf32> to vector<16xf32>
      %swap3A_442 = vector.shape_cast %broadcast_in_dim3A_1 : vector<16xf32> to vector<1x16xf32>
      tpu.vector_store %arg21[%swap3A_438, %swap3A_439], %swap3A_442 {strides = array<i32>} : memref<32x128xf32, #tpu.memory_space<vmem>>, vector<1x16xf32>,
      %swap3A_443 = arith.index_cast %scan3A_428 : i32 to index
      %swap3A_444 = arith.constant 48 : index
      %swap3A_445 = tpu.vector_load %arg21[%swap3A_443, %swap3A_444] {strides = array<i32>} : memref<32x128xf32, #tpu.memory_space<vmem>>, vector<1x16xf32>,
      %swap3A_446 = vector.shape_cast %swap3A_445 : vector<1x16xf32> to vector<16xf32>
      %swap3A_447 = vector.shape_cast %broadcast_in_dim3A_1 : vector<16xf32> to vector<1x16xf32>
      tpu.vector_store %arg21[%swap3A_443, %swap3A_444], %swap3A_447 {strides = array<i32>} : memref<32x128xf32, #tpu.memory_space<vmem>>, vector<1x16xf32>,
      %swap3A_448 = arith.index_cast %scan3A_428 : i32 to index
      %swap3A_449 = arith.constant 64 : index
      %swap3A_450 = tpu.vector_load %arg21[%swap3A_448, %swap3A_449] {strides = array<i32>} : memref<32x128xf32, #tpu.memory_space<vmem>>, vector<1x16xf32>,
      %swap3A_451 = vector.shape_cast %swap3A_450 : vector<1x16xf32> to vector<16xf32>
      %swap3A_452 = vector.shape_cast %broadcast_in_dim3A_1 : vector<16xf32> to vector<1x16xf32>
      tpu.vector_store %arg21[%swap3A_448, %swap3A_449], %swap3A_452 {strides = array<i32>} : memref<32x128xf32, #tpu.memory_space<vmem>>, vector<1x16xf32>,
      %swap3A_453 = arith.index_cast %scan3A_428 : i32 to index
      %swap3A_454 = arith.constant 80 : index
      %swap3A_455 = tpu.vector_load %arg21[%swap3A_453, %swap3A_454] {strides = array<i32>} : memref<32x128xf32, #tpu.memory_space<vmem>>, vector<1x16xf32>,
      %swap3A_456 = vector.shape_cast %swap3A_455 : vector<1x16xf32> to vector<16xf32>
      %swap3A_457 = vector.shape_cast %broadcast_in_dim3A_1 : vector<16xf32> to vector<1x16xf32>
      tpu.vector_store %arg21[%swap3A_453, %swap3A_454], %swap3A_457 {strides = array<i32>} : memref<32x128xf32, #tpu.memory_space<vmem>>, vector<1x16xf32>,
      %swap3A_458 = arith.index_cast %scan3A_428 : i32 to index
      %swap3A_459 = arith.constant 96 : index
      %swap3A_460 = tpu.vector_load %arg21[%swap3A_458, %swap3A_459] {strides = array<i32>} : memref<32x128xf32, #tpu.memory_space<vmem>>, vector<1x16xf32>,
      %swap3A_461 = vector.shape_cast %swap3A_460 : vector<1x16xf32> to vector<16xf32>
      %swap3A_462 = vector.shape_cast %broadcast_in_dim3A_1 : vector<16xf32> to vector<1x16xf32>
      tpu.vector_store %arg21[%swap3A_458, %swap3A_459], %swap3A_462 {strides = array<i32>} : memref<32x128xf32, #tpu.memory_space<vmem>>, vector<1x16xf32>,
      %swap3A_463 = arith.index_cast %scan3A_428 : i32 to index
      %swap3A_464 = arith.constant 112 : index
      %swap3A_465 = tpu.vector_load %arg21[%swap3A_463, %swap3A_464] {strides = array<i32>} : memref<32x128xf32, #tpu.memory_space<vmem>>, vector<1x16xf32>,
      %swap3A_466 = vector.shape_cast %swap3A_465 : vector<1x16xf32> to vector<16xf32>
      %swap3A_467 = vector.shape_cast %broadcast_in_dim3A_1 : vector<16xf32> to vector<1x16xf32>
      tpu.vector_store %arg21[%swap3A_463, %swap3A_464], %swap3A_467 {strides = array<i32>} : memref<32x128xf32, #tpu.memory_space<vmem>>, vector<1x16xf32>,
    }
    %scan3A_6 = arith.constant 32 : i32
    %mul3A_7 = arith.constant 640 : i32
    %mul3A_8 = arith.muli %arg1, %mul3A_7 : i32
    %add3A_9 = arith.constant 0 : i32
    %add3A_10 = arith.addi %mul3A_8, %add3A_9 : i32
    "tpu.region"() ({
      %run_scoped3A = tpu.sem_alloc : memref<!tpu.dma_semaphore, #tpu.memory_space<semaphore_mem>>
      %dma_start3A_428 = arith.constant 0 : i32
      %dma_start3A_429 = tpu.memref_slice %arg22[%add3A_10, %dma_start3A_428] : memref<10240x128xf32, #tpu.memory_space<vmem_shared>> -> memref<32x128xf32, #tpu.memory_space<vmem_shared>>
      %dma_start3A_430 = arith.constant 0 : i32
      %dma_start3A_431 = tpu.memref_slice %arg22[%add3A_10, %dma_start3A_430] : memref<10240x128xf32, #tpu.memory_space<vmem_shared>> -> memref<32x128xf32, #tpu.memory_space<vmem_shared>>
      tpu.enqueue_dma source(%arg21 : memref<32x128xf32, #tpu.memory_space<vmem>>) target(%dma_start3A_431 : memref<32x128xf32, #tpu.memory_space<vmem_shared>>) target_semaphore(%run_scoped3A : memref<!tpu.dma_semaphore, #tpu.memory_space<semaphore_mem>>)
      %dma_wait3A_432 = arith.constant 0 : i32
      %dma_wait3A_433 = tpu.memref_slice %arg22[%add3A_10, %dma_wait3A_432] : memref<10240x128xf32, #tpu.memory_space<vmem_shared>> -> memref<32x128xf32, #tpu.memory_space<vmem_shared>>
      %dma_wait3A_434 = arith.constant 0 : i32
      %dma_wait3A_435 = tpu.memref_slice %arg22[%add3A_10, %dma_wait3A_434] : memref<10240x128xf32, #tpu.memory_space<vmem_shared>> -> memref<32x128xf32, #tpu.memory_space<vmem_shared>>
      tpu.wait_dma2 semaphore(%run_scoped3A : memref<!tpu.dma_semaphore, #tpu.memory_space<semaphore_mem>>) src(%arg21 : memref<32x128xf32, #tpu.memory_space<vmem>>) dst(%dma_wait3A_435 : memref<32x128xf32, #tpu.memory_space<vmem_shared>>)
      tpu.yield
    }) : () -> ()
    %mul3A_11 = arith.constant 640 : i32
    %mul3A_12 = arith.muli %arg1, %mul3A_11 : i32
    %add3A_13 = arith.constant 32 : i32
    %add3A_14 = arith.addi %mul3A_12, %add3A_13 : i32
    "tpu.region"() ({
      %run_scoped3A = tpu.sem_alloc : memref<!tpu.dma_semaphore, #tpu.memory_space<semaphore_mem>>
      %dma_start3A_428 = arith.constant 0 : i32
      %dma_start3A_429 = tpu.memref_slice %arg22[%add3A_14, %dma_start3A_428] : memref<10240x128xf32, #tpu.memory_space<vmem_shared>> -> memref<32x128xf32, #tpu.memory_space<vmem_shared>>
      %dma_start3A_430 = arith.constant 0 : i32
      %dma_start3A_431 = tpu.memref_slice %arg22[%add3A_14, %dma_start3A_430] : memref<10240x128xf32, #tpu.memory_space<vmem_shared>> -> memref<32x128xf32, #tpu.memory_space<vmem_shared>>
      tpu.enqueue_dma source(%arg21 : memref<32x128xf32, #tpu.memory_space<vmem>>) target(%dma_start3A_431 : memref<32x128xf32, #tpu.memory_space<vmem_shared>>) target_semaphore(%run_scoped3A : memref<!tpu.dma_semaphore, #tpu.memory_space<semaphore_mem>>)
      %dma_wait3A_432 = arith.constant 0 : i32
      %dma_wait3A_433 = tpu.memref_slice %arg22[%add3A_14, %dma_wait3A_432] : memref<10240x128xf32, #tpu.memory_space<vmem_shared>> -> memref<32x128xf32, #tpu.memory_space<vmem_shared>>
      %dma_wait3A_434 = arith.constant 0 : i32
      %dma_wait3A_435 = tpu.memref_slice %arg22[%add3A_14, %dma_wait3A_434] : memref<10240x128xf32, #tpu.memory_space<vmem_shared>> -> memref<32x128xf32, #tpu.memory_space<vmem_shared>>
      tpu.wait_dma2 semaphore(%run_scoped3A : memref<!tpu.dma_semaphore, #tpu.memory_space<semaphore_mem>>) src(%arg21 : memref<32x128xf32, #tpu.memory_space<vmem>>) dst(%dma_wait3A_435 : memref<32x128xf32, #tpu.memory_space<vmem_shared>>)
      tpu.yield
    }) : () -> ()
    %mul3A_15 = arith.constant 640 : i32
    %mul3A_16 = arith.muli %arg1, %mul3A_15 : i32
    %add3A_17 = arith.constant 64 : i32
    %add3A_18 = arith.addi %mul3A_16, %add3A_17 : i32
    "tpu.region"() ({
      %run_scoped3A = tpu.sem_alloc : memref<!tpu.dma_semaphore, #tpu.memory_space<semaphore_mem>>
      %dma_start3A_428 = arith.constant 0 : i32
      %dma_start3A_429 = tpu.memref_slice %arg22[%add3A_18, %dma_start3A_428] : memref<10240x128xf32, #tpu.memory_space<vmem_shared>> -> memref<32x128xf32, #tpu.memory_space<vmem_shared>>
      %dma_start3A_430 = arith.constant 0 : i32
      %dma_start3A_431 = tpu.memref_slice %arg22[%add3A_18, %dma_start3A_430] : memref<10240x128xf32, #tpu.memory_space<vmem_shared>> -> memref<32x128xf32, #tpu.memory_space<vmem_shared>>
      tpu.enqueue_dma source(%arg21 : memref<32x128xf32, #tpu.memory_space<vmem>>) target(%dma_start3A_431 : memref<32x128xf32, #tpu.memory_space<vmem_shared>>) target_semaphore(%run_scoped3A : memref<!tpu.dma_semaphore, #tpu.memory_space<semaphore_mem>>)
      %dma_wait3A_432 = arith.constant 0 : i32
      %dma_wait3A_433 = tpu.memref_slice %arg22[%add3A_18, %dma_wait3A_432] : memref<10240x128xf32, #tpu.memory_space<vmem_shared>> -> memref<32x128xf32, #tpu.memory_space<vmem_shared>>
      %dma_wait3A_434 = arith.constant 0 : i32
      %dma_wait3A_435 = tpu.memref_slice %arg22[%add3A_18, %dma_wait3A_434] : memref<10240x128xf32, #tpu.memory_space<vmem_shared>> -> memref<32x128xf32, #tpu.memory_space<vmem_shared>>
      tpu.wait_dma2 semaphore(%run_scoped3A : memref<!tpu.dma_semaphore, #tpu.memory_space<semaphore_mem>>) src(%arg21 : memref<32x128xf32, #tpu.memory_space<vmem>>) dst(%dma_wait3A_435 : memref<32x128xf32, #tpu.memory_space<vmem_shared>>)
      tpu.yield
    }) : () -> ()
    %mul3A_19 = arith.constant 640 : i32
    %mul3A_20 = arith.muli %arg1, %mul3A_19 : i32
    %add3A_21 = arith.constant 96 : i32
    %add3A_22 = arith.addi %mul3A_20, %add3A_21 : i32
    "tpu.region"() ({
      %run_scoped3A = tpu.sem_alloc : memref<!tpu.dma_semaphore, #tpu.memory_space<semaphore_mem>>
      %dma_start3A_428 = arith.constant 0 : i32
      %dma_start3A_429 = tpu.memref_slice %arg22[%add3A_22, %dma_start3A_428] : memref<10240x128xf32, #tpu.memory_space<vmem_shared>> -> memref<32x128xf32, #tpu.memory_space<vmem_shared>>
      %dma_start3A_430 = arith.constant 0 : i32
      %dma_start3A_431 = tpu.memref_slice %arg22[%add3A_22, %dma_start3A_430] : memref<10240x128xf32, #tpu.memory_space<vmem_shared>> -> memref<32x128xf32, #tpu.memory_space<vmem_shared>>
      tpu.enqueue_dma source(%arg21 : memref<32x128xf32, #tpu.memory_space<vmem>>) target(%dma_start3A_431 : memref<32x128xf32, #tpu.memory_space<vmem_shared>>) target_semaphore(%run_scoped3A : memref<!tpu.dma_semaphore, #tpu.memory_space<semaphore_mem>>)
      %dma_wait3A_432 = arith.constant 0 : i32
      %dma_wait3A_433 = tpu.memref_slice %arg22[%add3A_22, %dma_wait3A_432] : memref<10240x128xf32, #tpu.memory_space<vmem_shared>> -> memref<32x128xf32, #tpu.memory_space<vmem_shared>>
      %dma_wait3A_434 = arith.constant 0 : i32
      %dma_wait3A_435 = tpu.memref_slice %arg22[%add3A_22, %dma_wait3A_434] : memref<10240x128xf32, #tpu.memory_space<vmem_shared>> -> memref<32x128xf32, #tpu.memory_space<vmem_shared>>
      tpu.wait_dma2 semaphore(%run_scoped3A : memref<!tpu.dma_semaphore, #tpu.memory_space<semaphore_mem>>) src(%arg21 : memref<32x128xf32, #tpu.memory_space<vmem>>) dst(%dma_wait3A_435 : memref<32x128xf32, #tpu.memory_space<vmem_shared>>)
      tpu.yield
    }) : () -> ()
    %mul3A_23 = arith.constant 640 : i32
    %mul3A_24 = arith.muli %arg1, %mul3A_23 : i32
    %add3A_25 = arith.constant 128 : i32
    %add3A_26 = arith.addi %mul3A_24, %add3A_25 : i32
    "tpu.region"() ({
      %run_scoped3A = tpu.sem_alloc : memref<!tpu.dma_semaphore, #tpu.memory_space<semaphore_mem>>
      %dma_start3A_428 = arith.constant 0 : i32
      %dma_start3A_429 = tpu.memref_slice %arg22[%add3A_26, %dma_start3A_428] : memref<10240x128xf32, #tpu.memory_space<vmem_shared>> -> memref<32x128xf32, #tpu.memory_space<vmem_shared>>
      %dma_start3A_430 = arith.constant 0 : i32
      %dma_start3A_431 = tpu.memref_slice %arg22[%add3A_26, %dma_start3A_430] : memref<10240x128xf32, #tpu.memory_space<vmem_shared>> -> memref<32x128xf32, #tpu.memory_space<vmem_shared>>
      tpu.enqueue_dma source(%arg21 : memref<32x128xf32, #tpu.memory_space<vmem>>) target(%dma_start3A_431 : memref<32x128xf32, #tpu.memory_space<vmem_shared>>) target_semaphore(%run_scoped3A : memref<!tpu.dma_semaphore, #tpu.memory_space<semaphore_mem>>)
      %dma_wait3A_432 = arith.constant 0 : i32
      %dma_wait3A_433 = tpu.memref_slice %arg22[%add3A_26, %dma_wait3A_432] : memref<10240x128xf32, #tpu.memory_space<vmem_shared>> -> memref<32x128xf32, #tpu.memory_space<vmem_shared>>
      %dma_wait3A_434 = arith.constant 0 : i32
      %dma_wait3A_435 = tpu.memref_slice %arg22[%add3A_26, %dma_wait3A_434] : memref<10240x128xf32, #tpu.memory_space<vmem_shared>> -> memref<32x128xf32, #tpu.memory_space<vmem_shared>>
      tpu.wait_dma2 semaphore(%run_scoped3A : memref<!tpu.dma_semaphore, #tpu.memory_space<semaphore_mem>>) src(%arg21 : memref<32x128xf32, #tpu.memory_space<vmem>>) dst(%dma_wait3A_435 : memref<32x128xf32, #tpu.memory_space<vmem_shared>>)
      tpu.yield
    }) : () -> ()
    %mul3A_27 = arith.constant 640 : i32
    %mul3A_28 = arith.muli %arg1, %mul3A_27 : i32
    %add3A_29 = arith.constant 160 : i32
    %add3A_30 = arith.addi %mul3A_28, %add3A_29 : i32
    "tpu.region"() ({
      %run_scoped3A = tpu.sem_alloc : memref<!tpu.dma_semaphore, #tpu.memory_space<semaphore_mem>>
      %dma_start3A_428 = arith.constant 0 : i32
      %dma_start3A_429 = tpu.memref_slice %arg22[%add3A_30, %dma_start3A_428] : memref<10240x128xf32, #tpu.memory_space<vmem_shared>> -> memref<32x128xf32, #tpu.memory_space<vmem_shared>>
      %dma_start3A_430 = arith.constant 0 : i32
      %dma_start3A_431 = tpu.memref_slice %arg22[%add3A_30, %dma_start3A_430] : memref<10240x128xf32, #tpu.memory_space<vmem_shared>> -> memref<32x128xf32, #tpu.memory_space<vmem_shared>>
      tpu.enqueue_dma source(%arg21 : memref<32x128xf32, #tpu.memory_space<vmem>>) target(%dma_start3A_431 : memref<32x128xf32, #tpu.memory_space<vmem_shared>>) target_semaphore(%run_scoped3A : memref<!tpu.dma_semaphore, #tpu.memory_space<semaphore_mem>>)
      %dma_wait3A_432 = arith.constant 0 : i32
      %dma_wait3A_433 = tpu.memref_slice %arg22[%add3A_30, %dma_wait3A_432] : memref<10240x128xf32, #tpu.memory_space<vmem_shared>> -> memref<32x128xf32, #tpu.memory_space<vmem_shared>>
      %dma_wait3A_434 = arith.constant 0 : i32
      %dma_wait3A_435 = tpu.memref_slice %arg22[%add3A_30, %dma_wait3A_434] : memref<10240x128xf32, #tpu.memory_space<vmem_shared>> -> memref<32x128xf32, #tpu.memory_space<vmem_shared>>
      tpu.wait_dma2 semaphore(%run_scoped3A : memref<!tpu.dma_semaphore, #tpu.memory_space<semaphore_mem>>) src(%arg21 : memref<32x128xf32, #tpu.memory_space<vmem>>) dst(%dma_wait3A_435 : memref<32x128xf32, #tpu.memory_space<vmem_shared>>)
      tpu.yield
    }) : () -> ()
    %mul3A_31 = arith.constant 640 : i32
    %mul3A_32 = arith.muli %arg1, %mul3A_31 : i32
    %add3A_33 = arith.constant 192 : i32
    %add3A_34 = arith.addi %mul3A_32, %add3A_33 : i32
    "tpu.region"() ({
      %run_scoped3A = tpu.sem_alloc : memref<!tpu.dma_semaphore, #tpu.memory_space<semaphore_mem>>
      %dma_start3A_428 = arith.constant 0 : i32
      %dma_start3A_429 = tpu.memref_slice %arg22[%add3A_34, %dma_start3A_428] : memref<10240x128xf32, #tpu.memory_space<vmem_shared>> -> memref<32x128xf32, #tpu.memory_space<vmem_shared>>
      %dma_start3A_430 = arith.constant 0 : i32
      %dma_start3A_431 = tpu.memref_slice %arg22[%add3A_34, %dma_start3A_430] : memref<10240x128xf32, #tpu.memory_space<vmem_shared>> -> memref<32x128xf32, #tpu.memory_space<vmem_shared>>
      tpu.enqueue_dma source(%arg21 : memref<32x128xf32, #tpu.memory_space<vmem>>) target(%dma_start3A_431 : memref<32x128xf32, #tpu.memory_space<vmem_shared>>) target_semaphore(%run_scoped3A : memref<!tpu.dma_semaphore, #tpu.memory_space<semaphore_mem>>)
      %dma_wait3A_432 = arith.constant 0 : i32
      %dma_wait3A_433 = tpu.memref_slice %arg22[%add3A_34, %dma_wait3A_432] : memref<10240x128xf32, #tpu.memory_space<vmem_shared>> -> memref<32x128xf32, #tpu.memory_space<vmem_shared>>
      %dma_wait3A_434 = arith.constant 0 : i32
      %dma_wait3A_435 = tpu.memref_slice %arg22[%add3A_34, %dma_wait3A_434] : memref<10240x128xf32, #tpu.memory_space<vmem_shared>> -> memref<32x128xf32, #tpu.memory_space<vmem_shared>>
      tpu.wait_dma2 semaphore(%run_scoped3A : memref<!tpu.dma_semaphore, #tpu.memory_space<semaphore_mem>>) src(%arg21 : memref<32x128xf32, #tpu.memory_space<vmem>>) dst(%dma_wait3A_435 : memref<32x128xf32, #tpu.memory_space<vmem_shared>>)
      tpu.yield
    }) : () -> ()
    %mul3A_35 = arith.constant 640 : i32
    %mul3A_36 = arith.muli %arg1, %mul3A_35 : i32
    %add3A_37 = arith.constant 224 : i32
    %add3A_38 = arith.addi %mul3A_36, %add3A_37 : i32
    "tpu.region"() ({
      %run_scoped3A = tpu.sem_alloc : memref<!tpu.dma_semaphore, #tpu.memory_space<semaphore_mem>>
      %dma_start3A_428 = arith.constant 0 : i32
      %dma_start3A_429 = tpu.memref_slice %arg22[%add3A_38, %dma_start3A_428] : memref<10240x128xf32, #tpu.memory_space<vmem_shared>> -> memref<32x128xf32, #tpu.memory_space<vmem_shared>>
      %dma_start3A_430 = arith.constant 0 : i32
      %dma_start3A_431 = tpu.memref_slice %arg22[%add3A_38, %dma_start3A_430] : memref<10240x128xf32, #tpu.memory_space<vmem_shared>> -> memref<32x128xf32, #tpu.memory_space<vmem_shared>>
      tpu.enqueue_dma source(%arg21 : memref<32x128xf32, #tpu.memory_space<vmem>>) target(%dma_start3A_431 : memref<32x128xf32, #tpu.memory_space<vmem_shared>>) target_semaphore(%run_scoped3A : memref<!tpu.dma_semaphore, #tpu.memory_space<semaphore_mem>>)
      %dma_wait3A_432 = arith.constant 0 : i32
      %dma_wait3A_433 = tpu.memref_slice %arg22[%add3A_38, %dma_wait3A_432] : memref<10240x128xf32, #tpu.memory_space<vmem_shared>> -> memref<32x128xf32, #tpu.memory_space<vmem_shared>>
      %dma_wait3A_434 = arith.constant 0 : i32
      %dma_wait3A_435 = tpu.memref_slice %arg22[%add3A_38, %dma_wait3A_434] : memref<10240x128xf32, #tpu.memory_space<vmem_shared>> -> memref<32x128xf32, #tpu.memory_space<vmem_shared>>
      tpu.wait_dma2 semaphore(%run_scoped3A : memref<!tpu.dma_semaphore, #tpu.memory_space<semaphore_mem>>) src(%arg21 : memref<32x128xf32, #tpu.memory_space<vmem>>) dst(%dma_wait3A_435 : memref<32x128xf32, #tpu.memory_space<vmem_shared>>)
      tpu.yield
    }) : () -> ()
    %mul3A_39 = arith.constant 640 : i32
    %mul3A_40 = arith.muli %arg1, %mul3A_39 : i32
    %add3A_41 = arith.constant 256 : i32
    %add3A_42 = arith.addi %mul3A_40, %add3A_41 : i32
    "tpu.region"() ({
      %run_scoped3A = tpu.sem_alloc : memref<!tpu.dma_semaphore, #tpu.memory_space<semaphore_mem>>
      %dma_start3A_428 = arith.constant 0 : i32
      %dma_start3A_429 = tpu.memref_slice %arg22[%add3A_42, %dma_start3A_428] : memref<10240x128xf32, #tpu.memory_space<vmem_shared>> -> memref<32x128xf32, #tpu.memory_space<vmem_shared>>
      %dma_start3A_430 = arith.constant 0 : i32
      %dma_start3A_431 = tpu.memref_slice %arg22[%add3A_42, %dma_start3A_430] : memref<10240x128xf32, #tpu.memory_space<vmem_shared>> -> memref<32x128xf32, #tpu.memory_space<vmem_shared>>
      tpu.enqueue_dma source(%arg21 : memref<32x128xf32, #tpu.memory_space<vmem>>) target(%dma_start3A_431 : memref<32x128xf32, #tpu.memory_space<vmem_shared>>) target_semaphore(%run_scoped3A : memref<!tpu.dma_semaphore, #tpu.memory_space<semaphore_mem>>)
      %dma_wait3A_432 = arith.constant 0 : i32
      %dma_wait3A_433 = tpu.memref_slice %arg22[%add3A_42, %dma_wait3A_432] : memref<10240x128xf32, #tpu.memory_space<vmem_shared>> -> memref<32x128xf32, #tpu.memory_space<vmem_shared>>
      %dma_wait3A_434 = arith.constant 0 : i32
      %dma_wait3A_435 = tpu.memref_slice %arg22[%add3A_42, %dma_wait3A_434] : memref<10240x128xf32, #tpu.memory_space<vmem_shared>> -> memref<32x128xf32, #tpu.memory_space<vmem_shared>>
      tpu.wait_dma2 semaphore(%run_scoped3A : memref<!tpu.dma_semaphore, #tpu.memory_space<semaphore_mem>>) src(%arg21 : memref<32x128xf32, #tpu.memory_space<vmem>>) dst(%dma_wait3A_435 : memref<32x128xf32, #tpu.memory_space<vmem_shared>>)
      tpu.yield
    }) : () -> ()
    %mul3A_43 = arith.constant 640 : i32
    %mul3A_44 = arith.muli %arg1, %mul3A_43 : i32
    %add3A_45 = arith.constant 288 : i32
    %add3A_46 = arith.addi %mul3A_44, %add3A_45 : i32
    "tpu.region"() ({
      %run_scoped3A = tpu.sem_alloc : memref<!tpu.dma_semaphore, #tpu.memory_space<semaphore_mem>>
      %dma_start3A_428 = arith.constant 0 : i32
      %dma_start3A_429 = tpu.memref_slice %arg22[%add3A_46, %dma_start3A_428] : memref<10240x128xf32, #tpu.memory_space<vmem_shared>> -> memref<32x128xf32, #tpu.memory_space<vmem_shared>>
      %dma_start3A_430 = arith.constant 0 : i32
      %dma_start3A_431 = tpu.memref_slice %arg22[%add3A_46, %dma_start3A_430] : memref<10240x128xf32, #tpu.memory_space<vmem_shared>> -> memref<32x128xf32, #tpu.memory_space<vmem_shared>>
      tpu.enqueue_dma source(%arg21 : memref<32x128xf32, #tpu.memory_space<vmem>>) target(%dma_start3A_431 : memref<32x128xf32, #tpu.memory_space<vmem_shared>>) target_semaphore(%run_scoped3A : memref<!tpu.dma_semaphore, #tpu.memory_space<semaphore_mem>>)
      %dma_wait3A_432 = arith.constant 0 : i32
      %dma_wait3A_433 = tpu.memref_slice %arg22[%add3A_46, %dma_wait3A_432] : memref<10240x128xf32, #tpu.memory_space<vmem_shared>> -> memref<32x128xf32, #tpu.memory_space<vmem_shared>>
      %dma_wait3A_434 = arith.constant 0 : i32
      %dma_wait3A_435 = tpu.memref_slice %arg22[%add3A_46, %dma_wait3A_434] : memref<10240x128xf32, #tpu.memory_space<vmem_shared>> -> memref<32x128xf32, #tpu.memory_space<vmem_shared>>
      tpu.wait_dma2 semaphore(%run_scoped3A : memref<!tpu.dma_semaphore, #tpu.memory_space<semaphore_mem>>) src(%arg21 : memref<32x128xf32, #tpu.memory_space<vmem>>) dst(%dma_wait3A_435 : memref<32x128xf32, #tpu.memory_space<vmem_shared>>)
      tpu.yield
    }) : () -> ()
    %mul3A_47 = arith.constant 640 : i32
    %mul3A_48 = arith.muli %arg1, %mul3A_47 : i32
    %add3A_49 = arith.constant 320 : i32
    %add3A_50 = arith.addi %mul3A_48, %add3A_49 : i32
    "tpu.region"() ({
      %run_scoped3A = tpu.sem_alloc : memref<!tpu.dma_semaphore, #tpu.memory_space<semaphore_mem>>
      %dma_start3A_428 = arith.constant 0 : i32
      %dma_start3A_429 = tpu.memref_slice %arg22[%add3A_50, %dma_start3A_428] : memref<10240x128xf32, #tpu.memory_space<vmem_shared>> -> memref<32x128xf32, #tpu.memory_space<vmem_shared>>
      %dma_start3A_430 = arith.constant 0 : i32
      %dma_start3A_431 = tpu.memref_slice %arg22[%add3A_50, %dma_start3A_430] : memref<10240x128xf32, #tpu.memory_space<vmem_shared>> -> memref<32x128xf32, #tpu.memory_space<vmem_shared>>
      tpu.enqueue_dma source(%arg21 : memref<32x128xf32, #tpu.memory_space<vmem>>) target(%dma_start3A_431 : memref<32x128xf32, #tpu.memory_space<vmem_shared>>) target_semaphore(%run_scoped3A : memref<!tpu.dma_semaphore, #tpu.memory_space<semaphore_mem>>)
      %dma_wait3A_432 = arith.constant 0 : i32
      %dma_wait3A_433 = tpu.memref_slice %arg22[%add3A_50, %dma_wait3A_432] : memref<10240x128xf32, #tpu.memory_space<vmem_shared>> -> memref<32x128xf32, #tpu.memory_space<vmem_shared>>
      %dma_wait3A_434 = arith.constant 0 : i32
      %dma_wait3A_435 = tpu.memref_slice %arg22[%add3A_50, %dma_wait3A_434] : memref<10240x128xf32, #tpu.memory_space<vmem_shared>> -> memref<32x128xf32, #tpu.memory_space<vmem_shared>>
      tpu.wait_dma2 semaphore(%run_scoped3A : memref<!tpu.dma_semaphore, #tpu.memory_space<semaphore_mem>>) src(%arg21 : memref<32x128xf32, #tpu.memory_space<vmem>>) dst(%dma_wait3A_435 : memref<32x128xf32, #tpu.memory_space<vmem_shared>>)
      tpu.yield
    }) : () -> ()
    %mul3A_51 = arith.constant 640 : i32
    %mul3A_52 = arith.muli %arg1, %mul3A_51 : i32
    %add3A_53 = arith.constant 352 : i32
    %add3A_54 = arith.addi %mul3A_52, %add3A_53 : i32
    "tpu.region"() ({
      %run_scoped3A = tpu.sem_alloc : memref<!tpu.dma_semaphore, #tpu.memory_space<semaphore_mem>>
      %dma_start3A_428 = arith.constant 0 : i32
      %dma_start3A_429 = tpu.memref_slice %arg22[%add3A_54, %dma_start3A_428] : memref<10240x128xf32, #tpu.memory_space<vmem_shared>> -> memref<32x128xf32, #tpu.memory_space<vmem_shared>>
      %dma_start3A_430 = arith.constant 0 : i32
      %dma_start3A_431 = tpu.memref_slice %arg22[%add3A_54, %dma_start3A_430] : memref<10240x128xf32, #tpu.memory_space<vmem_shared>> -> memref<32x128xf32, #tpu.memory_space<vmem_shared>>
      tpu.enqueue_dma source(%arg21 : memref<32x128xf32, #tpu.memory_space<vmem>>) target(%dma_start3A_431 : memref<32x128xf32, #tpu.memory_space<vmem_shared>>) target_semaphore(%run_scoped3A : memref<!tpu.dma_semaphore, #tpu.memory_space<semaphore_mem>>)
      %dma_wait3A_432 = arith.constant 0 : i32
      %dma_wait3A_433 = tpu.memref_slice %arg22[%add3A_54, %dma_wait3A_432] : memref<10240x128xf32, #tpu.memory_space<vmem_shared>> -> memref<32x128xf32, #tpu.memory_space<vmem_shared>>
      %dma_wait3A_434 = arith.constant 0 : i32
      %dma_wait3A_435 = tpu.memref_slice %arg22[%add3A_54, %dma_wait3A_434] : memref<10240x128xf32, #tpu.memory_space<vmem_shared>> -> memref<32x128xf32, #tpu.memory_space<vmem_shared>>
      tpu.wait_dma2 semaphore(%run_scoped3A : memref<!tpu.dma_semaphore, #tpu.memory_space<semaphore_mem>>) src(%arg21 : memref<32x128xf32, #tpu.memory_space<vmem>>) dst(%dma_wait3A_435 : memref<32x128xf32, #tpu.memory_space<vmem_shared>>)
      tpu.yield
    }) : () -> ()
    %mul3A_55 = arith.constant 640 : i32
    %mul3A_56 = arith.muli %arg1, %mul3A_55 : i32
    %add3A_57 = arith.constant 384 : i32
    %add3A_58 = arith.addi %mul3A_56, %add3A_57 : i32
    "tpu.region"() ({
      %run_scoped3A = tpu.sem_alloc : memref<!tpu.dma_semaphore, #tpu.memory_space<semaphore_mem>>
      %dma_start3A_428 = arith.constant 0 : i32
      %dma_start3A_429 = tpu.memref_slice %arg22[%add3A_58, %dma_start3A_428] : memref<10240x128xf32, #tpu.memory_space<vmem_shared>> -> memref<32x128xf32, #tpu.memory_space<vmem_shared>>
      %dma_start3A_430 = arith.constant 0 : i32
      %dma_start3A_431 = tpu.memref_slice %arg22[%add3A_58, %dma_start3A_430] : memref<10240x128xf32, #tpu.memory_space<vmem_shared>> -> memref<32x128xf32, #tpu.memory_space<vmem_shared>>
      tpu.enqueue_dma source(%arg21 : memref<32x128xf32, #tpu.memory_space<vmem>>) target(%dma_start3A_431 : memref<32x128xf32, #tpu.memory_space<vmem_shared>>) target_semaphore(%run_scoped3A : memref<!tpu.dma_semaphore, #tpu.memory_space<semaphore_mem>>)
      %dma_wait3A_432 = arith.constant 0 : i32
      %dma_wait3A_433 = tpu.memref_slice %arg22[%add3A_58, %dma_wait3A_432] : memref<10240x128xf32, #tpu.memory_space<vmem_shared>> -> memref<32x128xf32, #tpu.memory_space<vmem_shared>>
      %dma_wait3A_434 = arith.constant 0 : i32
      %dma_wait3A_435 = tpu.memref_slice %arg22[%add3A_58, %dma_wait3A_434] : memref<10240x128xf32, #tpu.memory_space<vmem_shared>> -> memref<32x128xf32, #tpu.memory_space<vmem_shared>>
      tpu.wait_dma2 semaphore(%run_scoped3A : memref<!tpu.dma_semaphore, #tpu.memory_space<semaphore_mem>>) src(%arg21 : memref<32x128xf32, #tpu.memory_space<vmem>>) dst(%dma_wait3A_435 : memref<32x128xf32, #tpu.memory_space<vmem_shared>>)
      tpu.yield
    }) : () -> ()
    %mul3A_59 = arith.constant 640 : i32
    %mul3A_60 = arith.muli %arg1, %mul3A_59 : i32
    %add3A_61 = arith.constant 416 : i32
    %add3A_62 = arith.addi %mul3A_60, %add3A_61 : i32
    "tpu.region"() ({
      %run_scoped3A = tpu.sem_alloc : memref<!tpu.dma_semaphore, #tpu.memory_space<semaphore_mem>>
      %dma_start3A_428 = arith.constant 0 : i32
      %dma_start3A_429 = tpu.memref_slice %arg22[%add3A_62, %dma_start3A_428] : memref<10240x128xf32, #tpu.memory_space<vmem_shared>> -> memref<32x128xf32, #tpu.memory_space<vmem_shared>>
      %dma_start3A_430 = arith.constant 0 : i32
      %dma_start3A_431 = tpu.memref_slice %arg22[%add3A_62, %dma_start3A_430] : memref<10240x128xf32, #tpu.memory_space<vmem_shared>> -> memref<32x128xf32, #tpu.memory_space<vmem_shared>>
      tpu.enqueue_dma source(%arg21 : memref<32x128xf32, #tpu.memory_space<vmem>>) target(%dma_start3A_431 : memref<32x128xf32, #tpu.memory_space<vmem_shared>>) target_semaphore(%run_scoped3A : memref<!tpu.dma_semaphore, #tpu.memory_space<semaphore_mem>>)
      %dma_wait3A_432 = arith.constant 0 : i32
      %dma_wait3A_433 = tpu.memref_slice %arg22[%add3A_62, %dma_wait3A_432] : memref<10240x128xf32, #tpu.memory_space<vmem_shared>> -> memref<32x128xf32, #tpu.memory_space<vmem_shared>>
      %dma_wait3A_434 = arith.constant 0 : i32
      %dma_wait3A_435 = tpu.memref_slice %arg22[%add3A_62, %dma_wait3A_434] : memref<10240x128xf32, #tpu.memory_space<vmem_shared>> -> memref<32x128xf32, #tpu.memory_space<vmem_shared>>
      tpu.wait_dma2 semaphore(%run_scoped3A : memref<!tpu.dma_semaphore, #tpu.memory_space<semaphore_mem>>) src(%arg21 : memref<32x128xf32, #tpu.memory_space<vmem>>) dst(%dma_wait3A_435 : memref<32x128xf32, #tpu.memory_space<vmem_shared>>)
      tpu.yield
    }) : () -> ()
    %mul3A_63 = arith.constant 640 : i32
    %mul3A_64 = arith.muli %arg1, %mul3A_63 : i32
    %add3A_65 = arith.constant 448 : i32
    %add3A_66 = arith.addi %mul3A_64, %add3A_65 : i32
    "tpu.region"() ({
      %run_scoped3A = tpu.sem_alloc : memref<!tpu.dma_semaphore, #tpu.memory_space<semaphore_mem>>
      %dma_start3A_428 = arith.constant 0 : i32
      %dma_start3A_429 = tpu.memref_slice %arg22[%add3A_66, %dma_start3A_428] : memref<10240x128xf32, #tpu.memory_space<vmem_shared>> -> memref<32x128xf32, #tpu.memory_space<vmem_shared>>
      %dma_start3A_430 = arith.constant 0 : i32
      %dma_start3A_431 = tpu.memref_slice %arg22[%add3A_66, %dma_start3A_430] : memref<10240x128xf32, #tpu.memory_space<vmem_shared>> -> memref<32x128xf32, #tpu.memory_space<vmem_shared>>
      tpu.enqueue_dma source(%arg21 : memref<32x128xf32, #tpu.memory_space<vmem>>) target(%dma_start3A_431 : memref<32x128xf32, #tpu.memory_space<vmem_shared>>) target_semaphore(%run_scoped3A : memref<!tpu.dma_semaphore, #tpu.memory_space<semaphore_mem>>)
      %dma_wait3A_432 = arith.constant 0 : i32
      %dma_wait3A_433 = tpu.memref_slice %arg22[%add3A_66, %dma_wait3A_432] : memref<10240x128xf32, #tpu.memory_space<vmem_shared>> -> memref<32x128xf32, #tpu.memory_space<vmem_shared>>
      %dma_wait3A_434 = arith.constant 0 : i32
      %dma_wait3A_435 = tpu.memref_slice %arg22[%add3A_66, %dma_wait3A_434] : memref<10240x128xf32, #tpu.memory_space<vmem_shared>> -> memref<32x128xf32, #tpu.memory_space<vmem_shared>>
      tpu.wait_dma2 semaphore(%run_scoped3A : memref<!tpu.dma_semaphore, #tpu.memory_space<semaphore_mem>>) src(%arg21 : memref<32x128xf32, #tpu.memory_space<vmem>>) dst(%dma_wait3A_435 : memref<32x128xf32, #tpu.memory_space<vmem_shared>>)
      tpu.yield
    }) : () -> ()
    %mul3A_67 = arith.constant 640 : i32
    %mul3A_68 = arith.muli %arg1, %mul3A_67 : i32
    %add3A_69 = arith.constant 480 : i32
    %add3A_70 = arith.addi %mul3A_68, %add3A_69 : i32
    "tpu.region"() ({
      %run_scoped3A = tpu.sem_alloc : memref<!tpu.dma_semaphore, #tpu.memory_space<semaphore_mem>>
      %dma_start3A_428 = arith.constant 0 : i32
      %dma_start3A_429 = tpu.memref_slice %arg22[%add3A_70, %dma_start3A_428] : memref<10240x128xf32, #tpu.memory_space<vmem_shared>> -> memref<32x128xf32, #tpu.memory_space<vmem_shared>>
      %dma_start3A_430 = arith.constant 0 : i32
      %dma_start3A_431 = tpu.memref_slice %arg22[%add3A_70, %dma_start3A_430] : memref<10240x128xf32, #tpu.memory_space<vmem_shared>> -> memref<32x128xf32, #tpu.memory_space<vmem_shared>>
      tpu.enqueue_dma source(%arg21 : memref<32x128xf32, #tpu.memory_space<vmem>>) target(%dma_start3A_431 : memref<32x128xf32, #tpu.memory_space<vmem_shared>>) target_semaphore(%run_scoped3A : memref<!tpu.dma_semaphore, #tpu.memory_space<semaphore_mem>>)
      %dma_wait3A_432 = arith.constant 0 : i32
      %dma_wait3A_433 = tpu.memref_slice %arg22[%add3A_70, %dma_wait3A_432] : memref<10240x128xf32, #tpu.memory_space<vmem_shared>> -> memref<32x128xf32, #tpu.memory_space<vmem_shared>>
      %dma_wait3A_434 = arith.constant 0 : i32
      %dma_wait3A_435 = tpu.memref_slice %arg22[%add3A_70, %dma_wait3A_434] : memref<10240x128xf32, #tpu.memory_space<vmem_shared>> -> memref<32x128xf32, #tpu.memory_space<vmem_shared>>
      tpu.wait_dma2 semaphore(%run_scoped3A : memref<!tpu.dma_semaphore, #tpu.memory_space<semaphore_mem>>) src(%arg21 : memref<32x128xf32, #tpu.memory_space<vmem>>) dst(%dma_wait3A_435 : memref<32x128xf32, #tpu.memory_space<vmem_shared>>)
      tpu.yield
    }) : () -> ()
    %mul3A_71 = arith.constant 640 : i32
    %mul3A_72 = arith.muli %arg1, %mul3A_71 : i32
    %add3A_73 = arith.constant 512 : i32
    %add3A_74 = arith.addi %mul3A_72, %add3A_73 : i32
    "tpu.region"() ({
      %run_scoped3A = tpu.sem_alloc : memref<!tpu.dma_semaphore, #tpu.memory_space<semaphore_mem>>
      %dma_start3A_428 = arith.constant 0 : i32
      %dma_start3A_429 = tpu.memref_slice %arg22[%add3A_74, %dma_start3A_428] : memref<10240x128xf32, #tpu.memory_space<vmem_shared>> -> memref<32x128xf32, #tpu.memory_space<vmem_shared>>
      %dma_start3A_430 = arith.constant 0 : i32
      %dma_start3A_431 = tpu.memref_slice %arg22[%add3A_74, %dma_start3A_430] : memref<10240x128xf32, #tpu.memory_space<vmem_shared>> -> memref<32x128xf32, #tpu.memory_space<vmem_shared>>
      tpu.enqueue_dma source(%arg21 : memref<32x128xf32, #tpu.memory_space<vmem>>) target(%dma_start3A_431 : memref<32x128xf32, #tpu.memory_space<vmem_shared>>) target_semaphore(%run_scoped3A : memref<!tpu.dma_semaphore, #tpu.memory_space<semaphore_mem>>)
      %dma_wait3A_432 = arith.constant 0 : i32
      %dma_wait3A_433 = tpu.memref_slice %arg22[%add3A_74, %dma_wait3A_432] : memref<10240x128xf32, #tpu.memory_space<vmem_shared>> -> memref<32x128xf32, #tpu.memory_space<vmem_shared>>
      %dma_wait3A_434 = arith.constant 0 : i32
      %dma_wait3A_435 = tpu.memref_slice %arg22[%add3A_74, %dma_wait3A_434] : memref<10240x128xf32, #tpu.memory_space<vmem_shared>> -> memref<32x128xf32, #tpu.memory_space<vmem_shared>>
      tpu.wait_dma2 semaphore(%run_scoped3A : memref<!tpu.dma_semaphore, #tpu.memory_space<semaphore_mem>>) src(%arg21 : memref<32x128xf32, #tpu.memory_space<vmem>>) dst(%dma_wait3A_435 : memref<32x128xf32, #tpu.memory_space<vmem_shared>>)
      tpu.yield
    }) : () -> ()
    %mul3A_75 = arith.constant 640 : i32
    %mul3A_76 = arith.muli %arg1, %mul3A_75 : i32
    %add3A_77 = arith.constant 544 : i32
    %add3A_78 = arith.addi %mul3A_76, %add3A_77 : i32
    "tpu.region"() ({
      %run_scoped3A = tpu.sem_alloc : memref<!tpu.dma_semaphore, #tpu.memory_space<semaphore_mem>>
      %dma_start3A_428 = arith.constant 0 : i32
      %dma_start3A_429 = tpu.memref_slice %arg22[%add3A_78, %dma_start3A_428] : memref<10240x128xf32, #tpu.memory_space<vmem_shared>> -> memref<32x128xf32, #tpu.memory_space<vmem_shared>>
      %dma_start3A_430 = arith.constant 0 : i32
      %dma_start3A_431 = tpu.memref_slice %arg22[%add3A_78, %dma_start3A_430] : memref<10240x128xf32, #tpu.memory_space<vmem_shared>> -> memref<32x128xf32, #tpu.memory_space<vmem_shared>>
      tpu.enqueue_dma source(%arg21 : memref<32x128xf32, #tpu.memory_space<vmem>>) target(%dma_start3A_431 : memref<32x128xf32, #tpu.memory_space<vmem_shared>>) target_semaphore(%run_scoped3A : memref<!tpu.dma_semaphore, #tpu.memory_space<semaphore_mem>>)
      %dma_wait3A_432 = arith.constant 0 : i32
      %dma_wait3A_433 = tpu.memref_slice %arg22[%add3A_78, %dma_wait3A_432] : memref<10240x128xf32, #tpu.memory_space<vmem_shared>> -> memref<32x128xf32, #tpu.memory_space<vmem_shared>>
      %dma_wait3A_434 = arith.constant 0 : i32
      %dma_wait3A_435 = tpu.memref_slice %arg22[%add3A_78, %dma_wait3A_434] : memref<10240x128xf32, #tpu.memory_space<vmem_shared>> -> memref<32x128xf32, #tpu.memory_space<vmem_shared>>
      tpu.wait_dma2 semaphore(%run_scoped3A : memref<!tpu.dma_semaphore, #tpu.memory_space<semaphore_mem>>) src(%arg21 : memref<32x128xf32, #tpu.memory_space<vmem>>) dst(%dma_wait3A_435 : memref<32x128xf32, #tpu.memory_space<vmem_shared>>)
      tpu.yield
    }) : () -> ()
    %mul3A_79 = arith.constant 640 : i32
    %mul3A_80 = arith.muli %arg1, %mul3A_79 : i32
    %add3A_81 = arith.constant 576 : i32
    %add3A_82 = arith.addi %mul3A_80, %add3A_81 : i32
    "tpu.region"() ({
      %run_scoped3A = tpu.sem_alloc : memref<!tpu.dma_semaphore, #tpu.memory_space<semaphore_mem>>
      %dma_start3A_428 = arith.constant 0 : i32
      %dma_start3A_429 = tpu.memref_slice %arg22[%add3A_82, %dma_start3A_428] : memref<10240x128xf32, #tpu.memory_space<vmem_shared>> -> memref<32x128xf32, #tpu.memory_space<vmem_shared>>
      %dma_start3A_430 = arith.constant 0 : i32
      %dma_start3A_431 = tpu.memref_slice %arg22[%add3A_82, %dma_start3A_430] : memref<10240x128xf32, #tpu.memory_space<vmem_shared>> -> memref<32x128xf32, #tpu.memory_space<vmem_shared>>
      tpu.enqueue_dma source(%arg21 : memref<32x128xf32, #tpu.memory_space<vmem>>) target(%dma_start3A_431 : memref<32x128xf32, #tpu.memory_space<vmem_shared>>) target_semaphore(%run_scoped3A : memref<!tpu.dma_semaphore, #tpu.memory_space<semaphore_mem>>)
      %dma_wait3A_432 = arith.constant 0 : i32
      %dma_wait3A_433 = tpu.memref_slice %arg22[%add3A_82, %dma_wait3A_432] : memref<10240x128xf32, #tpu.memory_space<vmem_shared>> -> memref<32x128xf32, #tpu.memory_space<vmem_shared>>
      %dma_wait3A_434 = arith.constant 0 : i32
      %dma_wait3A_435 = tpu.memref_slice %arg22[%add3A_82, %dma_wait3A_434] : memref<10240x128xf32, #tpu.memory_space<vmem_shared>> -> memref<32x128xf32, #tpu.memory_space<vmem_shared>>
      tpu.wait_dma2 semaphore(%run_scoped3A : memref<!tpu.dma_semaphore, #tpu.memory_space<semaphore_mem>>) src(%arg21 : memref<32x128xf32, #tpu.memory_space<vmem>>) dst(%dma_wait3A_435 : memref<32x128xf32, #tpu.memory_space<vmem_shared>>)
      tpu.yield
    }) : () -> ()
    %mul3A_83 = arith.constant 640 : i32
    %mul3A_84 = arith.muli %arg1, %mul3A_83 : i32
    %add3A_85 = arith.constant 608 : i32
    %add3A_86 = arith.addi %mul3A_84, %add3A_85 : i32
    "tpu.region"() ({
      %run_scoped3A = tpu.sem_alloc : memref<!tpu.dma_semaphore, #tpu.memory_space<semaphore_mem>>
      %dma_start3A_428 = arith.constant 0 : i32
      %dma_start3A_429 = tpu.memref_slice %arg22[%add3A_86, %dma_start3A_428] : memref<10240x128xf32, #tpu.memory_space<vmem_shared>> -> memref<32x128xf32, #tpu.memory_space<vmem_shared>>
      %dma_start3A_430 = arith.constant 0 : i32
      %dma_start3A_431 = tpu.memref_slice %arg22[%add3A_86, %dma_start3A_430] : memref<10240x128xf32, #tpu.memory_space<vmem_shared>> -> memref<32x128xf32, #tpu.memory_space<vmem_shared>>
      tpu.enqueue_dma source(%arg21 : memref<32x128xf32, #tpu.memory_space<vmem>>) target(%dma_start3A_431 : memref<32x128xf32, #tpu.memory_space<vmem_shared>>) target_semaphore(%run_scoped3A : memref<!tpu.dma_semaphore, #tpu.memory_space<semaphore_mem>>)
      %dma_wait3A_432 = arith.constant 0 : i32
      %dma_wait3A_433 = tpu.memref_slice %arg22[%add3A_86, %dma_wait3A_432] : memref<10240x128xf32, #tpu.memory_space<vmem_shared>> -> memref<32x128xf32, #tpu.memory_space<vmem_shared>>
      %dma_wait3A_434 = arith.constant 0 : i32
      %dma_wait3A_435 = tpu.memref_slice %arg22[%add3A_86, %dma_wait3A_434] : memref<10240x128xf32, #tpu.memory_space<vmem_shared>> -> memref<32x128xf32, #tpu.memory_space<vmem_shared>>
      tpu.wait_dma2 semaphore(%run_scoped3A : memref<!tpu.dma_semaphore, #tpu.memory_space<semaphore_mem>>) src(%arg21 : memref<32x128xf32, #tpu.memory_space<vmem>>) dst(%dma_wait3A_435 : memref<32x128xf32, #tpu.memory_space<vmem_shared>>)
      tpu.yield
    }) : () -> ()
    %barrier3A = arith.constant 0 : index
    tpu.barrier barrier_id(%barrier3A)
    %mul3A_87 = arith.constant 10000 : i32
    %mul3A_88 = arith.muli %add3A, %mul3A_87 : i32
    %add3A_89 = arith.constant 0 : i32
    %add3A_90 = arith.addi %mul3A_88, %add3A_89 : i32
    %dma_start3A = tpu.memref_slice %arg6[%add3A_90] : memref<320000xi32, #tpu.memory_space<hbm>> -> memref<80xi32, #tpu.memory_space<hbm>>
    %dma_start3A_91 = tpu.memref_slice %arg6[%add3A_90] : memref<320000xi32, #tpu.memory_space<hbm>> -> memref<80xi32, #tpu.memory_space<hbm>>
    tpu.enqueue_dma source(%dma_start3A_91 : memref<80xi32, #tpu.memory_space<hbm>>) target(%arg9 : memref<80xi32, #tpu.memory_space<vmem>>) target_semaphore(%arg23 : memref<!tpu.dma_semaphore, #tpu.memory_space<semaphore_mem>>)
    %dma_start3A_92 = tpu.memref_slice %arg5[%add3A_90] : memref<320000xi32, #tpu.memory_space<hbm>> -> memref<80xi32, #tpu.memory_space<hbm>>
    %dma_start3A_93 = tpu.memref_slice %arg5[%add3A_90] : memref<320000xi32, #tpu.memory_space<hbm>> -> memref<80xi32, #tpu.memory_space<hbm>>
    tpu.enqueue_dma source(%dma_start3A_93 : memref<80xi32, #tpu.memory_space<hbm>>) target(%arg13 : memref<80xi32, #tpu.memory_space<vmem>>) target_semaphore(%arg23 : memref<!tpu.dma_semaphore, #tpu.memory_space<semaphore_mem>>)
    %dma_start3A_94 = arith.constant 0 : i32
    %dma_start3A_95 = tpu.memref_slice %arg2[%add3A_90, %dma_start3A_94] : memref<320000x128xf32, #tpu.memory_space<hbm>> -> memref<80x128xf32, #tpu.memory_space<hbm>>
    %dma_start3A_96 = arith.constant 0 : i32
    %dma_start3A_97 = tpu.memref_slice %arg2[%add3A_90, %dma_start3A_96] : memref<320000x128xf32, #tpu.memory_space<hbm>> -> memref<80x128xf32, #tpu.memory_space<hbm>>
    tpu.enqueue_dma source(%dma_start3A_97 : memref<80x128xf32, #tpu.memory_space<hbm>>) target(%arg17 : memref<80x128xf32, #tpu.memory_space<vmem>>) target_semaphore(%arg23 : memref<!tpu.dma_semaphore, #tpu.memory_space<semaphore_mem>>)
    %mul3A_98 = arith.constant 10000 : i32
    %mul3A_99 = arith.muli %add3A, %mul3A_98 : i32
    %add3A_100 = arith.constant 80 : i32
    %add3A_101 = arith.addi %mul3A_99, %add3A_100 : i32
    %dma_start3A_102 = tpu.memref_slice %arg6[%add3A_101] : memref<320000xi32, #tpu.memory_space<hbm>> -> memref<80xi32, #tpu.memory_space<hbm>>
    %dma_start3A_103 = tpu.memref_slice %arg6[%add3A_101] : memref<320000xi32, #tpu.memory_space<hbm>> -> memref<80xi32, #tpu.memory_space<hbm>>
    tpu.enqueue_dma source(%dma_start3A_103 : memref<80xi32, #tpu.memory_space<hbm>>) target(%arg10 : memref<80xi32, #tpu.memory_space<vmem>>) target_semaphore(%arg24 : memref<!tpu.dma_semaphore, #tpu.memory_space<semaphore_mem>>)
    %dma_start3A_104 = tpu.memref_slice %arg5[%add3A_101] : memref<320000xi32, #tpu.memory_space<hbm>> -> memref<80xi32, #tpu.memory_space<hbm>>
    %dma_start3A_105 = tpu.memref_slice %arg5[%add3A_101] : memref<320000xi32, #tpu.memory_space<hbm>> -> memref<80xi32, #tpu.memory_space<hbm>>
    tpu.enqueue_dma source(%dma_start3A_105 : memref<80xi32, #tpu.memory_space<hbm>>) target(%arg14 : memref<80xi32, #tpu.memory_space<vmem>>) target_semaphore(%arg24 : memref<!tpu.dma_semaphore, #tpu.memory_space<semaphore_mem>>)
    %dma_start3A_106 = arith.constant 0 : i32
    %dma_start3A_107 = tpu.memref_slice %arg2[%add3A_101, %dma_start3A_106] : memref<320000x128xf32, #tpu.memory_space<hbm>> -> memref<80x128xf32, #tpu.memory_space<hbm>>
    %dma_start3A_108 = arith.constant 0 : i32
    %dma_start3A_109 = tpu.memref_slice %arg2[%add3A_101, %dma_start3A_108] : memref<320000x128xf32, #tpu.memory_space<hbm>> -> memref<80x128xf32, #tpu.memory_space<hbm>>
    tpu.enqueue_dma source(%dma_start3A_109 : memref<80x128xf32, #tpu.memory_space<hbm>>) target(%arg18 : memref<80x128xf32, #tpu.memory_space<vmem>>) target_semaphore(%arg24 : memref<!tpu.dma_semaphore, #tpu.memory_space<semaphore_mem>>)
    %dma_wait3A = arith.constant 0 : i32
    %dma_wait3A_110 = tpu.memref_slice %arg6[%dma_wait3A] : memref<320000xi32, #tpu.memory_space<hbm>> -> memref<80xi32, #tpu.memory_space<hbm>>
    %dma_wait3A_111 = arith.constant 0 : i32
    %dma_wait3A_112 = tpu.memref_slice %arg6[%dma_wait3A_111] : memref<320000xi32, #tpu.memory_space<hbm>> -> memref<80xi32, #tpu.memory_space<hbm>>
    tpu.wait_dma2 semaphore(%arg23 : memref<!tpu.dma_semaphore, #tpu.memory_space<semaphore_mem>>) src(%dma_wait3A_112 : memref<80xi32, #tpu.memory_space<hbm>>) dst(%arg9 : memref<80xi32, #tpu.memory_space<vmem>>)
    %dma_wait3A_113 = arith.constant 0 : i32
    %dma_wait3A_114 = tpu.memref_slice %arg5[%dma_wait3A_113] : memref<320000xi32, #tpu.memory_space<hbm>> -> memref<80xi32, #tpu.memory_space<hbm>>
    %dma_wait3A_115 = arith.constant 0 : i32
    %dma_wait3A_116 = tpu.memref_slice %arg5[%dma_wait3A_115] : memref<320000xi32, #tpu.memory_space<hbm>> -> memref<80xi32, #tpu.memory_space<hbm>>
    tpu.wait_dma2 semaphore(%arg23 : memref<!tpu.dma_semaphore, #tpu.memory_space<semaphore_mem>>) src(%dma_wait3A_116 : memref<80xi32, #tpu.memory_space<hbm>>) dst(%arg13 : memref<80xi32, #tpu.memory_space<vmem>>)
    %dma_wait3A_117 = arith.constant 0 : i32
    %dma_wait3A_118 = arith.constant 0 : i32
    %dma_wait3A_119 = tpu.memref_slice %arg2[%dma_wait3A_117, %dma_wait3A_118] : memref<320000x128xf32, #tpu.memory_space<hbm>> -> memref<80x128xf32, #tpu.memory_space<hbm>>
    %dma_wait3A_120 = arith.constant 0 : i32
    %dma_wait3A_121 = arith.constant 0 : i32
    %dma_wait3A_122 = tpu.memref_slice %arg2[%dma_wait3A_120, %dma_wait3A_121] : memref<320000x128xf32, #tpu.memory_space<hbm>> -> memref<80x128xf32, #tpu.memory_space<hbm>>
    tpu.wait_dma2 semaphore(%arg23 : memref<!tpu.dma_semaphore, #tpu.memory_space<semaphore_mem>>) src(%dma_wait3A_122 : memref<80x128xf32, #tpu.memory_space<hbm>>) dst(%arg17 : memref<80x128xf32, #tpu.memory_space<vmem>>)
    %dma_start3A_123 = arith.constant 0 : i32
    %dma_start3A_124 = arith.constant 0 : i32
    %dma_start3A_125 = tpu.memref_slice %arg3[%dma_start3A_123, %dma_start3A_124] : memref<10000x128xf32, #tpu.memory_space<hbm>> -> memref<10000x128xf32, #tpu.memory_space<hbm>>
    tpu.enqueue_indirect_dma source(%dma_start3A_125 : memref<10000x128xf32, #tpu.memory_space<hbm>>) target(%arg17 : memref<80x128xf32, #tpu.memory_space<vmem>>) offsets(%arg9 : memref<80xi32, #tpu.memory_space<vmem>>) semaphore(%arg27 : memref<!tpu.dma_semaphore, #tpu.memory_space<semaphore_mem>>) {add = true}
    %dma_start3A_126 = arith.constant 0 : i32
    %dma_start3A_127 = arith.constant 0 : i32
    %dma_start3A_128 = tpu.memref_slice %arg4[%dma_start3A_126, %dma_start3A_127] : memref<10000x128xf32, #tpu.memory_space<hbm>> -> memref<10000x128xf32, #tpu.memory_space<hbm>>
    tpu.enqueue_indirect_dma source(%dma_start3A_128 : memref<10000x128xf32, #tpu.memory_space<hbm>>) target(%arg17 : memref<80x128xf32, #tpu.memory_space<vmem>>) offsets(%arg13 : memref<80xi32, #tpu.memory_space<vmem>>) semaphore(%arg27 : memref<!tpu.dma_semaphore, #tpu.memory_space<semaphore_mem>>) {add = true}
    %dma_wait3A_129 = arith.constant 0 : i32
    %dma_wait3A_130 = tpu.memref_slice %arg6[%dma_wait3A_129] : memref<320000xi32, #tpu.memory_space<hbm>> -> memref<80xi32, #tpu.memory_space<hbm>>
    %dma_wait3A_131 = arith.constant 0 : i32
    %dma_wait3A_132 = tpu.memref_slice %arg6[%dma_wait3A_131] : memref<320000xi32, #tpu.memory_space<hbm>> -> memref<80xi32, #tpu.memory_space<hbm>>
    tpu.wait_dma2 semaphore(%arg24 : memref<!tpu.dma_semaphore, #tpu.memory_space<semaphore_mem>>) src(%dma_wait3A_132 : memref<80xi32, #tpu.memory_space<hbm>>) dst(%arg10 : memref<80xi32, #tpu.memory_space<vmem>>)
    %dma_wait3A_133 = arith.constant 0 : i32
    %dma_wait3A_134 = tpu.memref_slice %arg5[%dma_wait3A_133] : memref<320000xi32, #tpu.memory_space<hbm>> -> memref<80xi32, #tpu.memory_space<hbm>>
    %dma_wait3A_135 = arith.constant 0 : i32
    %dma_wait3A_136 = tpu.memref_slice %arg5[%dma_wait3A_135] : memref<320000xi32, #tpu.memory_space<hbm>> -> memref<80xi32, #tpu.memory_space<hbm>>
    tpu.wait_dma2 semaphore(%arg24 : memref<!tpu.dma_semaphore, #tpu.memory_space<semaphore_mem>>) src(%dma_wait3A_136 : memref<80xi32, #tpu.memory_space<hbm>>) dst(%arg14 : memref<80xi32, #tpu.memory_space<vmem>>)
    %dma_wait3A_137 = arith.constant 0 : i32
    %dma_wait3A_138 = arith.constant 0 : i32
    %dma_wait3A_139 = tpu.memref_slice %arg2[%dma_wait3A_137, %dma_wait3A_138] : memref<320000x128xf32, #tpu.memory_space<hbm>> -> memref<80x128xf32, #tpu.memory_space<hbm>>
    %dma_wait3A_140 = arith.constant 0 : i32
    %dma_wait3A_141 = arith.constant 0 : i32
    %dma_wait3A_142 = tpu.memref_slice %arg2[%dma_wait3A_140, %dma_wait3A_141] : memref<320000x128xf32, #tpu.memory_space<hbm>> -> memref<80x128xf32, #tpu.memory_space<hbm>>
    tpu.wait_dma2 semaphore(%arg24 : memref<!tpu.dma_semaphore, #tpu.memory_space<semaphore_mem>>) src(%dma_wait3A_142 : memref<80x128xf32, #tpu.memory_space<hbm>>) dst(%arg18 : memref<80x128xf32, #tpu.memory_space<vmem>>)
    %dma_start3A_143 = arith.constant 0 : i32
    %dma_start3A_144 = arith.constant 0 : i32
    %dma_start3A_145 = tpu.memref_slice %arg3[%dma_start3A_143, %dma_start3A_144] : memref<10000x128xf32, #tpu.memory_space<hbm>> -> memref<10000x128xf32, #tpu.memory_space<hbm>>
    tpu.enqueue_indirect_dma source(%dma_start3A_145 : memref<10000x128xf32, #tpu.memory_space<hbm>>) target(%arg18 : memref<80x128xf32, #tpu.memory_space<vmem>>) offsets(%arg10 : memref<80xi32, #tpu.memory_space<vmem>>) semaphore(%arg28 : memref<!tpu.dma_semaphore, #tpu.memory_space<semaphore_mem>>) {add = true}
    %dma_start3A_146 = arith.constant 0 : i32
    %dma_start3A_147 = arith.constant 0 : i32
    %dma_start3A_148 = tpu.memref_slice %arg4[%dma_start3A_146, %dma_start3A_147] : memref<10000x128xf32, #tpu.memory_space<hbm>> -> memref<10000x128xf32, #tpu.memory_space<hbm>>
    tpu.enqueue_indirect_dma source(%dma_start3A_148 : memref<10000x128xf32, #tpu.memory_space<hbm>>) target(%arg18 : memref<80x128xf32, #tpu.memory_space<vmem>>) offsets(%arg14 : memref<80xi32, #tpu.memory_space<vmem>>) semaphore(%arg28 : memref<!tpu.dma_semaphore, #tpu.memory_space<semaphore_mem>>) {add = true}
    %mul3A_149 = arith.constant 10000 : i32
    %mul3A_150 = arith.muli %add3A, %mul3A_149 : i32
    %add3A_151 = arith.constant 160 : i32
    %add3A_152 = arith.addi %mul3A_150, %add3A_151 : i32
    %dma_start3A_153 = tpu.memref_slice %arg6[%add3A_152] : memref<320000xi32, #tpu.memory_space<hbm>> -> memref<80xi32, #tpu.memory_space<hbm>>
    %dma_start3A_154 = tpu.memref_slice %arg6[%add3A_152] : memref<320000xi32, #tpu.memory_space<hbm>> -> memref<80xi32, #tpu.memory_space<hbm>>
    tpu.enqueue_dma source(%dma_start3A_154 : memref<80xi32, #tpu.memory_space<hbm>>) target(%arg11 : memref<80xi32, #tpu.memory_space<vmem>>) target_semaphore(%arg25 : memref<!tpu.dma_semaphore, #tpu.memory_space<semaphore_mem>>)
    %dma_start3A_155 = tpu.memref_slice %arg5[%add3A_152] : memref<320000xi32, #tpu.memory_space<hbm>> -> memref<80xi32, #tpu.memory_space<hbm>>
    %dma_start3A_156 = tpu.memref_slice %arg5[%add3A_152] : memref<320000xi32, #tpu.memory_space<hbm>> -> memref<80xi32, #tpu.memory_space<hbm>>
    tpu.enqueue_dma source(%dma_start3A_156 : memref<80xi32, #tpu.memory_space<hbm>>) target(%arg15 : memref<80xi32, #tpu.memory_space<vmem>>) target_semaphore(%arg25 : memref<!tpu.dma_semaphore, #tpu.memory_space<semaphore_mem>>)
    %dma_start3A_157 = arith.constant 0 : i32
    %dma_start3A_158 = tpu.memref_slice %arg2[%add3A_152, %dma_start3A_157] : memref<320000x128xf32, #tpu.memory_space<hbm>> -> memref<80x128xf32, #tpu.memory_space<hbm>>
    %dma_start3A_159 = arith.constant 0 : i32
    %dma_start3A_160 = tpu.memref_slice %arg2[%add3A_152, %dma_start3A_159] : memref<320000x128xf32, #tpu.memory_space<hbm>> -> memref<80x128xf32, #tpu.memory_space<hbm>>
    tpu.enqueue_dma source(%dma_start3A_160 : memref<80x128xf32, #tpu.memory_space<hbm>>) target(%arg19 : memref<80x128xf32, #tpu.memory_space<vmem>>) target_semaphore(%arg25 : memref<!tpu.dma_semaphore, #tpu.memory_space<semaphore_mem>>)
    %mul3A_161 = arith.constant 10000 : i32
    %mul3A_162 = arith.muli %add3A, %mul3A_161 : i32
    %add3A_163 = arith.constant 0 : i32
    %add3A_164 = arith.addi %mul3A_162, %add3A_163 : i32
    %dma_wait3A_165 = arith.constant 0 : i32
    %dma_wait3A_166 = arith.constant 0 : i32
    %dma_wait3A_167 = tpu.memref_slice %arg3[%dma_wait3A_165, %dma_wait3A_166] : memref<10000x128xf32, #tpu.memory_space<hbm>> -> memref<10000x128xf32, #tpu.memory_space<hbm>>
    tpu.wait_indirect_dma semaphore(%arg27 : memref<!tpu.dma_semaphore, #tpu.memory_space<semaphore_mem>>) src(%dma_wait3A_167 : memref<10000x128xf32, #tpu.memory_space<hbm>>) dst(%arg17 : memref<80x128xf32, #tpu.memory_space<vmem>>)
    %dma_wait3A_168 = arith.constant 0 : i32
    %dma_wait3A_169 = arith.constant 0 : i32
    %dma_wait3A_170 = tpu.memref_slice %arg4[%dma_wait3A_168, %dma_wait3A_169] : memref<10000x128xf32, #tpu.memory_space<hbm>> -> memref<10000x128xf32, #tpu.memory_space<hbm>>
    tpu.wait_indirect_dma semaphore(%arg27 : memref<!tpu.dma_semaphore, #tpu.memory_space<semaphore_mem>>) src(%dma_wait3A_170 : memref<10000x128xf32, #tpu.memory_space<hbm>>) dst(%arg17 : memref<80x128xf32, #tpu.memory_space<vmem>>)
    %scan3A_171 = arith.constant 0 : i32
    %scan3A_172 = arith.constant 0 : i32
    %scan3A_173 = arith.constant 80 : i32
    %scan3A_174 = arith.addi %scan3A_172, %scan3A_173 : i32
    %scan3A_175 = arith.constant 1 : i32
    scf.for %scan3A_428 = %scan3A_172 to %scan3A_174 step %scan3A_175  : i32 {
      %get3A = arith.index_cast %scan3A_428 : i32 to index
      %get3A_429 = arith.constant 0 : index
      %get3A_430 = tpu.vector_load %arg17[%get3A, %get3A_429] {strides = array<i32>} : memref<80x128xf32, #tpu.memory_space<vmem>>, vector<1x16xf32>,
      %get3A_431 = vector.shape_cast %get3A_430 : vector<1x16xf32> to vector<16xf32>
      %max3A = arith.constant 0.000000e+00 : f32
      %max3A_432 = vector.broadcast %max3A : f32 to vector<16xf32>
      %max3A_433 = arith.maximumf %get3A_431, %max3A_432 : vector<16xf32>
      %swap3A = arith.index_cast %scan3A_428 : i32 to index
      %swap3A_434 = arith.constant 0 : index
      %swap3A_435 = tpu.vector_load %arg17[%swap3A, %swap3A_434] {strides = array<i32>} : memref<80x128xf32, #tpu.memory_space<vmem>>, vector<1x16xf32>,
      %swap3A_436 = vector.shape_cast %swap3A_435 : vector<1x16xf32> to vector<16xf32>
      %swap3A_437 = vector.shape_cast %max3A_433 : vector<16xf32> to vector<1x16xf32>
      tpu.vector_store %arg17[%swap3A, %swap3A_434], %swap3A_437 {strides = array<i32>} : memref<80x128xf32, #tpu.memory_space<vmem>>, vector<1x16xf32>,
      %get3A_438 = arith.index_cast %scan3A_428 : i32 to index
      %get3A_439 = arith.constant 16 : index
      %get3A_440 = tpu.vector_load %arg17[%get3A_438, %get3A_439] {strides = array<i32>} : memref<80x128xf32, #tpu.memory_space<vmem>>, vector<1x16xf32>,
      %get3A_441 = vector.shape_cast %get3A_440 : vector<1x16xf32> to vector<16xf32>
      %max3A_442 = arith.constant 0.000000e+00 : f32
      %max3A_443 = vector.broadcast %max3A_442 : f32 to vector<16xf32>
      %max3A_444 = arith.maximumf %get3A_441, %max3A_443 : vector<16xf32>
      %swap3A_445 = arith.index_cast %scan3A_428 : i32 to index
      %swap3A_446 = arith.constant 16 : index
      %swap3A_447 = tpu.vector_load %arg17[%swap3A_445, %swap3A_446] {strides = array<i32>} : memref<80x128xf32, #tpu.memory_space<vmem>>, vector<1x16xf32>,
      %swap3A_448 = vector.shape_cast %swap3A_447 : vector<1x16xf32> to vector<16xf32>
      %swap3A_449 = vector.shape_cast %max3A_444 : vector<16xf32> to vector<1x16xf32>
      tpu.vector_store %arg17[%swap3A_445, %swap3A_446], %swap3A_449 {strides = array<i32>} : memref<80x128xf32, #tpu.memory_space<vmem>>, vector<1x16xf32>,
      %get3A_450 = arith.index_cast %scan3A_428 : i32 to index
      %get3A_451 = arith.constant 32 : index
      %get3A_452 = tpu.vector_load %arg17[%get3A_450, %get3A_451] {strides = array<i32>} : memref<80x128xf32, #tpu.memory_space<vmem>>, vector<1x16xf32>,
      %get3A_453 = vector.shape_cast %get3A_452 : vector<1x16xf32> to vector<16xf32>
      %max3A_454 = arith.constant 0.000000e+00 : f32
      %max3A_455 = vector.broadcast %max3A_454 : f32 to vector<16xf32>
      %max3A_456 = arith.maximumf %get3A_453, %max3A_455 : vector<16xf32>
      %swap3A_457 = arith.index_cast %scan3A_428 : i32 to index
      %swap3A_458 = arith.constant 32 : index
      %swap3A_459 = tpu.vector_load %arg17[%swap3A_457, %swap3A_458] {strides = array<i32>} : memref<80x128xf32, #tpu.memory_space<vmem>>, vector<1x16xf32>,
      %swap3A_460 = vector.shape_cast %swap3A_459 : vector<1x16xf32> to vector<16xf32>
      %swap3A_461 = vector.shape_cast %max3A_456 : vector<16xf32> to vector<1x16xf32>
      tpu.vector_store %arg17[%swap3A_457, %swap3A_458], %swap3A_461 {strides = array<i32>} : memref<80x128xf32, #tpu.memory_space<vmem>>, vector<1x16xf32>,
      %get3A_462 = arith.index_cast %scan3A_428 : i32 to index
      %get3A_463 = arith.constant 48 : index
      %get3A_464 = tpu.vector_load %arg17[%get3A_462, %get3A_463] {strides = array<i32>} : memref<80x128xf32, #tpu.memory_space<vmem>>, vector<1x16xf32>,
      %get3A_465 = vector.shape_cast %get3A_464 : vector<1x16xf32> to vector<16xf32>
      %max3A_466 = arith.constant 0.000000e+00 : f32
      %max3A_467 = vector.broadcast %max3A_466 : f32 to vector<16xf32>
      %max3A_468 = arith.maximumf %get3A_465, %max3A_467 : vector<16xf32>
      %swap3A_469 = arith.index_cast %scan3A_428 : i32 to index
      %swap3A_470 = arith.constant 48 : index
      %swap3A_471 = tpu.vector_load %arg17[%swap3A_469, %swap3A_470] {strides = array<i32>} : memref<80x128xf32, #tpu.memory_space<vmem>>, vector<1x16xf32>,
      %swap3A_472 = vector.shape_cast %swap3A_471 : vector<1x16xf32> to vector<16xf32>
      %swap3A_473 = vector.shape_cast %max3A_468 : vector<16xf32> to vector<1x16xf32>
      tpu.vector_store %arg17[%swap3A_469, %swap3A_470], %swap3A_473 {strides = array<i32>} : memref<80x128xf32, #tpu.memory_space<vmem>>, vector<1x16xf32>,
      %get3A_474 = arith.index_cast %scan3A_428 : i32 to index
      %get3A_475 = arith.constant 64 : index
      %get3A_476 = tpu.vector_load %arg17[%get3A_474, %get3A_475] {strides = array<i32>} : memref<80x128xf32, #tpu.memory_space<vmem>>, vector<1x16xf32>,
      %get3A_477 = vector.shape_cast %get3A_476 : vector<1x16xf32> to vector<16xf32>
      %max3A_478 = arith.constant 0.000000e+00 : f32
      %max3A_479 = vector.broadcast %max3A_478 : f32 to vector<16xf32>
      %max3A_480 = arith.maximumf %get3A_477, %max3A_479 : vector<16xf32>
      %swap3A_481 = arith.index_cast %scan3A_428 : i32 to index
      %swap3A_482 = arith.constant 64 : index
      %swap3A_483 = tpu.vector_load %arg17[%swap3A_481, %swap3A_482] {strides = array<i32>} : memref<80x128xf32, #tpu.memory_space<vmem>>, vector<1x16xf32>,
      %swap3A_484 = vector.shape_cast %swap3A_483 : vector<1x16xf32> to vector<16xf32>
      %swap3A_485 = vector.shape_cast %max3A_480 : vector<16xf32> to vector<1x16xf32>
      tpu.vector_store %arg17[%swap3A_481, %swap3A_482], %swap3A_485 {strides = array<i32>} : memref<80x128xf32, #tpu.memory_space<vmem>>, vector<1x16xf32>,
      %get3A_486 = arith.index_cast %scan3A_428 : i32 to index
      %get3A_487 = arith.constant 80 : index
      %get3A_488 = tpu.vector_load %arg17[%get3A_486, %get3A_487] {strides = array<i32>} : memref<80x128xf32, #tpu.memory_space<vmem>>, vector<1x16xf32>,
      %get3A_489 = vector.shape_cast %get3A_488 : vector<1x16xf32> to vector<16xf32>
      %max3A_490 = arith.constant 0.000000e+00 : f32
      %max3A_491 = vector.broadcast %max3A_490 : f32 to vector<16xf32>
      %max3A_492 = arith.maximumf %get3A_489, %max3A_491 : vector<16xf32>
      %swap3A_493 = arith.index_cast %scan3A_428 : i32 to index
      %swap3A_494 = arith.constant 80 : index
      %swap3A_495 = tpu.vector_load %arg17[%swap3A_493, %swap3A_494] {strides = array<i32>} : memref<80x128xf32, #tpu.memory_space<vmem>>, vector<1x16xf32>,
      %swap3A_496 = vector.shape_cast %swap3A_495 : vector<1x16xf32> to vector<16xf32>
      %swap3A_497 = vector.shape_cast %max3A_492 : vector<16xf32> to vector<1x16xf32>
      tpu.vector_store %arg17[%swap3A_493, %swap3A_494], %swap3A_497 {strides = array<i32>} : memref<80x128xf32, #tpu.memory_space<vmem>>, vector<1x16xf32>,
      %get3A_498 = arith.index_cast %scan3A_428 : i32 to index
      %get3A_499 = arith.constant 96 : index
      %get3A_500 = tpu.vector_load %arg17[%get3A_498, %get3A_499] {strides = array<i32>} : memref<80x128xf32, #tpu.memory_space<vmem>>, vector<1x16xf32>,
      %get3A_501 = vector.shape_cast %get3A_500 : vector<1x16xf32> to vector<16xf32>
      %max3A_502 = arith.constant 0.000000e+00 : f32
      %max3A_503 = vector.broadcast %max3A_502 : f32 to vector<16xf32>
      %max3A_504 = arith.maximumf %get3A_501, %max3A_503 : vector<16xf32>
      %swap3A_505 = arith.index_cast %scan3A_428 : i32 to index
      %swap3A_506 = arith.constant 96 : index
      %swap3A_507 = tpu.vector_load %arg17[%swap3A_505, %swap3A_506] {strides = array<i32>} : memref<80x128xf32, #tpu.memory_space<vmem>>, vector<1x16xf32>,
      %swap3A_508 = vector.shape_cast %swap3A_507 : vector<1x16xf32> to vector<16xf32>
      %swap3A_509 = vector.shape_cast %max3A_504 : vector<16xf32> to vector<1x16xf32>
      tpu.vector_store %arg17[%swap3A_505, %swap3A_506], %swap3A_509 {strides = array<i32>} : memref<80x128xf32, #tpu.memory_space<vmem>>, vector<1x16xf32>,
      %get3A_510 = arith.index_cast %scan3A_428 : i32 to index
      %get3A_511 = arith.constant 112 : index
      %get3A_512 = tpu.vector_load %arg17[%get3A_510, %get3A_511] {strides = array<i32>} : memref<80x128xf32, #tpu.memory_space<vmem>>, vector<1x16xf32>,
      %get3A_513 = vector.shape_cast %get3A_512 : vector<1x16xf32> to vector<16xf32>
      %max3A_514 = arith.constant 0.000000e+00 : f32
      %max3A_515 = vector.broadcast %max3A_514 : f32 to vector<16xf32>
      %max3A_516 = arith.maximumf %get3A_513, %max3A_515 : vector<16xf32>
      %swap3A_517 = arith.index_cast %scan3A_428 : i32 to index
      %swap3A_518 = arith.constant 112 : index
      %swap3A_519 = tpu.vector_load %arg17[%swap3A_517, %swap3A_518] {strides = array<i32>} : memref<80x128xf32, #tpu.memory_space<vmem>>, vector<1x16xf32>,
      %swap3A_520 = vector.shape_cast %swap3A_519 : vector<1x16xf32> to vector<16xf32>
      %swap3A_521 = vector.shape_cast %max3A_516 : vector<16xf32> to vector<1x16xf32>
      tpu.vector_store %arg17[%swap3A_517, %swap3A_518], %swap3A_521 {strides = array<i32>} : memref<80x128xf32, #tpu.memory_space<vmem>>, vector<1x16xf32>,
    }
    %scan3A_176 = arith.constant 80 : i32
    %dma_start3A_177 = arith.constant 0 : i32
    %dma_start3A_178 = tpu.memref_slice %arg7[%add3A_164, %dma_start3A_177] : memref<320000x128xf32, #tpu.memory_space<hbm>> -> memref<80x128xf32, #tpu.memory_space<hbm>>
    %dma_start3A_179 = arith.constant 0 : i32
    %dma_start3A_180 = tpu.memref_slice %arg7[%add3A_164, %dma_start3A_179] : memref<320000x128xf32, #tpu.memory_space<hbm>> -> memref<80x128xf32, #tpu.memory_space<hbm>>
    tpu.enqueue_dma source(%arg17 : memref<80x128xf32, #tpu.memory_space<vmem>>) target(%dma_start3A_180 : memref<80x128xf32, #tpu.memory_space<hbm>>) target_semaphore(%arg31 : memref<!tpu.dma_semaphore, #tpu.memory_space<semaphore_mem>>)
    %dma_start3A_181 = arith.constant 0 : i32
    %dma_start3A_182 = arith.constant 0 : i32
    %dma_start3A_183 = tpu.memref_slice %arg22[%dma_start3A_181, %dma_start3A_182] : memref<10240x128xf32, #tpu.memory_space<vmem_shared>> -> memref<10240x128xf32, #tpu.memory_space<vmem_shared>>
    tpu.enqueue_indirect_dma source(%arg17 : memref<80x128xf32, #tpu.memory_space<vmem>>) target(%dma_start3A_183 : memref<10240x128xf32, #tpu.memory_space<vmem_shared>>) offsets(%arg9 : memref<80xi32, #tpu.memory_space<vmem>>) semaphore(%arg35 : memref<!tpu.dma_semaphore, #tpu.memory_space<semaphore_mem>>) {add = true}
    %dma_wait3A_184 = arith.constant 0 : i32
    %dma_wait3A_185 = tpu.memref_slice %arg6[%dma_wait3A_184] : memref<320000xi32, #tpu.memory_space<hbm>> -> memref<80xi32, #tpu.memory_space<hbm>>
    %dma_wait3A_186 = arith.constant 0 : i32
    %dma_wait3A_187 = tpu.memref_slice %arg6[%dma_wait3A_186] : memref<320000xi32, #tpu.memory_space<hbm>> -> memref<80xi32, #tpu.memory_space<hbm>>
    tpu.wait_dma2 semaphore(%arg25 : memref<!tpu.dma_semaphore, #tpu.memory_space<semaphore_mem>>) src(%dma_wait3A_187 : memref<80xi32, #tpu.memory_space<hbm>>) dst(%arg11 : memref<80xi32, #tpu.memory_space<vmem>>)
    %dma_wait3A_188 = arith.constant 0 : i32
    %dma_wait3A_189 = tpu.memref_slice %arg5[%dma_wait3A_188] : memref<320000xi32, #tpu.memory_space<hbm>> -> memref<80xi32, #tpu.memory_space<hbm>>
    %dma_wait3A_190 = arith.constant 0 : i32
    %dma_wait3A_191 = tpu.memref_slice %arg5[%dma_wait3A_190] : memref<320000xi32, #tpu.memory_space<hbm>> -> memref<80xi32, #tpu.memory_space<hbm>>
    tpu.wait_dma2 semaphore(%arg25 : memref<!tpu.dma_semaphore, #tpu.memory_space<semaphore_mem>>) src(%dma_wait3A_191 : memref<80xi32, #tpu.memory_space<hbm>>) dst(%arg15 : memref<80xi32, #tpu.memory_space<vmem>>)
    %dma_wait3A_192 = arith.constant 0 : i32
    %dma_wait3A_193 = arith.constant 0 : i32
    %dma_wait3A_194 = tpu.memref_slice %arg2[%dma_wait3A_192, %dma_wait3A_193] : memref<320000x128xf32, #tpu.memory_space<hbm>> -> memref<80x128xf32, #tpu.memory_space<hbm>>
    %dma_wait3A_195 = arith.constant 0 : i32
    %dma_wait3A_196 = arith.constant 0 : i32
    %dma_wait3A_197 = tpu.memref_slice %arg2[%dma_wait3A_195, %dma_wait3A_196] : memref<320000x128xf32, #tpu.memory_space<hbm>> -> memref<80x128xf32, #tpu.memory_space<hbm>>
    tpu.wait_dma2 semaphore(%arg25 : memref<!tpu.dma_semaphore, #tpu.memory_space<semaphore_mem>>) src(%dma_wait3A_197 : memref<80x128xf32, #tpu.memory_space<hbm>>) dst(%arg19 : memref<80x128xf32, #tpu.memory_space<vmem>>)
    %dma_start3A_198 = arith.constant 0 : i32
    %dma_start3A_199 = arith.constant 0 : i32
    %dma_start3A_200 = tpu.memref_slice %arg3[%dma_start3A_198, %dma_start3A_199] : memref<10000x128xf32, #tpu.memory_space<hbm>> -> memref<10000x128xf32, #tpu.memory_space<hbm>>
    tpu.enqueue_indirect_dma source(%dma_start3A_200 : memref<10000x128xf32, #tpu.memory_space<hbm>>) target(%arg19 : memref<80x128xf32, #tpu.memory_space<vmem>>) offsets(%arg11 : memref<80xi32, #tpu.memory_space<vmem>>) semaphore(%arg29 : memref<!tpu.dma_semaphore, #tpu.memory_space<semaphore_mem>>) {add = true}
    %dma_start3A_201 = arith.constant 0 : i32
    %dma_start3A_202 = arith.constant 0 : i32
    %dma_start3A_203 = tpu.memref_slice %arg4[%dma_start3A_201, %dma_start3A_202] : memref<10000x128xf32, #tpu.memory_space<hbm>> -> memref<10000x128xf32, #tpu.memory_space<hbm>>
    tpu.enqueue_indirect_dma source(%dma_start3A_203 : memref<10000x128xf32, #tpu.memory_space<hbm>>) target(%arg19 : memref<80x128xf32, #tpu.memory_space<vmem>>) offsets(%arg15 : memref<80xi32, #tpu.memory_space<vmem>>) semaphore(%arg29 : memref<!tpu.dma_semaphore, #tpu.memory_space<semaphore_mem>>) {add = true}
    %mul3A_204 = arith.constant 10000 : i32
    %mul3A_205 = arith.muli %add3A, %mul3A_204 : i32
    %add3A_206 = arith.constant 240 : i32
    %add3A_207 = arith.addi %mul3A_205, %add3A_206 : i32
    %dma_start3A_208 = tpu.memref_slice %arg6[%add3A_207] : memref<320000xi32, #tpu.memory_space<hbm>> -> memref<80xi32, #tpu.memory_space<hbm>>
    %dma_start3A_209 = tpu.memref_slice %arg6[%add3A_207] : memref<320000xi32, #tpu.memory_space<hbm>> -> memref<80xi32, #tpu.memory_space<hbm>>
    tpu.enqueue_dma source(%dma_start3A_209 : memref<80xi32, #tpu.memory_space<hbm>>) target(%arg12 : memref<80xi32, #tpu.memory_space<vmem>>) target_semaphore(%arg26 : memref<!tpu.dma_semaphore, #tpu.memory_space<semaphore_mem>>)
    %dma_start3A_210 = tpu.memref_slice %arg5[%add3A_207] : memref<320000xi32, #tpu.memory_space<hbm>> -> memref<80xi32, #tpu.memory_space<hbm>>
    %dma_start3A_211 = tpu.memref_slice %arg5[%add3A_207] : memref<320000xi32, #tpu.memory_space<hbm>> -> memref<80xi32, #tpu.memory_space<hbm>>
    tpu.enqueue_dma source(%dma_start3A_211 : memref<80xi32, #tpu.memory_space<hbm>>) target(%arg16 : memref<80xi32, #tpu.memory_space<vmem>>) target_semaphore(%arg26 : memref<!tpu.dma_semaphore, #tpu.memory_space<semaphore_mem>>)
    %dma_start3A_212 = arith.constant 0 : i32
    %dma_start3A_213 = tpu.memref_slice %arg2[%add3A_207, %dma_start3A_212] : memref<320000x128xf32, #tpu.memory_space<hbm>> -> memref<80x128xf32, #tpu.memory_space<hbm>>
    %dma_start3A_214 = arith.constant 0 : i32
    %dma_start3A_215 = tpu.memref_slice %arg2[%add3A_207, %dma_start3A_214] : memref<320000x128xf32, #tpu.memory_space<hbm>> -> memref<80x128xf32, #tpu.memory_space<hbm>>
    tpu.enqueue_dma source(%dma_start3A_215 : memref<80x128xf32, #tpu.memory_space<hbm>>) target(%arg20 : memref<80x128xf32, #tpu.memory_space<vmem>>) target_semaphore(%arg26 : memref<!tpu.dma_semaphore, #tpu.memory_space<semaphore_mem>>)
    %mul3A_216 = arith.constant 10000 : i32
    %mul3A_217 = arith.muli %add3A, %mul3A_216 : i32
    %add3A_218 = arith.constant 80 : i32
    %add3A_219 = arith.addi %mul3A_217, %add3A_218 : i32
    %dma_wait3A_220 = arith.constant 0 : i32
    %dma_wait3A_221 = arith.constant 0 : i32
    %dma_wait3A_222 = tpu.memref_slice %arg3[%dma_wait3A_220, %dma_wait3A_221] : memref<10000x128xf32, #tpu.memory_space<hbm>> -> memref<10000x128xf32, #tpu.memory_space<hbm>>
    tpu.wait_indirect_dma semaphore(%arg28 : memref<!tpu.dma_semaphore, #tpu.memory_space<semaphore_mem>>) src(%dma_wait3A_222 : memref<10000x128xf32, #tpu.memory_space<hbm>>) dst(%arg18 : memref<80x128xf32, #tpu.memory_space<vmem>>)
    %dma_wait3A_223 = arith.constant 0 : i32
    %dma_wait3A_224 = arith.constant 0 : i32
    %dma_wait3A_225 = tpu.memref_slice %arg4[%dma_wait3A_223, %dma_wait3A_224] : memref<10000x128xf32, #tpu.memory_space<hbm>> -> memref<10000x128xf32, #tpu.memory_space<hbm>>
    tpu.wait_indirect_dma semaphore(%arg28 : memref<!tpu.dma_semaphore, #tpu.memory_space<semaphore_mem>>) src(%dma_wait3A_225 : memref<10000x128xf32, #tpu.memory_space<hbm>>) dst(%arg18 : memref<80x128xf32, #tpu.memory_space<vmem>>)
    %scan3A_226 = arith.constant 0 : i32
    %scan3A_227 = arith.constant 0 : i32
    %scan3A_228 = arith.constant 80 : i32
    %scan3A_229 = arith.addi %scan3A_227, %scan3A_228 : i32
    %scan3A_230 = arith.constant 1 : i32
    scf.for %scan3A_428 = %scan3A_227 to %scan3A_229 step %scan3A_230  : i32 {
      %get3A = arith.index_cast %scan3A_428 : i32 to index
      %get3A_429 = arith.constant 0 : index
      %get3A_430 = tpu.vector_load %arg18[%get3A, %get3A_429] {strides = array<i32>} : memref<80x128xf32, #tpu.memory_space<vmem>>, vector<1x16xf32>,
      %get3A_431 = vector.shape_cast %get3A_430 : vector<1x16xf32> to vector<16xf32>
      %max3A = arith.constant 0.000000e+00 : f32
      %max3A_432 = vector.broadcast %max3A : f32 to vector<16xf32>
      %max3A_433 = arith.maximumf %get3A_431, %max3A_432 : vector<16xf32>
      %swap3A = arith.index_cast %scan3A_428 : i32 to index
      %swap3A_434 = arith.constant 0 : index
      %swap3A_435 = tpu.vector_load %arg18[%swap3A, %swap3A_434] {strides = array<i32>} : memref<80x128xf32, #tpu.memory_space<vmem>>, vector<1x16xf32>,
      %swap3A_436 = vector.shape_cast %swap3A_435 : vector<1x16xf32> to vector<16xf32>
      %swap3A_437 = vector.shape_cast %max3A_433 : vector<16xf32> to vector<1x16xf32>
      tpu.vector_store %arg18[%swap3A, %swap3A_434], %swap3A_437 {strides = array<i32>} : memref<80x128xf32, #tpu.memory_space<vmem>>, vector<1x16xf32>,
      %get3A_438 = arith.index_cast %scan3A_428 : i32 to index
      %get3A_439 = arith.constant 16 : index
      %get3A_440 = tpu.vector_load %arg18[%get3A_438, %get3A_439] {strides = array<i32>} : memref<80x128xf32, #tpu.memory_space<vmem>>, vector<1x16xf32>,
      %get3A_441 = vector.shape_cast %get3A_440 : vector<1x16xf32> to vector<16xf32>
      %max3A_442 = arith.constant 0.000000e+00 : f32
      %max3A_443 = vector.broadcast %max3A_442 : f32 to vector<16xf32>
      %max3A_444 = arith.maximumf %get3A_441, %max3A_443 : vector<16xf32>
      %swap3A_445 = arith.index_cast %scan3A_428 : i32 to index
      %swap3A_446 = arith.constant 16 : index
      %swap3A_447 = tpu.vector_load %arg18[%swap3A_445, %swap3A_446] {strides = array<i32>} : memref<80x128xf32, #tpu.memory_space<vmem>>, vector<1x16xf32>,
      %swap3A_448 = vector.shape_cast %swap3A_447 : vector<1x16xf32> to vector<16xf32>
      %swap3A_449 = vector.shape_cast %max3A_444 : vector<16xf32> to vector<1x16xf32>
      tpu.vector_store %arg18[%swap3A_445, %swap3A_446], %swap3A_449 {strides = array<i32>} : memref<80x128xf32, #tpu.memory_space<vmem>>, vector<1x16xf32>,
      %get3A_450 = arith.index_cast %scan3A_428 : i32 to index
      %get3A_451 = arith.constant 32 : index
      %get3A_452 = tpu.vector_load %arg18[%get3A_450, %get3A_451] {strides = array<i32>} : memref<80x128xf32, #tpu.memory_space<vmem>>, vector<1x16xf32>,
      %get3A_453 = vector.shape_cast %get3A_452 : vector<1x16xf32> to vector<16xf32>
      %max3A_454 = arith.constant 0.000000e+00 : f32
      %max3A_455 = vector.broadcast %max3A_454 : f32 to vector<16xf32>
      %max3A_456 = arith.maximumf %get3A_453, %max3A_455 : vector<16xf32>
      %swap3A_457 = arith.index_cast %scan3A_428 : i32 to index
      %swap3A_458 = arith.constant 32 : index
      %swap3A_459 = tpu.vector_load %arg18[%swap3A_457, %swap3A_458] {strides = array<i32>} : memref<80x128xf32, #tpu.memory_space<vmem>>, vector<1x16xf32>,
      %swap3A_460 = vector.shape_cast %swap3A_459 : vector<1x16xf32> to vector<16xf32>
      %swap3A_461 = vector.shape_cast %max3A_456 : vector<16xf32> to vector<1x16xf32>
      tpu.vector_store %arg18[%swap3A_457, %swap3A_458], %swap3A_461 {strides = array<i32>} : memref<80x128xf32, #tpu.memory_space<vmem>>, vector<1x16xf32>,
      %get3A_462 = arith.index_cast %scan3A_428 : i32 to index
      %get3A_463 = arith.constant 48 : index
      %get3A_464 = tpu.vector_load %arg18[%get3A_462, %get3A_463] {strides = array<i32>} : memref<80x128xf32, #tpu.memory_space<vmem>>, vector<1x16xf32>,
      %get3A_465 = vector.shape_cast %get3A_464 : vector<1x16xf32> to vector<16xf32>
      %max3A_466 = arith.constant 0.000000e+00 : f32
      %max3A_467 = vector.broadcast %max3A_466 : f32 to vector<16xf32>
      %max3A_468 = arith.maximumf %get3A_465, %max3A_467 : vector<16xf32>
      %swap3A_469 = arith.index_cast %scan3A_428 : i32 to index
      %swap3A_470 = arith.constant 48 : index
      %swap3A_471 = tpu.vector_load %arg18[%swap3A_469, %swap3A_470] {strides = array<i32>} : memref<80x128xf32, #tpu.memory_space<vmem>>, vector<1x16xf32>,
      %swap3A_472 = vector.shape_cast %swap3A_471 : vector<1x16xf32> to vector<16xf32>
      %swap3A_473 = vector.shape_cast %max3A_468 : vector<16xf32> to vector<1x16xf32>
      tpu.vector_store %arg18[%swap3A_469, %swap3A_470], %swap3A_473 {strides = array<i32>} : memref<80x128xf32, #tpu.memory_space<vmem>>, vector<1x16xf32>,
      %get3A_474 = arith.index_cast %scan3A_428 : i32 to index
      %get3A_475 = arith.constant 64 : index
      %get3A_476 = tpu.vector_load %arg18[%get3A_474, %get3A_475] {strides = array<i32>} : memref<80x128xf32, #tpu.memory_space<vmem>>, vector<1x16xf32>,
      %get3A_477 = vector.shape_cast %get3A_476 : vector<1x16xf32> to vector<16xf32>
      %max3A_478 = arith.constant 0.000000e+00 : f32
      %max3A_479 = vector.broadcast %max3A_478 : f32 to vector<16xf32>
      %max3A_480 = arith.maximumf %get3A_477, %max3A_479 : vector<16xf32>
      %swap3A_481 = arith.index_cast %scan3A_428 : i32 to index
      %swap3A_482 = arith.constant 64 : index
      %swap3A_483 = tpu.vector_load %arg18[%swap3A_481, %swap3A_482] {strides = array<i32>} : memref<80x128xf32, #tpu.memory_space<vmem>>, vector<1x16xf32>,
      %swap3A_484 = vector.shape_cast %swap3A_483 : vector<1x16xf32> to vector<16xf32>
      %swap3A_485 = vector.shape_cast %max3A_480 : vector<16xf32> to vector<1x16xf32>
      tpu.vector_store %arg18[%swap3A_481, %swap3A_482], %swap3A_485 {strides = array<i32>} : memref<80x128xf32, #tpu.memory_space<vmem>>, vector<1x16xf32>,
      %get3A_486 = arith.index_cast %scan3A_428 : i32 to index
      %get3A_487 = arith.constant 80 : index
      %get3A_488 = tpu.vector_load %arg18[%get3A_486, %get3A_487] {strides = array<i32>} : memref<80x128xf32, #tpu.memory_space<vmem>>, vector<1x16xf32>,
      %get3A_489 = vector.shape_cast %get3A_488 : vector<1x16xf32> to vector<16xf32>
      %max3A_490 = arith.constant 0.000000e+00 : f32
      %max3A_491 = vector.broadcast %max3A_490 : f32 to vector<16xf32>
      %max3A_492 = arith.maximumf %get3A_489, %max3A_491 : vector<16xf32>
      %swap3A_493 = arith.index_cast %scan3A_428 : i32 to index
      %swap3A_494 = arith.constant 80 : index
      %swap3A_495 = tpu.vector_load %arg18[%swap3A_493, %swap3A_494] {strides = array<i32>} : memref<80x128xf32, #tpu.memory_space<vmem>>, vector<1x16xf32>,
      %swap3A_496 = vector.shape_cast %swap3A_495 : vector<1x16xf32> to vector<16xf32>
      %swap3A_497 = vector.shape_cast %max3A_492 : vector<16xf32> to vector<1x16xf32>
      tpu.vector_store %arg18[%swap3A_493, %swap3A_494], %swap3A_497 {strides = array<i32>} : memref<80x128xf32, #tpu.memory_space<vmem>>, vector<1x16xf32>,
      %get3A_498 = arith.index_cast %scan3A_428 : i32 to index
      %get3A_499 = arith.constant 96 : index
      %get3A_500 = tpu.vector_load %arg18[%get3A_498, %get3A_499] {strides = array<i32>} : memref<80x128xf32, #tpu.memory_space<vmem>>, vector<1x16xf32>,
      %get3A_501 = vector.shape_cast %get3A_500 : vector<1x16xf32> to vector<16xf32>
      %max3A_502 = arith.constant 0.000000e+00 : f32
      %max3A_503 = vector.broadcast %max3A_502 : f32 to vector<16xf32>
      %max3A_504 = arith.maximumf %get3A_501, %max3A_503 : vector<16xf32>
      %swap3A_505 = arith.index_cast %scan3A_428 : i32 to index
      %swap3A_506 = arith.constant 96 : index
      %swap3A_507 = tpu.vector_load %arg18[%swap3A_505, %swap3A_506] {strides = array<i32>} : memref<80x128xf32, #tpu.memory_space<vmem>>, vector<1x16xf32>,
      %swap3A_508 = vector.shape_cast %swap3A_507 : vector<1x16xf32> to vector<16xf32>
      %swap3A_509 = vector.shape_cast %max3A_504 : vector<16xf32> to vector<1x16xf32>
      tpu.vector_store %arg18[%swap3A_505, %swap3A_506], %swap3A_509 {strides = array<i32>} : memref<80x128xf32, #tpu.memory_space<vmem>>, vector<1x16xf32>,
      %get3A_510 = arith.index_cast %scan3A_428 : i32 to index
      %get3A_511 = arith.constant 112 : index
      %get3A_512 = tpu.vector_load %arg18[%get3A_510, %get3A_511] {strides = array<i32>} : memref<80x128xf32, #tpu.memory_space<vmem>>, vector<1x16xf32>,
      %get3A_513 = vector.shape_cast %get3A_512 : vector<1x16xf32> to vector<16xf32>
      %max3A_514 = arith.constant 0.000000e+00 : f32
      %max3A_515 = vector.broadcast %max3A_514 : f32 to vector<16xf32>
      %max3A_516 = arith.maximumf %get3A_513, %max3A_515 : vector<16xf32>
      %swap3A_517 = arith.index_cast %scan3A_428 : i32 to index
      %swap3A_518 = arith.constant 112 : index
      %swap3A_519 = tpu.vector_load %arg18[%swap3A_517, %swap3A_518] {strides = array<i32>} : memref<80x128xf32, #tpu.memory_space<vmem>>, vector<1x16xf32>,
      %swap3A_520 = vector.shape_cast %swap3A_519 : vector<1x16xf32> to vector<16xf32>
      %swap3A_521 = vector.shape_cast %max3A_516 : vector<16xf32> to vector<1x16xf32>
      tpu.vector_store %arg18[%swap3A_517, %swap3A_518], %swap3A_521 {strides = array<i32>} : memref<80x128xf32, #tpu.memory_space<vmem>>, vector<1x16xf32>,
    }
    %scan3A_231 = arith.constant 80 : i32
    %dma_start3A_232 = arith.constant 0 : i32
    %dma_start3A_233 = tpu.memref_slice %arg7[%add3A_219, %dma_start3A_232] : memref<320000x128xf32, #tpu.memory_space<hbm>> -> memref<80x128xf32, #tpu.memory_space<hbm>>
    %dma_start3A_234 = arith.constant 0 : i32
    %dma_start3A_235 = tpu.memref_slice %arg7[%add3A_219, %dma_start3A_234] : memref<320000x128xf32, #tpu.memory_space<hbm>> -> memref<80x128xf32, #tpu.memory_space<hbm>>
    tpu.enqueue_dma source(%arg18 : memref<80x128xf32, #tpu.memory_space<vmem>>) target(%dma_start3A_235 : memref<80x128xf32, #tpu.memory_space<hbm>>) target_semaphore(%arg32 : memref<!tpu.dma_semaphore, #tpu.memory_space<semaphore_mem>>)
    %dma_start3A_236 = arith.constant 0 : i32
    %dma_start3A_237 = arith.constant 0 : i32
    %dma_start3A_238 = tpu.memref_slice %arg22[%dma_start3A_236, %dma_start3A_237] : memref<10240x128xf32, #tpu.memory_space<vmem_shared>> -> memref<10240x128xf32, #tpu.memory_space<vmem_shared>>
    tpu.enqueue_indirect_dma source(%arg18 : memref<80x128xf32, #tpu.memory_space<vmem>>) target(%dma_start3A_238 : memref<10240x128xf32, #tpu.memory_space<vmem_shared>>) offsets(%arg10 : memref<80xi32, #tpu.memory_space<vmem>>) semaphore(%arg36 : memref<!tpu.dma_semaphore, #tpu.memory_space<semaphore_mem>>) {add = true}
    %dma_wait3A_239 = arith.constant 0 : i32
    %dma_wait3A_240 = tpu.memref_slice %arg6[%dma_wait3A_239] : memref<320000xi32, #tpu.memory_space<hbm>> -> memref<80xi32, #tpu.memory_space<hbm>>
    %dma_wait3A_241 = arith.constant 0 : i32
    %dma_wait3A_242 = tpu.memref_slice %arg6[%dma_wait3A_241] : memref<320000xi32, #tpu.memory_space<hbm>> -> memref<80xi32, #tpu.memory_space<hbm>>
    tpu.wait_dma2 semaphore(%arg26 : memref<!tpu.dma_semaphore, #tpu.memory_space<semaphore_mem>>) src(%dma_wait3A_242 : memref<80xi32, #tpu.memory_space<hbm>>) dst(%arg12 : memref<80xi32, #tpu.memory_space<vmem>>)
    %dma_wait3A_243 = arith.constant 0 : i32
    %dma_wait3A_244 = tpu.memref_slice %arg5[%dma_wait3A_243] : memref<320000xi32, #tpu.memory_space<hbm>> -> memref<80xi32, #tpu.memory_space<hbm>>
    %dma_wait3A_245 = arith.constant 0 : i32
    %dma_wait3A_246 = tpu.memref_slice %arg5[%dma_wait3A_245] : memref<320000xi32, #tpu.memory_space<hbm>> -> memref<80xi32, #tpu.memory_space<hbm>>
    tpu.wait_dma2 semaphore(%arg26 : memref<!tpu.dma_semaphore, #tpu.memory_space<semaphore_mem>>) src(%dma_wait3A_246 : memref<80xi32, #tpu.memory_space<hbm>>) dst(%arg16 : memref<80xi32, #tpu.memory_space<vmem>>)
    %dma_wait3A_247 = arith.constant 0 : i32
    %dma_wait3A_248 = arith.constant 0 : i32
    %dma_wait3A_249 = tpu.memref_slice %arg2[%dma_wait3A_247, %dma_wait3A_248] : memref<320000x128xf32, #tpu.memory_space<hbm>> -> memref<80x128xf32, #tpu.memory_space<hbm>>
    %dma_wait3A_250 = arith.constant 0 : i32
    %dma_wait3A_251 = arith.constant 0 : i32
    %dma_wait3A_252 = tpu.memref_slice %arg2[%dma_wait3A_250, %dma_wait3A_251] : memref<320000x128xf32, #tpu.memory_space<hbm>> -> memref<80x128xf32, #tpu.memory_space<hbm>>
    tpu.wait_dma2 semaphore(%arg26 : memref<!tpu.dma_semaphore, #tpu.memory_space<semaphore_mem>>) src(%dma_wait3A_252 : memref<80x128xf32, #tpu.memory_space<hbm>>) dst(%arg20 : memref<80x128xf32, #tpu.memory_space<vmem>>)
    %dma_start3A_253 = arith.constant 0 : i32
    %dma_start3A_254 = arith.constant 0 : i32
    %dma_start3A_255 = tpu.memref_slice %arg3[%dma_start3A_253, %dma_start3A_254] : memref<10000x128xf32, #tpu.memory_space<hbm>> -> memref<10000x128xf32, #tpu.memory_space<hbm>>
    tpu.enqueue_indirect_dma source(%dma_start3A_255 : memref<10000x128xf32, #tpu.memory_space<hbm>>) target(%arg20 : memref<80x128xf32, #tpu.memory_space<vmem>>) offsets(%arg12 : memref<80xi32, #tpu.memory_space<vmem>>) semaphore(%arg30 : memref<!tpu.dma_semaphore, #tpu.memory_space<semaphore_mem>>) {add = true}
    %dma_start3A_256 = arith.constant 0 : i32
    %dma_start3A_257 = arith.constant 0 : i32
    %dma_start3A_258 = tpu.memref_slice %arg4[%dma_start3A_256, %dma_start3A_257] : memref<10000x128xf32, #tpu.memory_space<hbm>> -> memref<10000x128xf32, #tpu.memory_space<hbm>>
    tpu.enqueue_indirect_dma source(%dma_start3A_258 : memref<10000x128xf32, #tpu.memory_space<hbm>>) target(%arg20 : memref<80x128xf32, #tpu.memory_space<vmem>>) offsets(%arg16 : memref<80xi32, #tpu.memory_space<vmem>>) semaphore(%arg30 : memref<!tpu.dma_semaphore, #tpu.memory_space<semaphore_mem>>) {add = true}
    %dma_wait3A_259 = arith.constant 0 : i32
    %dma_wait3A_260 = arith.constant 0 : i32
    %dma_wait3A_261 = tpu.memref_slice %arg7[%dma_wait3A_259, %dma_wait3A_260] : memref<320000x128xf32, #tpu.memory_space<hbm>> -> memref<80x128xf32, #tpu.memory_space<hbm>>
    %dma_wait3A_262 = arith.constant 0 : i32
    %dma_wait3A_263 = arith.constant 0 : i32
    %dma_wait3A_264 = tpu.memref_slice %arg7[%dma_wait3A_262, %dma_wait3A_263] : memref<320000x128xf32, #tpu.memory_space<hbm>> -> memref<80x128xf32, #tpu.memory_space<hbm>>
    tpu.wait_dma2 semaphore(%arg31 : memref<!tpu.dma_semaphore, #tpu.memory_space<semaphore_mem>>) src(%arg17 : memref<80x128xf32, #tpu.memory_space<vmem>>) dst(%dma_wait3A_264 : memref<80x128xf32, #tpu.memory_space<hbm>>)
    %dma_wait3A_265 = arith.constant 0 : i32
    %dma_wait3A_266 = arith.constant 0 : i32
    %dma_wait3A_267 = tpu.memref_slice %arg22[%dma_wait3A_265, %dma_wait3A_266] : memref<10240x128xf32, #tpu.memory_space<vmem_shared>> -> memref<10240x128xf32, #tpu.memory_space<vmem_shared>>
    tpu.wait_indirect_dma semaphore(%arg35 : memref<!tpu.dma_semaphore, #tpu.memory_space<semaphore_mem>>) src(%arg17 : memref<80x128xf32, #tpu.memory_space<vmem>>) dst(%dma_wait3A_267 : memref<10240x128xf32, #tpu.memory_space<vmem_shared>>)
    %mul3A_268 = arith.constant 10000 : i32
    %mul3A_269 = arith.muli %add3A, %mul3A_268 : i32
    %add3A_270 = arith.constant 320 : i32
    %add3A_271 = arith.addi %mul3A_269, %add3A_270 : i32
    %dma_start3A_272 = tpu.memref_slice %arg6[%add3A_271] : memref<320000xi32, #tpu.memory_space<hbm>> -> memref<80xi32, #tpu.memory_space<hbm>>
    %dma_start3A_273 = tpu.memref_slice %arg6[%add3A_271] : memref<320000xi32, #tpu.memory_space<hbm>> -> memref<80xi32, #tpu.memory_space<hbm>>
    tpu.enqueue_dma source(%dma_start3A_273 : memref<80xi32, #tpu.memory_space<hbm>>) target(%arg9 : memref<80xi32, #tpu.memory_space<vmem>>) target_semaphore(%arg23 : memref<!tpu.dma_semaphore, #tpu.memory_space<semaphore_mem>>)
    %dma_start3A_274 = tpu.memref_slice %arg5[%add3A_271] : memref<320000xi32, #tpu.memory_space<hbm>> -> memref<80xi32, #tpu.memory_space<hbm>>
    %dma_start3A_275 = tpu.memref_slice %arg5[%add3A_271] : memref<320000xi32, #tpu.memory_space<hbm>> -> memref<80xi32, #tpu.memory_space<hbm>>
    tpu.enqueue_dma source(%dma_start3A_275 : memref<80xi32, #tpu.memory_space<hbm>>) target(%arg13 : memref<80xi32, #tpu.memory_space<vmem>>) target_semaphore(%arg23 : memref<!tpu.dma_semaphore, #tpu.memory_space<semaphore_mem>>)
    %dma_start3A_276 = arith.constant 0 : i32
    %dma_start3A_277 = tpu.memref_slice %arg2[%add3A_271, %dma_start3A_276] : memref<320000x128xf32, #tpu.memory_space<hbm>> -> memref<80x128xf32, #tpu.memory_space<hbm>>
    %dma_start3A_278 = arith.constant 0 : i32
    %dma_start3A_279 = tpu.memref_slice %arg2[%add3A_271, %dma_start3A_278] : memref<320000x128xf32, #tpu.memory_space<hbm>> -> memref<80x128xf32, #tpu.memory_space<hbm>>
    tpu.enqueue_dma source(%dma_start3A_279 : memref<80x128xf32, #tpu.memory_space<hbm>>) target(%arg17 : memref<80x128xf32, #tpu.memory_space<vmem>>) target_semaphore(%arg23 : memref<!tpu.dma_semaphore, #tpu.memory_space<semaphore_mem>>)
    %mul3A_280 = arith.constant 10000 : i32
    %mul3A_281 = arith.muli %add3A, %mul3A_280 : i32
    %add3A_282 = arith.constant 160 : i32
    %add3A_283 = arith.addi %mul3A_281, %add3A_282 : i32
    %dma_wait3A_284 = arith.constant 0 : i32
    %dma_wait3A_285 = arith.constant 0 : i32
    %dma_wait3A_286 = tpu.memref_slice %arg3[%dma_wait3A_284, %dma_wait3A_285] : memref<10000x128xf32, #tpu.memory_space<hbm>> -> memref<10000x128xf32, #tpu.memory_space<hbm>>
    tpu.wait_indirect_dma semaphore(%arg29 : memref<!tpu.dma_semaphore, #tpu.memory_space<semaphore_mem>>) src(%dma_wait3A_286 : memref<10000x128xf32, #tpu.memory_space<hbm>>) dst(%arg19 : memref<80x128xf32, #tpu.memory_space<vmem>>)
    %dma_wait3A_287 = arith.constant 0 : i32
    %dma_wait3A_288 = arith.constant 0 : i32
    %dma_wait3A_289 = tpu.memref_slice %arg4[%dma_wait3A_287, %dma_wait3A_288] : memref<10000x128xf32, #tpu.memory_space<hbm>> -> memref<10000x128xf32, #tpu.memory_space<hbm>>
    tpu.wait_indirect_dma semaphore(%arg29 : memref<!tpu.dma_semaphore, #tpu.memory_space<semaphore_mem>>) src(%dma_wait3A_289 : memref<10000x128xf32, #tpu.memory_space<hbm>>) dst(%arg19 : memref<80x128xf32, #tpu.memory_space<vmem>>)
    %scan3A_290 = arith.constant 0 : i32
    %scan3A_291 = arith.constant 0 : i32
    %scan3A_292 = arith.constant 80 : i32
    %scan3A_293 = arith.addi %scan3A_291, %scan3A_292 : i32
    %scan3A_294 = arith.constant 1 : i32
    scf.for %scan3A_428 = %scan3A_291 to %scan3A_293 step %scan3A_294  : i32 {
      %get3A = arith.index_cast %scan3A_428 : i32 to index
      %get3A_429 = arith.constant 0 : index
      %get3A_430 = tpu.vector_load %arg19[%get3A, %get3A_429] {strides = array<i32>} : memref<80x128xf32, #tpu.memory_space<vmem>>, vector<1x16xf32>,
      %get3A_431 = vector.shape_cast %get3A_430 : vector<1x16xf32> to vector<16xf32>
      %max3A = arith.constant 0.000000e+00 : f32
      %max3A_432 = vector.broadcast %max3A : f32 to vector<16xf32>
      %max3A_433 = arith.maximumf %get3A_431, %max3A_432 : vector<16xf32>
      %swap3A = arith.index_cast %scan3A_428 : i32 to index
      %swap3A_434 = arith.constant 0 : index
      %swap3A_435 = tpu.vector_load %arg19[%swap3A, %swap3A_434] {strides = array<i32>} : memref<80x128xf32, #tpu.memory_space<vmem>>, vector<1x16xf32>,
      %swap3A_436 = vector.shape_cast %swap3A_435 : vector<1x16xf32> to vector<16xf32>
      %swap3A_437 = vector.shape_cast %max3A_433 : vector<16xf32> to vector<1x16xf32>
      tpu.vector_store %arg19[%swap3A, %swap3A_434], %swap3A_437 {strides = array<i32>} : memref<80x128xf32, #tpu.memory_space<vmem>>, vector<1x16xf32>,
      %get3A_438 = arith.index_cast %scan3A_428 : i32 to index
      %get3A_439 = arith.constant 16 : index
      %get3A_440 = tpu.vector_load %arg19[%get3A_438, %get3A_439] {strides = array<i32>} : memref<80x128xf32, #tpu.memory_space<vmem>>, vector<1x16xf32>,
      %get3A_441 = vector.shape_cast %get3A_440 : vector<1x16xf32> to vector<16xf32>
      %max3A_442 = arith.constant 0.000000e+00 : f32
      %max3A_443 = vector.broadcast %max3A_442 : f32 to vector<16xf32>
      %max3A_444 = arith.maximumf %get3A_441, %max3A_443 : vector<16xf32>
      %swap3A_445 = arith.index_cast %scan3A_428 : i32 to index
      %swap3A_446 = arith.constant 16 : index
      %swap3A_447 = tpu.vector_load %arg19[%swap3A_445, %swap3A_446] {strides = array<i32>} : memref<80x128xf32, #tpu.memory_space<vmem>>, vector<1x16xf32>,
      %swap3A_448 = vector.shape_cast %swap3A_447 : vector<1x16xf32> to vector<16xf32>
      %swap3A_449 = vector.shape_cast %max3A_444 : vector<16xf32> to vector<1x16xf32>
      tpu.vector_store %arg19[%swap3A_445, %swap3A_446], %swap3A_449 {strides = array<i32>} : memref<80x128xf32, #tpu.memory_space<vmem>>, vector<1x16xf32>,
      %get3A_450 = arith.index_cast %scan3A_428 : i32 to index
      %get3A_451 = arith.constant 32 : index
      %get3A_452 = tpu.vector_load %arg19[%get3A_450, %get3A_451] {strides = array<i32>} : memref<80x128xf32, #tpu.memory_space<vmem>>, vector<1x16xf32>,
      %get3A_453 = vector.shape_cast %get3A_452 : vector<1x16xf32> to vector<16xf32>
      %max3A_454 = arith.constant 0.000000e+00 : f32
      %max3A_455 = vector.broadcast %max3A_454 : f32 to vector<16xf32>
      %max3A_456 = arith.maximumf %get3A_453, %max3A_455 : vector<16xf32>
      %swap3A_457 = arith.index_cast %scan3A_428 : i32 to index
      %swap3A_458 = arith.constant 32 : index
      %swap3A_459 = tpu.vector_load %arg19[%swap3A_457, %swap3A_458] {strides = array<i32>} : memref<80x128xf32, #tpu.memory_space<vmem>>, vector<1x16xf32>,
      %swap3A_460 = vector.shape_cast %swap3A_459 : vector<1x16xf32> to vector<16xf32>
      %swap3A_461 = vector.shape_cast %max3A_456 : vector<16xf32> to vector<1x16xf32>
      tpu.vector_store %arg19[%swap3A_457, %swap3A_458], %swap3A_461 {strides = array<i32>} : memref<80x128xf32, #tpu.memory_space<vmem>>, vector<1x16xf32>,
      %get3A_462 = arith.index_cast %scan3A_428 : i32 to index
      %get3A_463 = arith.constant 48 : index
      %get3A_464 = tpu.vector_load %arg19[%get3A_462, %get3A_463] {strides = array<i32>} : memref<80x128xf32, #tpu.memory_space<vmem>>, vector<1x16xf32>,
      %get3A_465 = vector.shape_cast %get3A_464 : vector<1x16xf32> to vector<16xf32>
      %max3A_466 = arith.constant 0.000000e+00 : f32
      %max3A_467 = vector.broadcast %max3A_466 : f32 to vector<16xf32>
      %max3A_468 = arith.maximumf %get3A_465, %max3A_467 : vector<16xf32>
      %swap3A_469 = arith.index_cast %scan3A_428 : i32 to index
      %swap3A_470 = arith.constant 48 : index
      %swap3A_471 = tpu.vector_load %arg19[%swap3A_469, %swap3A_470] {strides = array<i32>} : memref<80x128xf32, #tpu.memory_space<vmem>>, vector<1x16xf32>,
      %swap3A_472 = vector.shape_cast %swap3A_471 : vector<1x16xf32> to vector<16xf32>
      %swap3A_473 = vector.shape_cast %max3A_468 : vector<16xf32> to vector<1x16xf32>
      tpu.vector_store %arg19[%swap3A_469, %swap3A_470], %swap3A_473 {strides = array<i32>} : memref<80x128xf32, #tpu.memory_space<vmem>>, vector<1x16xf32>,
      %get3A_474 = arith.index_cast %scan3A_428 : i32 to index
      %get3A_475 = arith.constant 64 : index
      %get3A_476 = tpu.vector_load %arg19[%get3A_474, %get3A_475] {strides = array<i32>} : memref<80x128xf32, #tpu.memory_space<vmem>>, vector<1x16xf32>,
      %get3A_477 = vector.shape_cast %get3A_476 : vector<1x16xf32> to vector<16xf32>
      %max3A_478 = arith.constant 0.000000e+00 : f32
      %max3A_479 = vector.broadcast %max3A_478 : f32 to vector<16xf32>
      %max3A_480 = arith.maximumf %get3A_477, %max3A_479 : vector<16xf32>
      %swap3A_481 = arith.index_cast %scan3A_428 : i32 to index
      %swap3A_482 = arith.constant 64 : index
      %swap3A_483 = tpu.vector_load %arg19[%swap3A_481, %swap3A_482] {strides = array<i32>} : memref<80x128xf32, #tpu.memory_space<vmem>>, vector<1x16xf32>,
      %swap3A_484 = vector.shape_cast %swap3A_483 : vector<1x16xf32> to vector<16xf32>
      %swap3A_485 = vector.shape_cast %max3A_480 : vector<16xf32> to vector<1x16xf32>
      tpu.vector_store %arg19[%swap3A_481, %swap3A_482], %swap3A_485 {strides = array<i32>} : memref<80x128xf32, #tpu.memory_space<vmem>>, vector<1x16xf32>,
      %get3A_486 = arith.index_cast %scan3A_428 : i32 to index
      %get3A_487 = arith.constant 80 : index
      %get3A_488 = tpu.vector_load %arg19[%get3A_486, %get3A_487] {strides = array<i32>} : memref<80x128xf32, #tpu.memory_space<vmem>>, vector<1x16xf32>,
      %get3A_489 = vector.shape_cast %get3A_488 : vector<1x16xf32> to vector<16xf32>
      %max3A_490 = arith.constant 0.000000e+00 : f32
      %max3A_491 = vector.broadcast %max3A_490 : f32 to vector<16xf32>
      %max3A_492 = arith.maximumf %get3A_489, %max3A_491 : vector<16xf32>
      %swap3A_493 = arith.index_cast %scan3A_428 : i32 to index
      %swap3A_494 = arith.constant 80 : index
      %swap3A_495 = tpu.vector_load %arg19[%swap3A_493, %swap3A_494] {strides = array<i32>} : memref<80x128xf32, #tpu.memory_space<vmem>>, vector<1x16xf32>,
      %swap3A_496 = vector.shape_cast %swap3A_495 : vector<1x16xf32> to vector<16xf32>
      %swap3A_497 = vector.shape_cast %max3A_492 : vector<16xf32> to vector<1x16xf32>
      tpu.vector_store %arg19[%swap3A_493, %swap3A_494], %swap3A_497 {strides = array<i32>} : memref<80x128xf32, #tpu.memory_space<vmem>>, vector<1x16xf32>,
      %get3A_498 = arith.index_cast %scan3A_428 : i32 to index
      %get3A_499 = arith.constant 96 : index
      %get3A_500 = tpu.vector_load %arg19[%get3A_498, %get3A_499] {strides = array<i32>} : memref<80x128xf32, #tpu.memory_space<vmem>>, vector<1x16xf32>,
      %get3A_501 = vector.shape_cast %get3A_500 : vector<1x16xf32> to vector<16xf32>
      %max3A_502 = arith.constant 0.000000e+00 : f32
      %max3A_503 = vector.broadcast %max3A_502 : f32 to vector<16xf32>
      %max3A_504 = arith.maximumf %get3A_501, %max3A_503 : vector<16xf32>
      %swap3A_505 = arith.index_cast %scan3A_428 : i32 to index
      %swap3A_506 = arith.constant 96 : index
      %swap3A_507 = tpu.vector_load %arg19[%swap3A_505, %swap3A_506] {strides = array<i32>} : memref<80x128xf32, #tpu.memory_space<vmem>>, vector<1x16xf32>,
      %swap3A_508 = vector.shape_cast %swap3A_507 : vector<1x16xf32> to vector<16xf32>
      %swap3A_509 = vector.shape_cast %max3A_504 : vector<16xf32> to vector<1x16xf32>
      tpu.vector_store %arg19[%swap3A_505, %swap3A_506], %swap3A_509 {strides = array<i32>} : memref<80x128xf32, #tpu.memory_space<vmem>>, vector<1x16xf32>,
      %get3A_510 = arith.index_cast %scan3A_428 : i32 to index
      %get3A_511 = arith.constant 112 : index
      %get3A_512 = tpu.vector_load %arg19[%get3A_510, %get3A_511] {strides = array<i32>} : memref<80x128xf32, #tpu.memory_space<vmem>>, vector<1x16xf32>,
      %get3A_513 = vector.shape_cast %get3A_512 : vector<1x16xf32> to vector<16xf32>
      %max3A_514 = arith.constant 0.000000e+00 : f32
      %max3A_515 = vector.broadcast %max3A_514 : f32 to vector<16xf32>
      %max3A_516 = arith.maximumf %get3A_513, %max3A_515 : vector<16xf32>
      %swap3A_517 = arith.index_cast %scan3A_428 : i32 to index
      %swap3A_518 = arith.constant 112 : index
      %swap3A_519 = tpu.vector_load %arg19[%swap3A_517, %swap3A_518] {strides = array<i32>} : memref<80x128xf32, #tpu.memory_space<vmem>>, vector<1x16xf32>,
      %swap3A_520 = vector.shape_cast %swap3A_519 : vector<1x16xf32> to vector<16xf32>
      %swap3A_521 = vector.shape_cast %max3A_516 : vector<16xf32> to vector<1x16xf32>
      tpu.vector_store %arg19[%swap3A_517, %swap3A_518], %swap3A_521 {strides = array<i32>} : memref<80x128xf32, #tpu.memory_space<vmem>>, vector<1x16xf32>,
    }
    %scan3A_295 = arith.constant 80 : i32
    %dma_start3A_296 = arith.constant 0 : i32
    %dma_start3A_297 = tpu.memref_slice %arg7[%add3A_283, %dma_start3A_296] : memref<320000x128xf32, #tpu.memory_space<hbm>> -> memref<80x128xf32, #tpu.memory_space<hbm>>
    %dma_start3A_298 = arith.constant 0 : i32
    %dma_start3A_299 = tpu.memref_slice %arg7[%add3A_283, %dma_start3A_298] : memref<320000x128xf32, #tpu.memory_space<hbm>> -> memref<80x128xf32, #tpu.memory_space<hbm>>
    tpu.enqueue_dma source(%arg19 : memref<80x128xf32, #tpu.memory_space<vmem>>) target(%dma_start3A_299 : memref<80x128xf32, #tpu.memory_space<hbm>>) target_semaphore(%arg33 : memref<!tpu.dma_semaphore, #tpu.memory_space<semaphore_mem>>)
    %dma_start3A_300 = arith.constant 0 : i32
    %dma_start3A_301 = arith.constant 0 : i32
    %dma_start3A_302 = tpu.memref_slice %arg22[%dma_start3A_300, %dma_start3A_301] : memref<10240x128xf32, #tpu.memory_space<vmem_shared>> -> memref<10240x128xf32, #tpu.memory_space<vmem_shared>>
    tpu.enqueue_indirect_dma source(%arg19 : memref<80x128xf32, #tpu.memory_space<vmem>>) target(%dma_start3A_302 : memref<10240x128xf32, #tpu.memory_space<vmem_shared>>) offsets(%arg11 : memref<80xi32, #tpu.memory_space<vmem>>) semaphore(%arg37 : memref<!tpu.dma_semaphore, #tpu.memory_space<semaphore_mem>>) {add = true}
    %dma_wait3A_303 = arith.constant 0 : i32
    %dma_wait3A_304 = tpu.memref_slice %arg6[%dma_wait3A_303] : memref<320000xi32, #tpu.memory_space<hbm>> -> memref<80xi32, #tpu.memory_space<hbm>>
    %dma_wait3A_305 = arith.constant 0 : i32
    %dma_wait3A_306 = tpu.memref_slice %arg6[%dma_wait3A_305] : memref<320000xi32, #tpu.memory_space<hbm>> -> memref<80xi32, #tpu.memory_space<hbm>>
    tpu.wait_dma2 semaphore(%arg23 : memref<!tpu.dma_semaphore, #tpu.memory_space<semaphore_mem>>) src(%dma_wait3A_306 : memref<80xi32, #tpu.memory_space<hbm>>) dst(%arg9 : memref<80xi32, #tpu.memory_space<vmem>>)
    %dma_wait3A_307 = arith.constant 0 : i32
    %dma_wait3A_308 = tpu.memref_slice %arg5[%dma_wait3A_307] : memref<320000xi32, #tpu.memory_space<hbm>> -> memref<80xi32, #tpu.memory_space<hbm>>
    %dma_wait3A_309 = arith.constant 0 : i32
    %dma_wait3A_310 = tpu.memref_slice %arg5[%dma_wait3A_309] : memref<320000xi32, #tpu.memory_space<hbm>> -> memref<80xi32, #tpu.memory_space<hbm>>
    tpu.wait_dma2 semaphore(%arg23 : memref<!tpu.dma_semaphore, #tpu.memory_space<semaphore_mem>>) src(%dma_wait3A_310 : memref<80xi32, #tpu.memory_space<hbm>>) dst(%arg13 : memref<80xi32, #tpu.memory_space<vmem>>)
    %dma_wait3A_311 = arith.constant 0 : i32
    %dma_wait3A_312 = arith.constant 0 : i32
    %dma_wait3A_313 = tpu.memref_slice %arg2[%dma_wait3A_311, %dma_wait3A_312] : memref<320000x128xf32, #tpu.memory_space<hbm>> -> memref<80x128xf32, #tpu.memory_space<hbm>>
    %dma_wait3A_314 = arith.constant 0 : i32
    %dma_wait3A_315 = arith.constant 0 : i32
    %dma_wait3A_316 = tpu.memref_slice %arg2[%dma_wait3A_314, %dma_wait3A_315] : memref<320000x128xf32, #tpu.memory_space<hbm>> -> memref<80x128xf32, #tpu.memory_space<hbm>>
    tpu.wait_dma2 semaphore(%arg23 : memref<!tpu.dma_semaphore, #tpu.memory_space<semaphore_mem>>) src(%dma_wait3A_316 : memref<80x128xf32, #tpu.memory_space<hbm>>) dst(%arg17 : memref<80x128xf32, #tpu.memory_space<vmem>>)
    %dma_start3A_317 = arith.constant 0 : i32
    %dma_start3A_318 = arith.constant 0 : i32
    %dma_start3A_319 = tpu.memref_slice %arg3[%dma_start3A_317, %dma_start3A_318] : memref<10000x128xf32, #tpu.memory_space<hbm>> -> memref<10000x128xf32, #tpu.memory_space<hbm>>
    tpu.enqueue_indirect_dma source(%dma_start3A_319 : memref<10000x128xf32, #tpu.memory_space<hbm>>) target(%arg17 : memref<80x128xf32, #tpu.memory_space<vmem>>) offsets(%arg9 : memref<80xi32, #tpu.memory_space<vmem>>) semaphore(%arg27 : memref<!tpu.dma_semaphore, #tpu.memory_space<semaphore_mem>>) {add = true}
    %dma_start3A_320 = arith.constant 0 : i32
    %dma_start3A_321 = arith.constant 0 : i32
    %dma_start3A_322 = tpu.memref_slice %arg4[%dma_start3A_320, %dma_start3A_321] : memref<10000x128xf32, #tpu.memory_space<hbm>> -> memref<10000x128xf32, #tpu.memory_space<hbm>>
    tpu.enqueue_indirect_dma source(%dma_start3A_322 : memref<10000x128xf32, #tpu.memory_space<hbm>>) target(%arg17 : memref<80x128xf32, #tpu.memory_space<vmem>>) offsets(%arg13 : memref<80xi32, #tpu.memory_space<vmem>>) semaphore(%arg27 : memref<!tpu.dma_semaphore, #tpu.memory_space<semaphore_mem>>) {add = true}
    %dma_wait3A_323 = arith.constant 0 : i32
    %dma_wait3A_324 = arith.constant 0 : i32
    %dma_wait3A_325 = tpu.memref_slice %arg7[%dma_wait3A_323, %dma_wait3A_324] : memref<320000x128xf32, #tpu.memory_space<hbm>> -> memref<80x128xf32, #tpu.memory_space<hbm>>
    %dma_wait3A_326 = arith.constant 0 : i32
    %dma_wait3A_327 = arith.constant 0 : i32
    %dma_wait3A_328 = tpu.memref_slice %arg7[%dma_wait3A_326, %dma_wait3A_327] : memref<320000x128xf32, #tpu.memory_space<hbm>> -> memref<80x128xf32, #tpu.memory_space<hbm>>
    tpu.wait_dma2 semaphore(%arg32 : memref<!tpu.dma_semaphore, #tpu.memory_space<semaphore_mem>>) src(%arg18 : memref<80x128xf32, #tpu.memory_space<vmem>>) dst(%dma_wait3A_328 : memref<80x128xf32, #tpu.memory_space<hbm>>)
    %dma_wait3A_329 = arith.constant 0 : i32
    %dma_wait3A_330 = arith.constant 0 : i32
    %dma_wait3A_331 = tpu.memref_slice %arg22[%dma_wait3A_329, %dma_wait3A_330] : memref<10240x128xf32, #tpu.memory_space<vmem_shared>> -> memref<10240x128xf32, #tpu.memory_space<vmem_shared>>
    tpu.wait_indirect_dma semaphore(%arg36 : memref<!tpu.dma_semaphore, #tpu.memory_space<semaphore_mem>>) src(%arg18 : memref<80x128xf32, #tpu.memory_space<vmem>>) dst(%dma_wait3A_331 : memref<10240x128xf32, #tpu.memory_space<vmem_shared>>)
    %mul3A_332 = arith.constant 10000 : i32
    %mul3A_333 = arith.muli %add3A, %mul3A_332 : i32
    %add3A_334 = arith.constant 400 : i32
    %add3A_335 = arith.addi %mul3A_333, %add3A_334 : i32
    %dma_start3A_336 = tpu.memref_slice %arg6[%add3A_335] : memref<320000xi32, #tpu.memory_space<hbm>> -> memref<80xi32, #tpu.memory_space<hbm>>
    %dma_start3A_337 = tpu.memref_slice %arg6[%add3A_335] : memref<320000xi32, #tpu.memory_space<hbm>> -> memref<80xi32, #tpu.memory_space<hbm>>
    tpu.enqueue_dma source(%dma_start3A_337 : memref<80xi32, #tpu.memory_space<hbm>>) target(%arg10 : memref<80xi32, #tpu.memory_space<vmem>>) target_semaphore(%arg24 : memref<!tpu.dma_semaphore, #tpu.memory_space<semaphore_mem>>)
    %dma_start3A_338 = tpu.memref_slice %arg5[%add3A_335] : memref<320000xi32, #tpu.memory_space<hbm>> -> memref<80xi32, #tpu.memory_space<hbm>>
    %dma_start3A_339 = tpu.memref_slice %arg5[%add3A_335] : memref<320000xi32, #tpu.memory_space<hbm>> -> memref<80xi32, #tpu.memory_space<hbm>>
    tpu.enqueue_dma source(%dma_start3A_339 : memref<80xi32, #tpu.memory_space<hbm>>) target(%arg14 : memref<80xi32, #tpu.memory_space<vmem>>) target_semaphore(%arg24 : memref<!tpu.dma_semaphore, #tpu.memory_space<semaphore_mem>>)
    %dma_start3A_340 = arith.constant 0 : i32
    %dma_start3A_341 = tpu.memref_slice %arg2[%add3A_335, %dma_start3A_340] : memref<320000x128xf32, #tpu.memory_space<hbm>> -> memref<80x128xf32, #tpu.memory_space<hbm>>
    %dma_start3A_342 = arith.constant 0 : i32
    %dma_start3A_343 = tpu.memref_slice %arg2[%add3A_335, %dma_start3A_342] : memref<320000x128xf32, #tpu.memory_space<hbm>> -> memref<80x128xf32, #tpu.memory_space<hbm>>
    tpu.enqueue_dma source(%dma_start3A_343 : memref<80x128xf32, #tpu.memory_space<hbm>>) target(%arg18 : memref<80x128xf32, #tpu.memory_space<vmem>>) target_semaphore(%arg24 : memref<!tpu.dma_semaphore, #tpu.memory_space<semaphore_mem>>)
    %mul3A_344 = arith.constant 10000 : i32
    %mul3A_345 = arith.muli %add3A, %mul3A_344 : i32
    %add3A_346 = arith.constant 240 : i32
    %add3A_347 = arith.addi %mul3A_345, %add3A_346 : i32
    %dma_wait3A_348 = arith.constant 0 : i32
    %dma_wait3A_349 = arith.constant 0 : i32
    %dma_wait3A_350 = tpu.memref_slice %arg3[%dma_wait3A_348, %dma_wait3A_349] : memref<10000x128xf32, #tpu.memory_space<hbm>> -> memref<10000x128xf32, #tpu.memory_space<hbm>>
    tpu.wait_indirect_dma semaphore(%arg30 : memref<!tpu.dma_semaphore, #tpu.memory_space<semaphore_mem>>) src(%dma_wait3A_350 : memref<10000x128xf32, #tpu.memory_space<hbm>>) dst(%arg20 : memref<80x128xf32, #tpu.memory_space<vmem>>)
    %dma_wait3A_351 = arith.constant 0 : i32
    %dma_wait3A_352 = arith.constant 0 : i32
    %dma_wait3A_353 = tpu.memref_slice %arg4[%dma_wait3A_351, %dma_wait3A_352] : memref<10000x128xf32, #tpu.memory_space<hbm>> -> memref<10000x128xf32, #tpu.memory_space<hbm>>
    tpu.wait_indirect_dma semaphore(%arg30 : memref<!tpu.dma_semaphore, #tpu.memory_space<semaphore_mem>>) src(%dma_wait3A_353 : memref<10000x128xf32, #tpu.memory_space<hbm>>) dst(%arg20 : memref<80x128xf32, #tpu.memory_space<vmem>>)
    %scan3A_354 = arith.constant 0 : i32
    %scan3A_355 = arith.constant 0 : i32
    %scan3A_356 = arith.constant 80 : i32
    %scan3A_357 = arith.addi %scan3A_355, %scan3A_356 : i32
    %scan3A_358 = arith.constant 1 : i32
    scf.for %scan3A_428 = %scan3A_355 to %scan3A_357 step %scan3A_358  : i32 {
      %get3A = arith.index_cast %scan3A_428 : i32 to index
      %get3A_429 = arith.constant 0 : index
      %get3A_430 = tpu.vector_load %arg20[%get3A, %get3A_429] {strides = array<i32>} : memref<80x128xf32, #tpu.memory_space<vmem>>, vector<1x16xf32>,
      %get3A_431 = vector.shape_cast %get3A_430 : vector<1x16xf32> to vector<16xf32>
      %max3A = arith.constant 0.000000e+00 : f32
      %max3A_432 = vector.broadcast %max3A : f32 to vector<16xf32>
      %max3A_433 = arith.maximumf %get3A_431, %max3A_432 : vector<16xf32>
      %swap3A = arith.index_cast %scan3A_428 : i32 to index
      %swap3A_434 = arith.constant 0 : index
      %swap3A_435 = tpu.vector_load %arg20[%swap3A, %swap3A_434] {strides = array<i32>} : memref<80x128xf32, #tpu.memory_space<vmem>>, vector<1x16xf32>,
      %swap3A_436 = vector.shape_cast %swap3A_435 : vector<1x16xf32> to vector<16xf32>
      %swap3A_437 = vector.shape_cast %max3A_433 : vector<16xf32> to vector<1x16xf32>
      tpu.vector_store %arg20[%swap3A, %swap3A_434], %swap3A_437 {strides = array<i32>} : memref<80x128xf32, #tpu.memory_space<vmem>>, vector<1x16xf32>,
      %get3A_438 = arith.index_cast %scan3A_428 : i32 to index
      %get3A_439 = arith.constant 16 : index
      %get3A_440 = tpu.vector_load %arg20[%get3A_438, %get3A_439] {strides = array<i32>} : memref<80x128xf32, #tpu.memory_space<vmem>>, vector<1x16xf32>,
      %get3A_441 = vector.shape_cast %get3A_440 : vector<1x16xf32> to vector<16xf32>
      %max3A_442 = arith.constant 0.000000e+00 : f32
      %max3A_443 = vector.broadcast %max3A_442 : f32 to vector<16xf32>
      %max3A_444 = arith.maximumf %get3A_441, %max3A_443 : vector<16xf32>
      %swap3A_445 = arith.index_cast %scan3A_428 : i32 to index
      %swap3A_446 = arith.constant 16 : index
      %swap3A_447 = tpu.vector_load %arg20[%swap3A_445, %swap3A_446] {strides = array<i32>} : memref<80x128xf32, #tpu.memory_space<vmem>>, vector<1x16xf32>,
      %swap3A_448 = vector.shape_cast %swap3A_447 : vector<1x16xf32> to vector<16xf32>
      %swap3A_449 = vector.shape_cast %max3A_444 : vector<16xf32> to vector<1x16xf32>
      tpu.vector_store %arg20[%swap3A_445, %swap3A_446], %swap3A_449 {strides = array<i32>} : memref<80x128xf32, #tpu.memory_space<vmem>>, vector<1x16xf32>,
      %get3A_450 = arith.index_cast %scan3A_428 : i32 to index
      %get3A_451 = arith.constant 32 : index
      %get3A_452 = tpu.vector_load %arg20[%get3A_450, %get3A_451] {strides = array<i32>} : memref<80x128xf32, #tpu.memory_space<vmem>>, vector<1x16xf32>,
      %get3A_453 = vector.shape_cast %get3A_452 : vector<1x16xf32> to vector<16xf32>
      %max3A_454 = arith.constant 0.000000e+00 : f32
      %max3A_455 = vector.broadcast %max3A_454 : f32 to vector<16xf32>
      %max3A_456 = arith.maximumf %get3A_453, %max3A_455 : vector<16xf32>
      %swap3A_457 = arith.index_cast %scan3A_428 : i32 to index
      %swap3A_458 = arith.constant 32 : index
      %swap3A_459 = tpu.vector_load %arg20[%swap3A_457, %swap3A_458] {strides = array<i32>} : memref<80x128xf32, #tpu.memory_space<vmem>>, vector<1x16xf32>,
      %swap3A_460 = vector.shape_cast %swap3A_459 : vector<1x16xf32> to vector<16xf32>
      %swap3A_461 = vector.shape_cast %max3A_456 : vector<16xf32> to vector<1x16xf32>
      tpu.vector_store %arg20[%swap3A_457, %swap3A_458], %swap3A_461 {strides = array<i32>} : memref<80x128xf32, #tpu.memory_space<vmem>>, vector<1x16xf32>,
      %get3A_462 = arith.index_cast %scan3A_428 : i32 to index
      %get3A_463 = arith.constant 48 : index
      %get3A_464 = tpu.vector_load %arg20[%get3A_462, %get3A_463] {strides = array<i32>} : memref<80x128xf32, #tpu.memory_space<vmem>>, vector<1x16xf32>,
      %get3A_465 = vector.shape_cast %get3A_464 : vector<1x16xf32> to vector<16xf32>
      %max3A_466 = arith.constant 0.000000e+00 : f32
      %max3A_467 = vector.broadcast %max3A_466 : f32 to vector<16xf32>
      %max3A_468 = arith.maximumf %get3A_465, %max3A_467 : vector<16xf32>
      %swap3A_469 = arith.index_cast %scan3A_428 : i32 to index
      %swap3A_470 = arith.constant 48 : index
      %swap3A_471 = tpu.vector_load %arg20[%swap3A_469, %swap3A_470] {strides = array<i32>} : memref<80x128xf32, #tpu.memory_space<vmem>>, vector<1x16xf32>,
      %swap3A_472 = vector.shape_cast %swap3A_471 : vector<1x16xf32> to vector<16xf32>
      %swap3A_473 = vector.shape_cast %max3A_468 : vector<16xf32> to vector<1x16xf32>
      tpu.vector_store %arg20[%swap3A_469, %swap3A_470], %swap3A_473 {strides = array<i32>} : memref<80x128xf32, #tpu.memory_space<vmem>>, vector<1x16xf32>,
      %get3A_474 = arith.index_cast %scan3A_428 : i32 to index
      %get3A_475 = arith.constant 64 : index
      %get3A_476 = tpu.vector_load %arg20[%get3A_474, %get3A_475] {strides = array<i32>} : memref<80x128xf32, #tpu.memory_space<vmem>>, vector<1x16xf32>,
      %get3A_477 = vector.shape_cast %get3A_476 : vector<1x16xf32> to vector<16xf32>
      %max3A_478 = arith.constant 0.000000e+00 : f32
      %max3A_479 = vector.broadcast %max3A_478 : f32 to vector<16xf32>
      %max3A_480 = arith.maximumf %get3A_477, %max3A_479 : vector<16xf32>
      %swap3A_481 = arith.index_cast %scan3A_428 : i32 to index
      %swap3A_482 = arith.constant 64 : index
      %swap3A_483 = tpu.vector_load %arg20[%swap3A_481, %swap3A_482] {strides = array<i32>} : memref<80x128xf32, #tpu.memory_space<vmem>>, vector<1x16xf32>,
      %swap3A_484 = vector.shape_cast %swap3A_483 : vector<1x16xf32> to vector<16xf32>
      %swap3A_485 = vector.shape_cast %max3A_480 : vector<16xf32> to vector<1x16xf32>
      tpu.vector_store %arg20[%swap3A_481, %swap3A_482], %swap3A_485 {strides = array<i32>} : memref<80x128xf32, #tpu.memory_space<vmem>>, vector<1x16xf32>,
      %get3A_486 = arith.index_cast %scan3A_428 : i32 to index
      %get3A_487 = arith.constant 80 : index
      %get3A_488 = tpu.vector_load %arg20[%get3A_486, %get3A_487] {strides = array<i32>} : memref<80x128xf32, #tpu.memory_space<vmem>>, vector<1x16xf32>,
      %get3A_489 = vector.shape_cast %get3A_488 : vector<1x16xf32> to vector<16xf32>
      %max3A_490 = arith.constant 0.000000e+00 : f32
      %max3A_491 = vector.broadcast %max3A_490 : f32 to vector<16xf32>
      %max3A_492 = arith.maximumf %get3A_489, %max3A_491 : vector<16xf32>
      %swap3A_493 = arith.index_cast %scan3A_428 : i32 to index
      %swap3A_494 = arith.constant 80 : index
      %swap3A_495 = tpu.vector_load %arg20[%swap3A_493, %swap3A_494] {strides = array<i32>} : memref<80x128xf32, #tpu.memory_space<vmem>>, vector<1x16xf32>,
      %swap3A_496 = vector.shape_cast %swap3A_495 : vector<1x16xf32> to vector<16xf32>
      %swap3A_497 = vector.shape_cast %max3A_492 : vector<16xf32> to vector<1x16xf32>
      tpu.vector_store %arg20[%swap3A_493, %swap3A_494], %swap3A_497 {strides = array<i32>} : memref<80x128xf32, #tpu.memory_space<vmem>>, vector<1x16xf32>,
      %get3A_498 = arith.index_cast %scan3A_428 : i32 to index
      %get3A_499 = arith.constant 96 : index
      %get3A_500 = tpu.vector_load %arg20[%get3A_498, %get3A_499] {strides = array<i32>} : memref<80x128xf32, #tpu.memory_space<vmem>>, vector<1x16xf32>,
      %get3A_501 = vector.shape_cast %get3A_500 : vector<1x16xf32> to vector<16xf32>
      %max3A_502 = arith.constant 0.000000e+00 : f32
      %max3A_503 = vector.broadcast %max3A_502 : f32 to vector<16xf32>
      %max3A_504 = arith.maximumf %get3A_501, %max3A_503 : vector<16xf32>
      %swap3A_505 = arith.index_cast %scan3A_428 : i32 to index
      %swap3A_506 = arith.constant 96 : index
      %swap3A_507 = tpu.vector_load %arg20[%swap3A_505, %swap3A_506] {strides = array<i32>} : memref<80x128xf32, #tpu.memory_space<vmem>>, vector<1x16xf32>,
      %swap3A_508 = vector.shape_cast %swap3A_507 : vector<1x16xf32> to vector<16xf32>
      %swap3A_509 = vector.shape_cast %max3A_504 : vector<16xf32> to vector<1x16xf32>
      tpu.vector_store %arg20[%swap3A_505, %swap3A_506], %swap3A_509 {strides = array<i32>} : memref<80x128xf32, #tpu.memory_space<vmem>>, vector<1x16xf32>,
      %get3A_510 = arith.index_cast %scan3A_428 : i32 to index
      %get3A_511 = arith.constant 112 : index
      %get3A_512 = tpu.vector_load %arg20[%get3A_510, %get3A_511] {strides = array<i32>} : memref<80x128xf32, #tpu.memory_space<vmem>>, vector<1x16xf32>,
      %get3A_513 = vector.shape_cast %get3A_512 : vector<1x16xf32> to vector<16xf32>
      %max3A_514 = arith.constant 0.000000e+00 : f32
      %max3A_515 = vector.broadcast %max3A_514 : f32 to vector<16xf32>
      %max3A_516 = arith.maximumf %get3A_513, %max3A_515 : vector<16xf32>
      %swap3A_517 = arith.index_cast %scan3A_428 : i32 to index
      %swap3A_518 = arith.constant 112 : index
      %swap3A_519 = tpu.vector_load %arg20[%swap3A_517, %swap3A_518] {strides = array<i32>} : memref<80x128xf32, #tpu.memory_space<vmem>>, vector<1x16xf32>,
      %swap3A_520 = vector.shape_cast %swap3A_519 : vector<1x16xf32> to vector<16xf32>
      %swap3A_521 = vector.shape_cast %max3A_516 : vector<16xf32> to vector<1x16xf32>
      tpu.vector_store %arg20[%swap3A_517, %swap3A_518], %swap3A_521 {strides = array<i32>} : memref<80x128xf32, #tpu.memory_space<vmem>>, vector<1x16xf32>,
    }
    %scan3A_359 = arith.constant 80 : i32
    %dma_start3A_360 = arith.constant 0 : i32
    %dma_start3A_361 = tpu.memref_slice %arg7[%add3A_347, %dma_start3A_360] : memref<320000x128xf32, #tpu.memory_space<hbm>> -> memref<80x128xf32, #tpu.memory_space<hbm>>
    %dma_start3A_362 = arith.constant 0 : i32
    %dma_start3A_363 = tpu.memref_slice %arg7[%add3A_347, %dma_start3A_362] : memref<320000x128xf32, #tpu.memory_space<hbm>> -> memref<80x128xf32, #tpu.memory_space<hbm>>
    tpu.enqueue_dma source(%arg20 : memref<80x128xf32, #tpu.memory_space<vmem>>) target(%dma_start3A_363 : memref<80x128xf32, #tpu.memory_space<hbm>>) target_semaphore(%arg34 : memref<!tpu.dma_semaphore, #tpu.memory_space<semaphore_mem>>)
    %dma_start3A_364 = arith.constant 0 : i32
    %dma_start3A_365 = arith.constant 0 : i32
    %dma_start3A_366 = tpu.memref_slice %arg22[%dma_start3A_364, %dma_start3A_365] : memref<10240x128xf32, #tpu.memory_space<vmem_shared>> -> memref<10240x128xf32, #tpu.memory_space<vmem_shared>>
    tpu.enqueue_indirect_dma source(%arg20 : memref<80x128xf32, #tpu.memory_space<vmem>>) target(%dma_start3A_366 : memref<10240x128xf32, #tpu.memory_space<vmem_shared>>) offsets(%arg12 : memref<80xi32, #tpu.memory_space<vmem>>) semaphore(%arg38 : memref<!tpu.dma_semaphore, #tpu.memory_space<semaphore_mem>>) {add = true}
    %scan3A_367 = arith.constant 0 : i32
    %scan3A_368 = arith.constant 1 : i32
    %scan3A_369 = arith.constant 30 : i32
    %scan3A_370 = arith.addi %scan3A_368, %scan3A_369 : i32
    %scan3A_371 = arith.constant 1 : i32
    scf.for %scan3A_428 = %scan3A_368 to %scan3A_370 step %scan3A_371  : i32 {
      %mul3A_429 = arith.constant 4 : i32
      %mul3A_430 = arith.muli %mul3A_429, %scan3A_428 : i32
      %add3A_431 = arith.constant 0 : i32
      %add3A_432 = arith.addi %mul3A_430, %add3A_431 : i32
      %dma_wait3A_433 = arith.constant 0 : i32
      %dma_wait3A_434 = tpu.memref_slice %arg6[%dma_wait3A_433] : memref<320000xi32, #tpu.memory_space<hbm>> -> memref<80xi32, #tpu.memory_space<hbm>>
      %dma_wait3A_435 = arith.constant 0 : i32
      %dma_wait3A_436 = tpu.memref_slice %arg6[%dma_wait3A_435] : memref<320000xi32, #tpu.memory_space<hbm>> -> memref<80xi32, #tpu.memory_space<hbm>>
      tpu.wait_dma2 semaphore(%arg24 : memref<!tpu.dma_semaphore, #tpu.memory_space<semaphore_mem>>) src(%dma_wait3A_436 : memref<80xi32, #tpu.memory_space<hbm>>) dst(%arg10 : memref<80xi32, #tpu.memory_space<vmem>>)
      %dma_wait3A_437 = arith.constant 0 : i32
      %dma_wait3A_438 = tpu.memref_slice %arg5[%dma_wait3A_437] : memref<320000xi32, #tpu.memory_space<hbm>> -> memref<80xi32, #tpu.memory_space<hbm>>
      %dma_wait3A_439 = arith.constant 0 : i32
      %dma_wait3A_440 = tpu.memref_slice %arg5[%dma_wait3A_439] : memref<320000xi32, #tpu.memory_space<hbm>> -> memref<80xi32, #tpu.memory_space<hbm>>
      tpu.wait_dma2 semaphore(%arg24 : memref<!tpu.dma_semaphore, #tpu.memory_space<semaphore_mem>>) src(%dma_wait3A_440 : memref<80xi32, #tpu.memory_space<hbm>>) dst(%arg14 : memref<80xi32, #tpu.memory_space<vmem>>)
      %dma_wait3A_441 = arith.constant 0 : i32
      %dma_wait3A_442 = arith.constant 0 : i32
      %dma_wait3A_443 = tpu.memref_slice %arg2[%dma_wait3A_441, %dma_wait3A_442] : memref<320000x128xf32, #tpu.memory_space<hbm>> -> memref<80x128xf32, #tpu.memory_space<hbm>>
      %dma_wait3A_444 = arith.constant 0 : i32
      %dma_wait3A_445 = arith.constant 0 : i32
      %dma_wait3A_446 = tpu.memref_slice %arg2[%dma_wait3A_444, %dma_wait3A_445] : memref<320000x128xf32, #tpu.memory_space<hbm>> -> memref<80x128xf32, #tpu.memory_space<hbm>>
      tpu.wait_dma2 semaphore(%arg24 : memref<!tpu.dma_semaphore, #tpu.memory_space<semaphore_mem>>) src(%dma_wait3A_446 : memref<80x128xf32, #tpu.memory_space<hbm>>) dst(%arg18 : memref<80x128xf32, #tpu.memory_space<vmem>>)
      %dma_start3A_447 = arith.constant 0 : i32
      %dma_start3A_448 = arith.constant 0 : i32
      %dma_start3A_449 = tpu.memref_slice %arg3[%dma_start3A_447, %dma_start3A_448] : memref<10000x128xf32, #tpu.memory_space<hbm>> -> memref<10000x128xf32, #tpu.memory_space<hbm>>
      tpu.enqueue_indirect_dma source(%dma_start3A_449 : memref<10000x128xf32, #tpu.memory_space<hbm>>) target(%arg18 : memref<80x128xf32, #tpu.memory_space<vmem>>) offsets(%arg10 : memref<80xi32, #tpu.memory_space<vmem>>) semaphore(%arg28 : memref<!tpu.dma_semaphore, #tpu.memory_space<semaphore_mem>>) {add = true}
      %dma_start3A_450 = arith.constant 0 : i32
      %dma_start3A_451 = arith.constant 0 : i32
      %dma_start3A_452 = tpu.memref_slice %arg4[%dma_start3A_450, %dma_start3A_451] : memref<10000x128xf32, #tpu.memory_space<hbm>> -> memref<10000x128xf32, #tpu.memory_space<hbm>>
      tpu.enqueue_indirect_dma source(%dma_start3A_452 : memref<10000x128xf32, #tpu.memory_space<hbm>>) target(%arg18 : memref<80x128xf32, #tpu.memory_space<vmem>>) offsets(%arg14 : memref<80xi32, #tpu.memory_space<vmem>>) semaphore(%arg28 : memref<!tpu.dma_semaphore, #tpu.memory_space<semaphore_mem>>) {add = true}
      %dma_wait3A_453 = arith.constant 0 : i32
      %dma_wait3A_454 = arith.constant 0 : i32
      %dma_wait3A_455 = tpu.memref_slice %arg7[%dma_wait3A_453, %dma_wait3A_454] : memref<320000x128xf32, #tpu.memory_space<hbm>> -> memref<80x128xf32, #tpu.memory_space<hbm>>
      %dma_wait3A_456 = arith.constant 0 : i32
      %dma_wait3A_457 = arith.constant 0 : i32
      %dma_wait3A_458 = tpu.memref_slice %arg7[%dma_wait3A_456, %dma_wait3A_457] : memref<320000x128xf32, #tpu.memory_space<hbm>> -> memref<80x128xf32, #tpu.memory_space<hbm>>
      tpu.wait_dma2 semaphore(%arg33 : memref<!tpu.dma_semaphore, #tpu.memory_space<semaphore_mem>>) src(%arg19 : memref<80x128xf32, #tpu.memory_space<vmem>>) dst(%dma_wait3A_458 : memref<80x128xf32, #tpu.memory_space<hbm>>)
      %dma_wait3A_459 = arith.constant 0 : i32
      %dma_wait3A_460 = arith.constant 0 : i32
      %dma_wait3A_461 = tpu.memref_slice %arg22[%dma_wait3A_459, %dma_wait3A_460] : memref<10240x128xf32, #tpu.memory_space<vmem_shared>> -> memref<10240x128xf32, #tpu.memory_space<vmem_shared>>
      tpu.wait_indirect_dma semaphore(%arg37 : memref<!tpu.dma_semaphore, #tpu.memory_space<semaphore_mem>>) src(%arg19 : memref<80x128xf32, #tpu.memory_space<vmem>>) dst(%dma_wait3A_461 : memref<10240x128xf32, #tpu.memory_space<vmem_shared>>)
      %add3A_462 = arith.constant 2 : i32
      %add3A_463 = arith.addi %add3A_432, %add3A_462 : i32
      %lt3A = arith.constant 125 : i32
      %lt3A_464 = arith.cmpi slt, %add3A_463, %lt3A : i32
      %convert_element_type3A = arith.extui %lt3A_464 : i1 to i32
      %cond3A = arith.constant 0 : i32
      %cond3A_465 = arith.cmpi ne, %convert_element_type3A, %cond3A : i32
      scf.if %cond3A_465 {
        %add3A_676 = arith.constant 2 : i32
        %add3A_677 = arith.addi %add3A_432, %add3A_676 : i32
        %mul3A_678 = arith.constant 10000 : i32
        %mul3A_679 = arith.muli %add3A, %mul3A_678 : i32
        %mul3A_680 = arith.constant 80 : i32
        %mul3A_681 = arith.muli %add3A_677, %mul3A_680 : i32
        %add3A_682 = arith.addi %mul3A_679, %mul3A_681 : i32
        %dma_start3A_683 = tpu.memref_slice %arg6[%add3A_682] : memref<320000xi32, #tpu.memory_space<hbm>> -> memref<80xi32, #tpu.memory_space<hbm>>
        %dma_start3A_684 = tpu.memref_slice %arg6[%add3A_682] : memref<320000xi32, #tpu.memory_space<hbm>> -> memref<80xi32, #tpu.memory_space<hbm>>
        tpu.enqueue_dma source(%dma_start3A_684 : memref<80xi32, #tpu.memory_space<hbm>>) target(%arg11 : memref<80xi32, #tpu.memory_space<vmem>>) target_semaphore(%arg25 : memref<!tpu.dma_semaphore, #tpu.memory_space<semaphore_mem>>)
        %dma_start3A_685 = tpu.memref_slice %arg5[%add3A_682] : memref<320000xi32, #tpu.memory_space<hbm>> -> memref<80xi32, #tpu.memory_space<hbm>>
        %dma_start3A_686 = tpu.memref_slice %arg5[%add3A_682] : memref<320000xi32, #tpu.memory_space<hbm>> -> memref<80xi32, #tpu.memory_space<hbm>>
        tpu.enqueue_dma source(%dma_start3A_686 : memref<80xi32, #tpu.memory_space<hbm>>) target(%arg15 : memref<80xi32, #tpu.memory_space<vmem>>) target_semaphore(%arg25 : memref<!tpu.dma_semaphore, #tpu.memory_space<semaphore_mem>>)
        %dma_start3A_687 = arith.constant 0 : i32
        %dma_start3A_688 = tpu.memref_slice %arg2[%add3A_682, %dma_start3A_687] : memref<320000x128xf32, #tpu.memory_space<hbm>> -> memref<80x128xf32, #tpu.memory_space<hbm>>
        %dma_start3A_689 = arith.constant 0 : i32
        %dma_start3A_690 = tpu.memref_slice %arg2[%add3A_682, %dma_start3A_689] : memref<320000x128xf32, #tpu.memory_space<hbm>> -> memref<80x128xf32, #tpu.memory_space<hbm>>
        tpu.enqueue_dma source(%dma_start3A_690 : memref<80x128xf32, #tpu.memory_space<hbm>>) target(%arg19 : memref<80x128xf32, #tpu.memory_space<vmem>>) target_semaphore(%arg25 : memref<!tpu.dma_semaphore, #tpu.memory_space<semaphore_mem>>)
      } else {
      }
      %mul3A_466 = arith.constant 10000 : i32
      %mul3A_467 = arith.muli %add3A, %mul3A_466 : i32
      %mul3A_468 = arith.constant 80 : i32
      %mul3A_469 = arith.muli %add3A_432, %mul3A_468 : i32
      %add3A_470 = arith.addi %mul3A_467, %mul3A_469 : i32
      %dma_wait3A_471 = arith.constant 0 : i32
      %dma_wait3A_472 = arith.constant 0 : i32
      %dma_wait3A_473 = tpu.memref_slice %arg3[%dma_wait3A_471, %dma_wait3A_472] : memref<10000x128xf32, #tpu.memory_space<hbm>> -> memref<10000x128xf32, #tpu.memory_space<hbm>>
      tpu.wait_indirect_dma semaphore(%arg27 : memref<!tpu.dma_semaphore, #tpu.memory_space<semaphore_mem>>) src(%dma_wait3A_473 : memref<10000x128xf32, #tpu.memory_space<hbm>>) dst(%arg17 : memref<80x128xf32, #tpu.memory_space<vmem>>)
      %dma_wait3A_474 = arith.constant 0 : i32
      %dma_wait3A_475 = arith.constant 0 : i32
      %dma_wait3A_476 = tpu.memref_slice %arg4[%dma_wait3A_474, %dma_wait3A_475] : memref<10000x128xf32, #tpu.memory_space<hbm>> -> memref<10000x128xf32, #tpu.memory_space<hbm>>
      tpu.wait_indirect_dma semaphore(%arg27 : memref<!tpu.dma_semaphore, #tpu.memory_space<semaphore_mem>>) src(%dma_wait3A_476 : memref<10000x128xf32, #tpu.memory_space<hbm>>) dst(%arg17 : memref<80x128xf32, #tpu.memory_space<vmem>>)
      %scan3A_477 = arith.constant 0 : i32
      %scan3A_478 = arith.constant 0 : i32
      %scan3A_479 = arith.constant 80 : i32
      %scan3A_480 = arith.addi %scan3A_478, %scan3A_479 : i32
      %scan3A_481 = arith.constant 1 : i32
      scf.for %scan3A_676 = %scan3A_478 to %scan3A_480 step %scan3A_481  : i32 {
        %get3A = arith.index_cast %scan3A_676 : i32 to index
        %get3A_677 = arith.constant 0 : index
        %get3A_678 = tpu.vector_load %arg17[%get3A, %get3A_677] {strides = array<i32>} : memref<80x128xf32, #tpu.memory_space<vmem>>, vector<1x16xf32>,
        %get3A_679 = vector.shape_cast %get3A_678 : vector<1x16xf32> to vector<16xf32>
        %max3A = arith.constant 0.000000e+00 : f32
        %max3A_680 = vector.broadcast %max3A : f32 to vector<16xf32>
        %max3A_681 = arith.maximumf %get3A_679, %max3A_680 : vector<16xf32>
        %swap3A = arith.index_cast %scan3A_676 : i32 to index
        %swap3A_682 = arith.constant 0 : index
        %swap3A_683 = tpu.vector_load %arg17[%swap3A, %swap3A_682] {strides = array<i32>} : memref<80x128xf32, #tpu.memory_space<vmem>>, vector<1x16xf32>,
        %swap3A_684 = vector.shape_cast %swap3A_683 : vector<1x16xf32> to vector<16xf32>
        %swap3A_685 = vector.shape_cast %max3A_681 : vector<16xf32> to vector<1x16xf32>
        tpu.vector_store %arg17[%swap3A, %swap3A_682], %swap3A_685 {strides = array<i32>} : memref<80x128xf32, #tpu.memory_space<vmem>>, vector<1x16xf32>,
        %get3A_686 = arith.index_cast %scan3A_676 : i32 to index
        %get3A_687 = arith.constant 16 : index
        %get3A_688 = tpu.vector_load %arg17[%get3A_686, %get3A_687] {strides = array<i32>} : memref<80x128xf32, #tpu.memory_space<vmem>>, vector<1x16xf32>,
        %get3A_689 = vector.shape_cast %get3A_688 : vector<1x16xf32> to vector<16xf32>
        %max3A_690 = arith.constant 0.000000e+00 : f32
        %max3A_691 = vector.broadcast %max3A_690 : f32 to vector<16xf32>
        %max3A_692 = arith.maximumf %get3A_689, %max3A_691 : vector<16xf32>
        %swap3A_693 = arith.index_cast %scan3A_676 : i32 to index
        %swap3A_694 = arith.constant 16 : index
        %swap3A_695 = tpu.vector_load %arg17[%swap3A_693, %swap3A_694] {strides = array<i32>} : memref<80x128xf32, #tpu.memory_space<vmem>>, vector<1x16xf32>,
        %swap3A_696 = vector.shape_cast %swap3A_695 : vector<1x16xf32> to vector<16xf32>
        %swap3A_697 = vector.shape_cast %max3A_692 : vector<16xf32> to vector<1x16xf32>
        tpu.vector_store %arg17[%swap3A_693, %swap3A_694], %swap3A_697 {strides = array<i32>} : memref<80x128xf32, #tpu.memory_space<vmem>>, vector<1x16xf32>,
        %get3A_698 = arith.index_cast %scan3A_676 : i32 to index
        %get3A_699 = arith.constant 32 : index
        %get3A_700 = tpu.vector_load %arg17[%get3A_698, %get3A_699] {strides = array<i32>} : memref<80x128xf32, #tpu.memory_space<vmem>>, vector<1x16xf32>,
        %get3A_701 = vector.shape_cast %get3A_700 : vector<1x16xf32> to vector<16xf32>
        %max3A_702 = arith.constant 0.000000e+00 : f32
        %max3A_703 = vector.broadcast %max3A_702 : f32 to vector<16xf32>
        %max3A_704 = arith.maximumf %get3A_701, %max3A_703 : vector<16xf32>
        %swap3A_705 = arith.index_cast %scan3A_676 : i32 to index
        %swap3A_706 = arith.constant 32 : index
        %swap3A_707 = tpu.vector_load %arg17[%swap3A_705, %swap3A_706] {strides = array<i32>} : memref<80x128xf32, #tpu.memory_space<vmem>>, vector<1x16xf32>,
        %swap3A_708 = vector.shape_cast %swap3A_707 : vector<1x16xf32> to vector<16xf32>
        %swap3A_709 = vector.shape_cast %max3A_704 : vector<16xf32> to vector<1x16xf32>
        tpu.vector_store %arg17[%swap3A_705, %swap3A_706], %swap3A_709 {strides = array<i32>} : memref<80x128xf32, #tpu.memory_space<vmem>>, vector<1x16xf32>,
        %get3A_710 = arith.index_cast %scan3A_676 : i32 to index
        %get3A_711 = arith.constant 48 : index
        %get3A_712 = tpu.vector_load %arg17[%get3A_710, %get3A_711] {strides = array<i32>} : memref<80x128xf32, #tpu.memory_space<vmem>>, vector<1x16xf32>,
        %get3A_713 = vector.shape_cast %get3A_712 : vector<1x16xf32> to vector<16xf32>
        %max3A_714 = arith.constant 0.000000e+00 : f32
        %max3A_715 = vector.broadcast %max3A_714 : f32 to vector<16xf32>
        %max3A_716 = arith.maximumf %get3A_713, %max3A_715 : vector<16xf32>
        %swap3A_717 = arith.index_cast %scan3A_676 : i32 to index
        %swap3A_718 = arith.constant 48 : index
        %swap3A_719 = tpu.vector_load %arg17[%swap3A_717, %swap3A_718] {strides = array<i32>} : memref<80x128xf32, #tpu.memory_space<vmem>>, vector<1x16xf32>,
        %swap3A_720 = vector.shape_cast %swap3A_719 : vector<1x16xf32> to vector<16xf32>
        %swap3A_721 = vector.shape_cast %max3A_716 : vector<16xf32> to vector<1x16xf32>
        tpu.vector_store %arg17[%swap3A_717, %swap3A_718], %swap3A_721 {strides = array<i32>} : memref<80x128xf32, #tpu.memory_space<vmem>>, vector<1x16xf32>,
        %get3A_722 = arith.index_cast %scan3A_676 : i32 to index
        %get3A_723 = arith.constant 64 : index
        %get3A_724 = tpu.vector_load %arg17[%get3A_722, %get3A_723] {strides = array<i32>} : memref<80x128xf32, #tpu.memory_space<vmem>>, vector<1x16xf32>,
        %get3A_725 = vector.shape_cast %get3A_724 : vector<1x16xf32> to vector<16xf32>
        %max3A_726 = arith.constant 0.000000e+00 : f32
        %max3A_727 = vector.broadcast %max3A_726 : f32 to vector<16xf32>
        %max3A_728 = arith.maximumf %get3A_725, %max3A_727 : vector<16xf32>
        %swap3A_729 = arith.index_cast %scan3A_676 : i32 to index
        %swap3A_730 = arith.constant 64 : index
        %swap3A_731 = tpu.vector_load %arg17[%swap3A_729, %swap3A_730] {strides = array<i32>} : memref<80x128xf32, #tpu.memory_space<vmem>>, vector<1x16xf32>,
        %swap3A_732 = vector.shape_cast %swap3A_731 : vector<1x16xf32> to vector<16xf32>
        %swap3A_733 = vector.shape_cast %max3A_728 : vector<16xf32> to vector<1x16xf32>
        tpu.vector_store %arg17[%swap3A_729, %swap3A_730], %swap3A_733 {strides = array<i32>} : memref<80x128xf32, #tpu.memory_space<vmem>>, vector<1x16xf32>,
        %get3A_734 = arith.index_cast %scan3A_676 : i32 to index
        %get3A_735 = arith.constant 80 : index
        %get3A_736 = tpu.vector_load %arg17[%get3A_734, %get3A_735] {strides = array<i32>} : memref<80x128xf32, #tpu.memory_space<vmem>>, vector<1x16xf32>,
        %get3A_737 = vector.shape_cast %get3A_736 : vector<1x16xf32> to vector<16xf32>
        %max3A_738 = arith.constant 0.000000e+00 : f32
        %max3A_739 = vector.broadcast %max3A_738 : f32 to vector<16xf32>
        %max3A_740 = arith.maximumf %get3A_737, %max3A_739 : vector<16xf32>
        %swap3A_741 = arith.index_cast %scan3A_676 : i32 to index
        %swap3A_742 = arith.constant 80 : index
        %swap3A_743 = tpu.vector_load %arg17[%swap3A_741, %swap3A_742] {strides = array<i32>} : memref<80x128xf32, #tpu.memory_space<vmem>>, vector<1x16xf32>,
        %swap3A_744 = vector.shape_cast %swap3A_743 : vector<1x16xf32> to vector<16xf32>
        %swap3A_745 = vector.shape_cast %max3A_740 : vector<16xf32> to vector<1x16xf32>
        tpu.vector_store %arg17[%swap3A_741, %swap3A_742], %swap3A_745 {strides = array<i32>} : memref<80x128xf32, #tpu.memory_space<vmem>>, vector<1x16xf32>,
        %get3A_746 = arith.index_cast %scan3A_676 : i32 to index
        %get3A_747 = arith.constant 96 : index
        %get3A_748 = tpu.vector_load %arg17[%get3A_746, %get3A_747] {strides = array<i32>} : memref<80x128xf32, #tpu.memory_space<vmem>>, vector<1x16xf32>,
        %get3A_749 = vector.shape_cast %get3A_748 : vector<1x16xf32> to vector<16xf32>
        %max3A_750 = arith.constant 0.000000e+00 : f32
        %max3A_751 = vector.broadcast %max3A_750 : f32 to vector<16xf32>
        %max3A_752 = arith.maximumf %get3A_749, %max3A_751 : vector<16xf32>
        %swap3A_753 = arith.index_cast %scan3A_676 : i32 to index
        %swap3A_754 = arith.constant 96 : index
        %swap3A_755 = tpu.vector_load %arg17[%swap3A_753, %swap3A_754] {strides = array<i32>} : memref<80x128xf32, #tpu.memory_space<vmem>>, vector<1x16xf32>,
        %swap3A_756 = vector.shape_cast %swap3A_755 : vector<1x16xf32> to vector<16xf32>
        %swap3A_757 = vector.shape_cast %max3A_752 : vector<16xf32> to vector<1x16xf32>
        tpu.vector_store %arg17[%swap3A_753, %swap3A_754], %swap3A_757 {strides = array<i32>} : memref<80x128xf32, #tpu.memory_space<vmem>>, vector<1x16xf32>,
        %get3A_758 = arith.index_cast %scan3A_676 : i32 to index
        %get3A_759 = arith.constant 112 : index
        %get3A_760 = tpu.vector_load %arg17[%get3A_758, %get3A_759] {strides = array<i32>} : memref<80x128xf32, #tpu.memory_space<vmem>>, vector<1x16xf32>,
        %get3A_761 = vector.shape_cast %get3A_760 : vector<1x16xf32> to vector<16xf32>
        %max3A_762 = arith.constant 0.000000e+00 : f32
        %max3A_763 = vector.broadcast %max3A_762 : f32 to vector<16xf32>
        %max3A_764 = arith.maximumf %get3A_761, %max3A_763 : vector<16xf32>
        %swap3A_765 = arith.index_cast %scan3A_676 : i32 to index
        %swap3A_766 = arith.constant 112 : index
        %swap3A_767 = tpu.vector_load %arg17[%swap3A_765, %swap3A_766] {strides = array<i32>} : memref<80x128xf32, #tpu.memory_space<vmem>>, vector<1x16xf32>,
        %swap3A_768 = vector.shape_cast %swap3A_767 : vector<1x16xf32> to vector<16xf32>
        %swap3A_769 = vector.shape_cast %max3A_764 : vector<16xf32> to vector<1x16xf32>
        tpu.vector_store %arg17[%swap3A_765, %swap3A_766], %swap3A_769 {strides = array<i32>} : memref<80x128xf32, #tpu.memory_space<vmem>>, vector<1x16xf32>,
      }
      %scan3A_482 = arith.constant 80 : i32
      %dma_start3A_483 = arith.constant 0 : i32
      %dma_start3A_484 = tpu.memref_slice %arg7[%add3A_470, %dma_start3A_483] : memref<320000x128xf32, #tpu.memory_space<hbm>> -> memref<80x128xf32, #tpu.memory_space<hbm>>
      %dma_start3A_485 = arith.constant 0 : i32
      %dma_start3A_486 = tpu.memref_slice %arg7[%add3A_470, %dma_start3A_485] : memref<320000x128xf32, #tpu.memory_space<hbm>> -> memref<80x128xf32, #tpu.memory_space<hbm>>
      tpu.enqueue_dma source(%arg17 : memref<80x128xf32, #tpu.memory_space<vmem>>) target(%dma_start3A_486 : memref<80x128xf32, #tpu.memory_space<hbm>>) target_semaphore(%arg31 : memref<!tpu.dma_semaphore, #tpu.memory_space<semaphore_mem>>)
      %dma_start3A_487 = arith.constant 0 : i32
      %dma_start3A_488 = arith.constant 0 : i32
      %dma_start3A_489 = tpu.memref_slice %arg22[%dma_start3A_487, %dma_start3A_488] : memref<10240x128xf32, #tpu.memory_space<vmem_shared>> -> memref<10240x128xf32, #tpu.memory_space<vmem_shared>>
      tpu.enqueue_indirect_dma source(%arg17 : memref<80x128xf32, #tpu.memory_space<vmem>>) target(%dma_start3A_489 : memref<10240x128xf32, #tpu.memory_space<vmem_shared>>) offsets(%arg9 : memref<80xi32, #tpu.memory_space<vmem>>) semaphore(%arg35 : memref<!tpu.dma_semaphore, #tpu.memory_space<semaphore_mem>>) {add = true}
      %add3A_490 = arith.constant 1 : i32
      %add3A_491 = arith.addi %mul3A_430, %add3A_490 : i32
      %dma_wait3A_492 = arith.constant 0 : i32
      %dma_wait3A_493 = tpu.memref_slice %arg6[%dma_wait3A_492] : memref<320000xi32, #tpu.memory_space<hbm>> -> memref<80xi32, #tpu.memory_space<hbm>>
      %dma_wait3A_494 = arith.constant 0 : i32
      %dma_wait3A_495 = tpu.memref_slice %arg6[%dma_wait3A_494] : memref<320000xi32, #tpu.memory_space<hbm>> -> memref<80xi32, #tpu.memory_space<hbm>>
      tpu.wait_dma2 semaphore(%arg25 : memref<!tpu.dma_semaphore, #tpu.memory_space<semaphore_mem>>) src(%dma_wait3A_495 : memref<80xi32, #tpu.memory_space<hbm>>) dst(%arg11 : memref<80xi32, #tpu.memory_space<vmem>>)
      %dma_wait3A_496 = arith.constant 0 : i32
      %dma_wait3A_497 = tpu.memref_slice %arg5[%dma_wait3A_496] : memref<320000xi32, #tpu.memory_space<hbm>> -> memref<80xi32, #tpu.memory_space<hbm>>
      %dma_wait3A_498 = arith.constant 0 : i32
      %dma_wait3A_499 = tpu.memref_slice %arg5[%dma_wait3A_498] : memref<320000xi32, #tpu.memory_space<hbm>> -> memref<80xi32, #tpu.memory_space<hbm>>
      tpu.wait_dma2 semaphore(%arg25 : memref<!tpu.dma_semaphore, #tpu.memory_space<semaphore_mem>>) src(%dma_wait3A_499 : memref<80xi32, #tpu.memory_space<hbm>>) dst(%arg15 : memref<80xi32, #tpu.memory_space<vmem>>)
      %dma_wait3A_500 = arith.constant 0 : i32
      %dma_wait3A_501 = arith.constant 0 : i32
      %dma_wait3A_502 = tpu.memref_slice %arg2[%dma_wait3A_500, %dma_wait3A_501] : memref<320000x128xf32, #tpu.memory_space<hbm>> -> memref<80x128xf32, #tpu.memory_space<hbm>>
      %dma_wait3A_503 = arith.constant 0 : i32
      %dma_wait3A_504 = arith.constant 0 : i32
      %dma_wait3A_505 = tpu.memref_slice %arg2[%dma_wait3A_503, %dma_wait3A_504] : memref<320000x128xf32, #tpu.memory_space<hbm>> -> memref<80x128xf32, #tpu.memory_space<hbm>>
      tpu.wait_dma2 semaphore(%arg25 : memref<!tpu.dma_semaphore, #tpu.memory_space<semaphore_mem>>) src(%dma_wait3A_505 : memref<80x128xf32, #tpu.memory_space<hbm>>) dst(%arg19 : memref<80x128xf32, #tpu.memory_space<vmem>>)
      %dma_start3A_506 = arith.constant 0 : i32
      %dma_start3A_507 = arith.constant 0 : i32
      %dma_start3A_508 = tpu.memref_slice %arg3[%dma_start3A_506, %dma_start3A_507] : memref<10000x128xf32, #tpu.memory_space<hbm>> -> memref<10000x128xf32, #tpu.memory_space<hbm>>
      tpu.enqueue_indirect_dma source(%dma_start3A_508 : memref<10000x128xf32, #tpu.memory_space<hbm>>) target(%arg19 : memref<80x128xf32, #tpu.memory_space<vmem>>) offsets(%arg11 : memref<80xi32, #tpu.memory_space<vmem>>) semaphore(%arg29 : memref<!tpu.dma_semaphore, #tpu.memory_space<semaphore_mem>>) {add = true}
      %dma_start3A_509 = arith.constant 0 : i32
      %dma_start3A_510 = arith.constant 0 : i32
      %dma_start3A_511 = tpu.memref_slice %arg4[%dma_start3A_509, %dma_start3A_510] : memref<10000x128xf32, #tpu.memory_space<hbm>> -> memref<10000x128xf32, #tpu.memory_space<hbm>>
      tpu.enqueue_indirect_dma source(%dma_start3A_511 : memref<10000x128xf32, #tpu.memory_space<hbm>>) target(%arg19 : memref<80x128xf32, #tpu.memory_space<vmem>>) offsets(%arg15 : memref<80xi32, #tpu.memory_space<vmem>>) semaphore(%arg29 : memref<!tpu.dma_semaphore, #tpu.memory_space<semaphore_mem>>) {add = true}
      %dma_wait3A_512 = arith.constant 0 : i32
      %dma_wait3A_513 = arith.constant 0 : i32
      %dma_wait3A_514 = tpu.memref_slice %arg7[%dma_wait3A_512, %dma_wait3A_513] : memref<320000x128xf32, #tpu.memory_space<hbm>> -> memref<80x128xf32, #tpu.memory_space<hbm>>
      %dma_wait3A_515 = arith.constant 0 : i32
      %dma_wait3A_516 = arith.constant 0 : i32
      %dma_wait3A_517 = tpu.memref_slice %arg7[%dma_wait3A_515, %dma_wait3A_516] : memref<320000x128xf32, #tpu.memory_space<hbm>> -> memref<80x128xf32, #tpu.memory_space<hbm>>
      tpu.wait_dma2 semaphore(%arg34 : memref<!tpu.dma_semaphore, #tpu.memory_space<semaphore_mem>>) src(%arg20 : memref<80x128xf32, #tpu.memory_space<vmem>>) dst(%dma_wait3A_517 : memref<80x128xf32, #tpu.memory_space<hbm>>)
      %dma_wait3A_518 = arith.constant 0 : i32
      %dma_wait3A_519 = arith.constant 0 : i32
      %dma_wait3A_520 = tpu.memref_slice %arg22[%dma_wait3A_518, %dma_wait3A_519] : memref<10240x128xf32, #tpu.memory_space<vmem_shared>> -> memref<10240x128xf32, #tpu.memory_space<vmem_shared>>
      tpu.wait_indirect_dma semaphore(%arg38 : memref<!tpu.dma_semaphore, #tpu.memory_space<semaphore_mem>>) src(%arg20 : memref<80x128xf32, #tpu.memory_space<vmem>>) dst(%dma_wait3A_520 : memref<10240x128xf32, #tpu.memory_space<vmem_shared>>)
      %add3A_521 = arith.constant 2 : i32
      %add3A_522 = arith.addi %add3A_491, %add3A_521 : i32
      %lt3A_523 = arith.constant 125 : i32
      %lt3A_524 = arith.cmpi slt, %add3A_522, %lt3A_523 : i32
      %convert_element_type3A_525 = arith.extui %lt3A_524 : i1 to i32
      %cond3A_526 = arith.constant 0 : i32
      %cond3A_527 = arith.cmpi ne, %convert_element_type3A_525, %cond3A_526 : i32
      scf.if %cond3A_527 {
        %add3A_676 = arith.constant 2 : i32
        %add3A_677 = arith.addi %add3A_491, %add3A_676 : i32
        %mul3A_678 = arith.constant 10000 : i32
        %mul3A_679 = arith.muli %add3A, %mul3A_678 : i32
        %mul3A_680 = arith.constant 80 : i32
        %mul3A_681 = arith.muli %add3A_677, %mul3A_680 : i32
        %add3A_682 = arith.addi %mul3A_679, %mul3A_681 : i32
        %dma_start3A_683 = tpu.memref_slice %arg6[%add3A_682] : memref<320000xi32, #tpu.memory_space<hbm>> -> memref<80xi32, #tpu.memory_space<hbm>>
        %dma_start3A_684 = tpu.memref_slice %arg6[%add3A_682] : memref<320000xi32, #tpu.memory_space<hbm>> -> memref<80xi32, #tpu.memory_space<hbm>>
        tpu.enqueue_dma source(%dma_start3A_684 : memref<80xi32, #tpu.memory_space<hbm>>) target(%arg12 : memref<80xi32, #tpu.memory_space<vmem>>) target_semaphore(%arg26 : memref<!tpu.dma_semaphore, #tpu.memory_space<semaphore_mem>>)
        %dma_start3A_685 = tpu.memref_slice %arg5[%add3A_682] : memref<320000xi32, #tpu.memory_space<hbm>> -> memref<80xi32, #tpu.memory_space<hbm>>
        %dma_start3A_686 = tpu.memref_slice %arg5[%add3A_682] : memref<320000xi32, #tpu.memory_space<hbm>> -> memref<80xi32, #tpu.memory_space<hbm>>
        tpu.enqueue_dma source(%dma_start3A_686 : memref<80xi32, #tpu.memory_space<hbm>>) target(%arg16 : memref<80xi32, #tpu.memory_space<vmem>>) target_semaphore(%arg26 : memref<!tpu.dma_semaphore, #tpu.memory_space<semaphore_mem>>)
        %dma_start3A_687 = arith.constant 0 : i32
        %dma_start3A_688 = tpu.memref_slice %arg2[%add3A_682, %dma_start3A_687] : memref<320000x128xf32, #tpu.memory_space<hbm>> -> memref<80x128xf32, #tpu.memory_space<hbm>>
        %dma_start3A_689 = arith.constant 0 : i32
        %dma_start3A_690 = tpu.memref_slice %arg2[%add3A_682, %dma_start3A_689] : memref<320000x128xf32, #tpu.memory_space<hbm>> -> memref<80x128xf32, #tpu.memory_space<hbm>>
        tpu.enqueue_dma source(%dma_start3A_690 : memref<80x128xf32, #tpu.memory_space<hbm>>) target(%arg20 : memref<80x128xf32, #tpu.memory_space<vmem>>) target_semaphore(%arg26 : memref<!tpu.dma_semaphore, #tpu.memory_space<semaphore_mem>>)
      } else {
      }
      %mul3A_528 = arith.constant 10000 : i32
      %mul3A_529 = arith.muli %add3A, %mul3A_528 : i32
      %mul3A_530 = arith.constant 80 : i32
      %mul3A_531 = arith.muli %add3A_491, %mul3A_530 : i32
      %add3A_532 = arith.addi %mul3A_529, %mul3A_531 : i32
      %dma_wait3A_533 = arith.constant 0 : i32
      %dma_wait3A_534 = arith.constant 0 : i32
      %dma_wait3A_535 = tpu.memref_slice %arg3[%dma_wait3A_533, %dma_wait3A_534] : memref<10000x128xf32, #tpu.memory_space<hbm>> -> memref<10000x128xf32, #tpu.memory_space<hbm>>
      tpu.wait_indirect_dma semaphore(%arg28 : memref<!tpu.dma_semaphore, #tpu.memory_space<semaphore_mem>>) src(%dma_wait3A_535 : memref<10000x128xf32, #tpu.memory_space<hbm>>) dst(%arg18 : memref<80x128xf32, #tpu.memory_space<vmem>>)
      %dma_wait3A_536 = arith.constant 0 : i32
      %dma_wait3A_537 = arith.constant 0 : i32
      %dma_wait3A_538 = tpu.memref_slice %arg4[%dma_wait3A_536, %dma_wait3A_537] : memref<10000x128xf32, #tpu.memory_space<hbm>> -> memref<10000x128xf32, #tpu.memory_space<hbm>>
      tpu.wait_indirect_dma semaphore(%arg28 : memref<!tpu.dma_semaphore, #tpu.memory_space<semaphore_mem>>) src(%dma_wait3A_538 : memref<10000x128xf32, #tpu.memory_space<hbm>>) dst(%arg18 : memref<80x128xf32, #tpu.memory_space<vmem>>)
      %scan3A_539 = arith.constant 0 : i32
      %scan3A_540 = arith.constant 0 : i32
      %scan3A_541 = arith.constant 80 : i32
      %scan3A_542 = arith.addi %scan3A_540, %scan3A_541 : i32
      %scan3A_543 = arith.constant 1 : i32
      scf.for %scan3A_676 = %scan3A_540 to %scan3A_542 step %scan3A_543  : i32 {
        %get3A = arith.index_cast %scan3A_676 : i32 to index
        %get3A_677 = arith.constant 0 : index
        %get3A_678 = tpu.vector_load %arg18[%get3A, %get3A_677] {strides = array<i32>} : memref<80x128xf32, #tpu.memory_space<vmem>>, vector<1x16xf32>,
        %get3A_679 = vector.shape_cast %get3A_678 : vector<1x16xf32> to vector<16xf32>
        %max3A = arith.constant 0.000000e+00 : f32
        %max3A_680 = vector.broadcast %max3A : f32 to vector<16xf32>
        %max3A_681 = arith.maximumf %get3A_679, %max3A_680 : vector<16xf32>
        %swap3A = arith.index_cast %scan3A_676 : i32 to index
        %swap3A_682 = arith.constant 0 : index
        %swap3A_683 = tpu.vector_load %arg18[%swap3A, %swap3A_682] {strides = array<i32>} : memref<80x128xf32, #tpu.memory_space<vmem>>, vector<1x16xf32>,
        %swap3A_684 = vector.shape_cast %swap3A_683 : vector<1x16xf32> to vector<16xf32>
        %swap3A_685 = vector.shape_cast %max3A_681 : vector<16xf32> to vector<1x16xf32>
        tpu.vector_store %arg18[%swap3A, %swap3A_682], %swap3A_685 {strides = array<i32>} : memref<80x128xf32, #tpu.memory_space<vmem>>, vector<1x16xf32>,
        %get3A_686 = arith.index_cast %scan3A_676 : i32 to index
        %get3A_687 = arith.constant 16 : index
        %get3A_688 = tpu.vector_load %arg18[%get3A_686, %get3A_687] {strides = array<i32>} : memref<80x128xf32, #tpu.memory_space<vmem>>, vector<1x16xf32>,
        %get3A_689 = vector.shape_cast %get3A_688 : vector<1x16xf32> to vector<16xf32>
        %max3A_690 = arith.constant 0.000000e+00 : f32
        %max3A_691 = vector.broadcast %max3A_690 : f32 to vector<16xf32>
        %max3A_692 = arith.maximumf %get3A_689, %max3A_691 : vector<16xf32>
        %swap3A_693 = arith.index_cast %scan3A_676 : i32 to index
        %swap3A_694 = arith.constant 16 : index
        %swap3A_695 = tpu.vector_load %arg18[%swap3A_693, %swap3A_694] {strides = array<i32>} : memref<80x128xf32, #tpu.memory_space<vmem>>, vector<1x16xf32>,
        %swap3A_696 = vector.shape_cast %swap3A_695 : vector<1x16xf32> to vector<16xf32>
        %swap3A_697 = vector.shape_cast %max3A_692 : vector<16xf32> to vector<1x16xf32>
        tpu.vector_store %arg18[%swap3A_693, %swap3A_694], %swap3A_697 {strides = array<i32>} : memref<80x128xf32, #tpu.memory_space<vmem>>, vector<1x16xf32>,
        %get3A_698 = arith.index_cast %scan3A_676 : i32 to index
        %get3A_699 = arith.constant 32 : index
        %get3A_700 = tpu.vector_load %arg18[%get3A_698, %get3A_699] {strides = array<i32>} : memref<80x128xf32, #tpu.memory_space<vmem>>, vector<1x16xf32>,
        %get3A_701 = vector.shape_cast %get3A_700 : vector<1x16xf32> to vector<16xf32>
        %max3A_702 = arith.constant 0.000000e+00 : f32
        %max3A_703 = vector.broadcast %max3A_702 : f32 to vector<16xf32>
        %max3A_704 = arith.maximumf %get3A_701, %max3A_703 : vector<16xf32>
        %swap3A_705 = arith.index_cast %scan3A_676 : i32 to index
        %swap3A_706 = arith.constant 32 : index
        %swap3A_707 = tpu.vector_load %arg18[%swap3A_705, %swap3A_706] {strides = array<i32>} : memref<80x128xf32, #tpu.memory_space<vmem>>, vector<1x16xf32>,
        %swap3A_708 = vector.shape_cast %swap3A_707 : vector<1x16xf32> to vector<16xf32>
        %swap3A_709 = vector.shape_cast %max3A_704 : vector<16xf32> to vector<1x16xf32>
        tpu.vector_store %arg18[%swap3A_705, %swap3A_706], %swap3A_709 {strides = array<i32>} : memref<80x128xf32, #tpu.memory_space<vmem>>, vector<1x16xf32>,
        %get3A_710 = arith.index_cast %scan3A_676 : i32 to index
        %get3A_711 = arith.constant 48 : index
        %get3A_712 = tpu.vector_load %arg18[%get3A_710, %get3A_711] {strides = array<i32>} : memref<80x128xf32, #tpu.memory_space<vmem>>, vector<1x16xf32>,
        %get3A_713 = vector.shape_cast %get3A_712 : vector<1x16xf32> to vector<16xf32>
        %max3A_714 = arith.constant 0.000000e+00 : f32
        %max3A_715 = vector.broadcast %max3A_714 : f32 to vector<16xf32>
        %max3A_716 = arith.maximumf %get3A_713, %max3A_715 : vector<16xf32>
        %swap3A_717 = arith.index_cast %scan3A_676 : i32 to index
        %swap3A_718 = arith.constant 48 : index
        %swap3A_719 = tpu.vector_load %arg18[%swap3A_717, %swap3A_718] {strides = array<i32>} : memref<80x128xf32, #tpu.memory_space<vmem>>, vector<1x16xf32>,
        %swap3A_720 = vector.shape_cast %swap3A_719 : vector<1x16xf32> to vector<16xf32>
        %swap3A_721 = vector.shape_cast %max3A_716 : vector<16xf32> to vector<1x16xf32>
        tpu.vector_store %arg18[%swap3A_717, %swap3A_718], %swap3A_721 {strides = array<i32>} : memref<80x128xf32, #tpu.memory_space<vmem>>, vector<1x16xf32>,
        %get3A_722 = arith.index_cast %scan3A_676 : i32 to index
        %get3A_723 = arith.constant 64 : index
        %get3A_724 = tpu.vector_load %arg18[%get3A_722, %get3A_723] {strides = array<i32>} : memref<80x128xf32, #tpu.memory_space<vmem>>, vector<1x16xf32>,
        %get3A_725 = vector.shape_cast %get3A_724 : vector<1x16xf32> to vector<16xf32>
        %max3A_726 = arith.constant 0.000000e+00 : f32
        %max3A_727 = vector.broadcast %max3A_726 : f32 to vector<16xf32>
        %max3A_728 = arith.maximumf %get3A_725, %max3A_727 : vector<16xf32>
        %swap3A_729 = arith.index_cast %scan3A_676 : i32 to index
        %swap3A_730 = arith.constant 64 : index
        %swap3A_731 = tpu.vector_load %arg18[%swap3A_729, %swap3A_730] {strides = array<i32>} : memref<80x128xf32, #tpu.memory_space<vmem>>, vector<1x16xf32>,
        %swap3A_732 = vector.shape_cast %swap3A_731 : vector<1x16xf32> to vector<16xf32>
        %swap3A_733 = vector.shape_cast %max3A_728 : vector<16xf32> to vector<1x16xf32>
        tpu.vector_store %arg18[%swap3A_729, %swap3A_730], %swap3A_733 {strides = array<i32>} : memref<80x128xf32, #tpu.memory_space<vmem>>, vector<1x16xf32>,
        %get3A_734 = arith.index_cast %scan3A_676 : i32 to index
        %get3A_735 = arith.constant 80 : index
        %get3A_736 = tpu.vector_load %arg18[%get3A_734, %get3A_735] {strides = array<i32>} : memref<80x128xf32, #tpu.memory_space<vmem>>, vector<1x16xf32>,
        %get3A_737 = vector.shape_cast %get3A_736 : vector<1x16xf32> to vector<16xf32>
        %max3A_738 = arith.constant 0.000000e+00 : f32
        %max3A_739 = vector.broadcast %max3A_738 : f32 to vector<16xf32>
        %max3A_740 = arith.maximumf %get3A_737, %max3A_739 : vector<16xf32>
        %swap3A_741 = arith.index_cast %scan3A_676 : i32 to index
        %swap3A_742 = arith.constant 80 : index
        %swap3A_743 = tpu.vector_load %arg18[%swap3A_741, %swap3A_742] {strides = array<i32>} : memref<80x128xf32, #tpu.memory_space<vmem>>, vector<1x16xf32>,
        %swap3A_744 = vector.shape_cast %swap3A_743 : vector<1x16xf32> to vector<16xf32>
        %swap3A_745 = vector.shape_cast %max3A_740 : vector<16xf32> to vector<1x16xf32>
        tpu.vector_store %arg18[%swap3A_741, %swap3A_742], %swap3A_745 {strides = array<i32>} : memref<80x128xf32, #tpu.memory_space<vmem>>, vector<1x16xf32>,
        %get3A_746 = arith.index_cast %scan3A_676 : i32 to index
        %get3A_747 = arith.constant 96 : index
        %get3A_748 = tpu.vector_load %arg18[%get3A_746, %get3A_747] {strides = array<i32>} : memref<80x128xf32, #tpu.memory_space<vmem>>, vector<1x16xf32>,
        %get3A_749 = vector.shape_cast %get3A_748 : vector<1x16xf32> to vector<16xf32>
        %max3A_750 = arith.constant 0.000000e+00 : f32
        %max3A_751 = vector.broadcast %max3A_750 : f32 to vector<16xf32>
        %max3A_752 = arith.maximumf %get3A_749, %max3A_751 : vector<16xf32>
        %swap3A_753 = arith.index_cast %scan3A_676 : i32 to index
        %swap3A_754 = arith.constant 96 : index
        %swap3A_755 = tpu.vector_load %arg18[%swap3A_753, %swap3A_754] {strides = array<i32>} : memref<80x128xf32, #tpu.memory_space<vmem>>, vector<1x16xf32>,
        %swap3A_756 = vector.shape_cast %swap3A_755 : vector<1x16xf32> to vector<16xf32>
        %swap3A_757 = vector.shape_cast %max3A_752 : vector<16xf32> to vector<1x16xf32>
        tpu.vector_store %arg18[%swap3A_753, %swap3A_754], %swap3A_757 {strides = array<i32>} : memref<80x128xf32, #tpu.memory_space<vmem>>, vector<1x16xf32>,
        %get3A_758 = arith.index_cast %scan3A_676 : i32 to index
        %get3A_759 = arith.constant 112 : index
        %get3A_760 = tpu.vector_load %arg18[%get3A_758, %get3A_759] {strides = array<i32>} : memref<80x128xf32, #tpu.memory_space<vmem>>, vector<1x16xf32>,
        %get3A_761 = vector.shape_cast %get3A_760 : vector<1x16xf32> to vector<16xf32>
        %max3A_762 = arith.constant 0.000000e+00 : f32
        %max3A_763 = vector.broadcast %max3A_762 : f32 to vector<16xf32>
        %max3A_764 = arith.maximumf %get3A_761, %max3A_763 : vector<16xf32>
        %swap3A_765 = arith.index_cast %scan3A_676 : i32 to index
        %swap3A_766 = arith.constant 112 : index
        %swap3A_767 = tpu.vector_load %arg18[%swap3A_765, %swap3A_766] {strides = array<i32>} : memref<80x128xf32, #tpu.memory_space<vmem>>, vector<1x16xf32>,
        %swap3A_768 = vector.shape_cast %swap3A_767 : vector<1x16xf32> to vector<16xf32>
        %swap3A_769 = vector.shape_cast %max3A_764 : vector<16xf32> to vector<1x16xf32>
        tpu.vector_store %arg18[%swap3A_765, %swap3A_766], %swap3A_769 {strides = array<i32>} : memref<80x128xf32, #tpu.memory_space<vmem>>, vector<1x16xf32>,
      }
      %scan3A_544 = arith.constant 80 : i32
      %dma_start3A_545 = arith.constant 0 : i32
      %dma_start3A_546 = tpu.memref_slice %arg7[%add3A_532, %dma_start3A_545] : memref<320000x128xf32, #tpu.memory_space<hbm>> -> memref<80x128xf32, #tpu.memory_space<hbm>>
      %dma_start3A_547 = arith.constant 0 : i32
      %dma_start3A_548 = tpu.memref_slice %arg7[%add3A_532, %dma_start3A_547] : memref<320000x128xf32, #tpu.memory_space<hbm>> -> memref<80x128xf32, #tpu.memory_space<hbm>>
      tpu.enqueue_dma source(%arg18 : memref<80x128xf32, #tpu.memory_space<vmem>>) target(%dma_start3A_548 : memref<80x128xf32, #tpu.memory_space<hbm>>) target_semaphore(%arg32 : memref<!tpu.dma_semaphore, #tpu.memory_space<semaphore_mem>>)
      %dma_start3A_549 = arith.constant 0 : i32
      %dma_start3A_550 = arith.constant 0 : i32
      %dma_start3A_551 = tpu.memref_slice %arg22[%dma_start3A_549, %dma_start3A_550] : memref<10240x128xf32, #tpu.memory_space<vmem_shared>> -> memref<10240x128xf32, #tpu.memory_space<vmem_shared>>
      tpu.enqueue_indirect_dma source(%arg18 : memref<80x128xf32, #tpu.memory_space<vmem>>) target(%dma_start3A_551 : memref<10240x128xf32, #tpu.memory_space<vmem_shared>>) offsets(%arg10 : memref<80xi32, #tpu.memory_space<vmem>>) semaphore(%arg36 : memref<!tpu.dma_semaphore, #tpu.memory_space<semaphore_mem>>) {add = true}
      %add3A_552 = arith.constant 2 : i32
      %add3A_553 = arith.addi %mul3A_430, %add3A_552 : i32
      %dma_wait3A_554 = arith.constant 0 : i32
      %dma_wait3A_555 = tpu.memref_slice %arg6[%dma_wait3A_554] : memref<320000xi32, #tpu.memory_space<hbm>> -> memref<80xi32, #tpu.memory_space<hbm>>
      %dma_wait3A_556 = arith.constant 0 : i32
      %dma_wait3A_557 = tpu.memref_slice %arg6[%dma_wait3A_556] : memref<320000xi32, #tpu.memory_space<hbm>> -> memref<80xi32, #tpu.memory_space<hbm>>
      tpu.wait_dma2 semaphore(%arg26 : memref<!tpu.dma_semaphore, #tpu.memory_space<semaphore_mem>>) src(%dma_wait3A_557 : memref<80xi32, #tpu.memory_space<hbm>>) dst(%arg12 : memref<80xi32, #tpu.memory_space<vmem>>)
      %dma_wait3A_558 = arith.constant 0 : i32
      %dma_wait3A_559 = tpu.memref_slice %arg5[%dma_wait3A_558] : memref<320000xi32, #tpu.memory_space<hbm>> -> memref<80xi32, #tpu.memory_space<hbm>>
      %dma_wait3A_560 = arith.constant 0 : i32
      %dma_wait3A_561 = tpu.memref_slice %arg5[%dma_wait3A_560] : memref<320000xi32, #tpu.memory_space<hbm>> -> memref<80xi32, #tpu.memory_space<hbm>>
      tpu.wait_dma2 semaphore(%arg26 : memref<!tpu.dma_semaphore, #tpu.memory_space<semaphore_mem>>) src(%dma_wait3A_561 : memref<80xi32, #tpu.memory_space<hbm>>) dst(%arg16 : memref<80xi32, #tpu.memory_space<vmem>>)
      %dma_wait3A_562 = arith.constant 0 : i32
      %dma_wait3A_563 = arith.constant 0 : i32
      %dma_wait3A_564 = tpu.memref_slice %arg2[%dma_wait3A_562, %dma_wait3A_563] : memref<320000x128xf32, #tpu.memory_space<hbm>> -> memref<80x128xf32, #tpu.memory_space<hbm>>
      %dma_wait3A_565 = arith.constant 0 : i32
      %dma_wait3A_566 = arith.constant 0 : i32
      %dma_wait3A_567 = tpu.memref_slice %arg2[%dma_wait3A_565, %dma_wait3A_566] : memref<320000x128xf32, #tpu.memory_space<hbm>> -> memref<80x128xf32, #tpu.memory_space<hbm>>
      tpu.wait_dma2 semaphore(%arg26 : memref<!tpu.dma_semaphore, #tpu.memory_space<semaphore_mem>>) src(%dma_wait3A_567 : memref<80x128xf32, #tpu.memory_space<hbm>>) dst(%arg20 : memref<80x128xf32, #tpu.memory_space<vmem>>)
      %dma_start3A_568 = arith.constant 0 : i32
      %dma_start3A_569 = arith.constant 0 : i32
      %dma_start3A_570 = tpu.memref_slice %arg3[%dma_start3A_568, %dma_start3A_569] : memref<10000x128xf32, #tpu.memory_space<hbm>> -> memref<10000x128xf32, #tpu.memory_space<hbm>>
      tpu.enqueue_indirect_dma source(%dma_start3A_570 : memref<10000x128xf32, #tpu.memory_space<hbm>>) target(%arg20 : memref<80x128xf32, #tpu.memory_space<vmem>>) offsets(%arg12 : memref<80xi32, #tpu.memory_space<vmem>>) semaphore(%arg30 : memref<!tpu.dma_semaphore, #tpu.memory_space<semaphore_mem>>) {add = true}
      %dma_start3A_571 = arith.constant 0 : i32
      %dma_start3A_572 = arith.constant 0 : i32
      %dma_start3A_573 = tpu.memref_slice %arg4[%dma_start3A_571, %dma_start3A_572] : memref<10000x128xf32, #tpu.memory_space<hbm>> -> memref<10000x128xf32, #tpu.memory_space<hbm>>
      tpu.enqueue_indirect_dma source(%dma_start3A_573 : memref<10000x128xf32, #tpu.memory_space<hbm>>) target(%arg20 : memref<80x128xf32, #tpu.memory_space<vmem>>) offsets(%arg16 : memref<80xi32, #tpu.memory_space<vmem>>) semaphore(%arg30 : memref<!tpu.dma_semaphore, #tpu.memory_space<semaphore_mem>>) {add = true}
      %dma_wait3A_574 = arith.constant 0 : i32
      %dma_wait3A_575 = arith.constant 0 : i32
      %dma_wait3A_576 = tpu.memref_slice %arg7[%dma_wait3A_574, %dma_wait3A_575] : memref<320000x128xf32, #tpu.memory_space<hbm>> -> memref<80x128xf32, #tpu.memory_space<hbm>>
      %dma_wait3A_577 = arith.constant 0 : i32
      %dma_wait3A_578 = arith.constant 0 : i32
      %dma_wait3A_579 = tpu.memref_slice %arg7[%dma_wait3A_577, %dma_wait3A_578] : memref<320000x128xf32, #tpu.memory_space<hbm>> -> memref<80x128xf32, #tpu.memory_space<hbm>>
      tpu.wait_dma2 semaphore(%arg31 : memref<!tpu.dma_semaphore, #tpu.memory_space<semaphore_mem>>) src(%arg17 : memref<80x128xf32, #tpu.memory_space<vmem>>) dst(%dma_wait3A_579 : memref<80x128xf32, #tpu.memory_space<hbm>>)
      %dma_wait3A_580 = arith.constant 0 : i32
      %dma_wait3A_581 = arith.constant 0 : i32
      %dma_wait3A_582 = tpu.memref_slice %arg22[%dma_wait3A_580, %dma_wait3A_581] : memref<10240x128xf32, #tpu.memory_space<vmem_shared>> -> memref<10240x128xf32, #tpu.memory_space<vmem_shared>>
      tpu.wait_indirect_dma semaphore(%arg35 : memref<!tpu.dma_semaphore, #tpu.memory_space<semaphore_mem>>) src(%arg17 : memref<80x128xf32, #tpu.memory_space<vmem>>) dst(%dma_wait3A_582 : memref<10240x128xf32, #tpu.memory_space<vmem_shared>>)
      %add3A_583 = arith.constant 2 : i32
      %add3A_584 = arith.addi %add3A_553, %add3A_583 : i32
      %lt3A_585 = arith.constant 125 : i32
      %lt3A_586 = arith.cmpi slt, %add3A_584, %lt3A_585 : i32
      %convert_element_type3A_587 = arith.extui %lt3A_586 : i1 to i32
      %cond3A_588 = arith.constant 0 : i32
      %cond3A_589 = arith.cmpi ne, %convert_element_type3A_587, %cond3A_588 : i32
      scf.if %cond3A_589 {
        %add3A_676 = arith.constant 2 : i32
        %add3A_677 = arith.addi %add3A_553, %add3A_676 : i32
        %mul3A_678 = arith.constant 10000 : i32
        %mul3A_679 = arith.muli %add3A, %mul3A_678 : i32
        %mul3A_680 = arith.constant 80 : i32
        %mul3A_681 = arith.muli %add3A_677, %mul3A_680 : i32
        %add3A_682 = arith.addi %mul3A_679, %mul3A_681 : i32
        %dma_start3A_683 = tpu.memref_slice %arg6[%add3A_682] : memref<320000xi32, #tpu.memory_space<hbm>> -> memref<80xi32, #tpu.memory_space<hbm>>
        %dma_start3A_684 = tpu.memref_slice %arg6[%add3A_682] : memref<320000xi32, #tpu.memory_space<hbm>> -> memref<80xi32, #tpu.memory_space<hbm>>
        tpu.enqueue_dma source(%dma_start3A_684 : memref<80xi32, #tpu.memory_space<hbm>>) target(%arg9 : memref<80xi32, #tpu.memory_space<vmem>>) target_semaphore(%arg23 : memref<!tpu.dma_semaphore, #tpu.memory_space<semaphore_mem>>)
        %dma_start3A_685 = tpu.memref_slice %arg5[%add3A_682] : memref<320000xi32, #tpu.memory_space<hbm>> -> memref<80xi32, #tpu.memory_space<hbm>>
        %dma_start3A_686 = tpu.memref_slice %arg5[%add3A_682] : memref<320000xi32, #tpu.memory_space<hbm>> -> memref<80xi32, #tpu.memory_space<hbm>>
        tpu.enqueue_dma source(%dma_start3A_686 : memref<80xi32, #tpu.memory_space<hbm>>) target(%arg13 : memref<80xi32, #tpu.memory_space<vmem>>) target_semaphore(%arg23 : memref<!tpu.dma_semaphore, #tpu.memory_space<semaphore_mem>>)
        %dma_start3A_687 = arith.constant 0 : i32
        %dma_start3A_688 = tpu.memref_slice %arg2[%add3A_682, %dma_start3A_687] : memref<320000x128xf32, #tpu.memory_space<hbm>> -> memref<80x128xf32, #tpu.memory_space<hbm>>
        %dma_start3A_689 = arith.constant 0 : i32
        %dma_start3A_690 = tpu.memref_slice %arg2[%add3A_682, %dma_start3A_689] : memref<320000x128xf32, #tpu.memory_space<hbm>> -> memref<80x128xf32, #tpu.memory_space<hbm>>
        tpu.enqueue_dma source(%dma_start3A_690 : memref<80x128xf32, #tpu.memory_space<hbm>>) target(%arg17 : memref<80x128xf32, #tpu.memory_space<vmem>>) target_semaphore(%arg23 : memref<!tpu.dma_semaphore, #tpu.memory_space<semaphore_mem>>)
      } else {
      }
      %mul3A_590 = arith.constant 10000 : i32
      %mul3A_591 = arith.muli %add3A, %mul3A_590 : i32
      %mul3A_592 = arith.constant 80 : i32
      %mul3A_593 = arith.muli %add3A_553, %mul3A_592 : i32
      %add3A_594 = arith.addi %mul3A_591, %mul3A_593 : i32
      %dma_wait3A_595 = arith.constant 0 : i32
      %dma_wait3A_596 = arith.constant 0 : i32
      %dma_wait3A_597 = tpu.memref_slice %arg3[%dma_wait3A_595, %dma_wait3A_596] : memref<10000x128xf32, #tpu.memory_space<hbm>> -> memref<10000x128xf32, #tpu.memory_space<hbm>>
      tpu.wait_indirect_dma semaphore(%arg29 : memref<!tpu.dma_semaphore, #tpu.memory_space<semaphore_mem>>) src(%dma_wait3A_597 : memref<10000x128xf32, #tpu.memory_space<hbm>>) dst(%arg19 : memref<80x128xf32, #tpu.memory_space<vmem>>)
      %dma_wait3A_598 = arith.constant 0 : i32
      %dma_wait3A_599 = arith.constant 0 : i32
      %dma_wait3A_600 = tpu.memref_slice %arg4[%dma_wait3A_598, %dma_wait3A_599] : memref<10000x128xf32, #tpu.memory_space<hbm>> -> memref<10000x128xf32, #tpu.memory_space<hbm>>
      tpu.wait_indirect_dma semaphore(%arg29 : memref<!tpu.dma_semaphore, #tpu.memory_space<semaphore_mem>>) src(%dma_wait3A_600 : memref<10000x128xf32, #tpu.memory_space<hbm>>) dst(%arg19 : memref<80x128xf32, #tpu.memory_space<vmem>>)
      %scan3A_601 = arith.constant 0 : i32
      %scan3A_602 = arith.constant 0 : i32
      %scan3A_603 = arith.constant 80 : i32
      %scan3A_604 = arith.addi %scan3A_602, %scan3A_603 : i32
      %scan3A_605 = arith.constant 1 : i32
      scf.for %scan3A_676 = %scan3A_602 to %scan3A_604 step %scan3A_605  : i32 {
        %get3A = arith.index_cast %scan3A_676 : i32 to index
        %get3A_677 = arith.constant 0 : index
        %get3A_678 = tpu.vector_load %arg19[%get3A, %get3A_677] {strides = array<i32>} : memref<80x128xf32, #tpu.memory_space<vmem>>, vector<1x16xf32>,
        %get3A_679 = vector.shape_cast %get3A_678 : vector<1x16xf32> to vector<16xf32>
        %max3A = arith.constant 0.000000e+00 : f32
        %max3A_680 = vector.broadcast %max3A : f32 to vector<16xf32>
        %max3A_681 = arith.maximumf %get3A_679, %max3A_680 : vector<16xf32>
        %swap3A = arith.index_cast %scan3A_676 : i32 to index
        %swap3A_682 = arith.constant 0 : index
        %swap3A_683 = tpu.vector_load %arg19[%swap3A, %swap3A_682] {strides = array<i32>} : memref<80x128xf32, #tpu.memory_space<vmem>>, vector<1x16xf32>,
        %swap3A_684 = vector.shape_cast %swap3A_683 : vector<1x16xf32> to vector<16xf32>
        %swap3A_685 = vector.shape_cast %max3A_681 : vector<16xf32> to vector<1x16xf32>
        tpu.vector_store %arg19[%swap3A, %swap3A_682], %swap3A_685 {strides = array<i32>} : memref<80x128xf32, #tpu.memory_space<vmem>>, vector<1x16xf32>,
        %get3A_686 = arith.index_cast %scan3A_676 : i32 to index
        %get3A_687 = arith.constant 16 : index
        %get3A_688 = tpu.vector_load %arg19[%get3A_686, %get3A_687] {strides = array<i32>} : memref<80x128xf32, #tpu.memory_space<vmem>>, vector<1x16xf32>,
        %get3A_689 = vector.shape_cast %get3A_688 : vector<1x16xf32> to vector<16xf32>
        %max3A_690 = arith.constant 0.000000e+00 : f32
        %max3A_691 = vector.broadcast %max3A_690 : f32 to vector<16xf32>
        %max3A_692 = arith.maximumf %get3A_689, %max3A_691 : vector<16xf32>
        %swap3A_693 = arith.index_cast %scan3A_676 : i32 to index
        %swap3A_694 = arith.constant 16 : index
        %swap3A_695 = tpu.vector_load %arg19[%swap3A_693, %swap3A_694] {strides = array<i32>} : memref<80x128xf32, #tpu.memory_space<vmem>>, vector<1x16xf32>,
        %swap3A_696 = vector.shape_cast %swap3A_695 : vector<1x16xf32> to vector<16xf32>
        %swap3A_697 = vector.shape_cast %max3A_692 : vector<16xf32> to vector<1x16xf32>
        tpu.vector_store %arg19[%swap3A_693, %swap3A_694], %swap3A_697 {strides = array<i32>} : memref<80x128xf32, #tpu.memory_space<vmem>>, vector<1x16xf32>,
        %get3A_698 = arith.index_cast %scan3A_676 : i32 to index
        %get3A_699 = arith.constant 32 : index
        %get3A_700 = tpu.vector_load %arg19[%get3A_698, %get3A_699] {strides = array<i32>} : memref<80x128xf32, #tpu.memory_space<vmem>>, vector<1x16xf32>,
        %get3A_701 = vector.shape_cast %get3A_700 : vector<1x16xf32> to vector<16xf32>
        %max3A_702 = arith.constant 0.000000e+00 : f32
        %max3A_703 = vector.broadcast %max3A_702 : f32 to vector<16xf32>
        %max3A_704 = arith.maximumf %get3A_701, %max3A_703 : vector<16xf32>
        %swap3A_705 = arith.index_cast %scan3A_676 : i32 to index
        %swap3A_706 = arith.constant 32 : index
        %swap3A_707 = tpu.vector_load %arg19[%swap3A_705, %swap3A_706] {strides = array<i32>} : memref<80x128xf32, #tpu.memory_space<vmem>>, vector<1x16xf32>,
        %swap3A_708 = vector.shape_cast %swap3A_707 : vector<1x16xf32> to vector<16xf32>
        %swap3A_709 = vector.shape_cast %max3A_704 : vector<16xf32> to vector<1x16xf32>
        tpu.vector_store %arg19[%swap3A_705, %swap3A_706], %swap3A_709 {strides = array<i32>} : memref<80x128xf32, #tpu.memory_space<vmem>>, vector<1x16xf32>,
        %get3A_710 = arith.index_cast %scan3A_676 : i32 to index
        %get3A_711 = arith.constant 48 : index
        %get3A_712 = tpu.vector_load %arg19[%get3A_710, %get3A_711] {strides = array<i32>} : memref<80x128xf32, #tpu.memory_space<vmem>>, vector<1x16xf32>,
        %get3A_713 = vector.shape_cast %get3A_712 : vector<1x16xf32> to vector<16xf32>
        %max3A_714 = arith.constant 0.000000e+00 : f32
        %max3A_715 = vector.broadcast %max3A_714 : f32 to vector<16xf32>
        %max3A_716 = arith.maximumf %get3A_713, %max3A_715 : vector<16xf32>
        %swap3A_717 = arith.index_cast %scan3A_676 : i32 to index
        %swap3A_718 = arith.constant 48 : index
        %swap3A_719 = tpu.vector_load %arg19[%swap3A_717, %swap3A_718] {strides = array<i32>} : memref<80x128xf32, #tpu.memory_space<vmem>>, vector<1x16xf32>,
        %swap3A_720 = vector.shape_cast %swap3A_719 : vector<1x16xf32> to vector<16xf32>
        %swap3A_721 = vector.shape_cast %max3A_716 : vector<16xf32> to vector<1x16xf32>
        tpu.vector_store %arg19[%swap3A_717, %swap3A_718], %swap3A_721 {strides = array<i32>} : memref<80x128xf32, #tpu.memory_space<vmem>>, vector<1x16xf32>,
        %get3A_722 = arith.index_cast %scan3A_676 : i32 to index
        %get3A_723 = arith.constant 64 : index
        %get3A_724 = tpu.vector_load %arg19[%get3A_722, %get3A_723] {strides = array<i32>} : memref<80x128xf32, #tpu.memory_space<vmem>>, vector<1x16xf32>,
        %get3A_725 = vector.shape_cast %get3A_724 : vector<1x16xf32> to vector<16xf32>
        %max3A_726 = arith.constant 0.000000e+00 : f32
        %max3A_727 = vector.broadcast %max3A_726 : f32 to vector<16xf32>
        %max3A_728 = arith.maximumf %get3A_725, %max3A_727 : vector<16xf32>
        %swap3A_729 = arith.index_cast %scan3A_676 : i32 to index
        %swap3A_730 = arith.constant 64 : index
        %swap3A_731 = tpu.vector_load %arg19[%swap3A_729, %swap3A_730] {strides = array<i32>} : memref<80x128xf32, #tpu.memory_space<vmem>>, vector<1x16xf32>,
        %swap3A_732 = vector.shape_cast %swap3A_731 : vector<1x16xf32> to vector<16xf32>
        %swap3A_733 = vector.shape_cast %max3A_728 : vector<16xf32> to vector<1x16xf32>
        tpu.vector_store %arg19[%swap3A_729, %swap3A_730], %swap3A_733 {strides = array<i32>} : memref<80x128xf32, #tpu.memory_space<vmem>>, vector<1x16xf32>,
        %get3A_734 = arith.index_cast %scan3A_676 : i32 to index
        %get3A_735 = arith.constant 80 : index
        %get3A_736 = tpu.vector_load %arg19[%get3A_734, %get3A_735] {strides = array<i32>} : memref<80x128xf32, #tpu.memory_space<vmem>>, vector<1x16xf32>,
        %get3A_737 = vector.shape_cast %get3A_736 : vector<1x16xf32> to vector<16xf32>
        %max3A_738 = arith.constant 0.000000e+00 : f32
        %max3A_739 = vector.broadcast %max3A_738 : f32 to vector<16xf32>
        %max3A_740 = arith.maximumf %get3A_737, %max3A_739 : vector<16xf32>
        %swap3A_741 = arith.index_cast %scan3A_676 : i32 to index
        %swap3A_742 = arith.constant 80 : index
        %swap3A_743 = tpu.vector_load %arg19[%swap3A_741, %swap3A_742] {strides = array<i32>} : memref<80x128xf32, #tpu.memory_space<vmem>>, vector<1x16xf32>,
        %swap3A_744 = vector.shape_cast %swap3A_743 : vector<1x16xf32> to vector<16xf32>
        %swap3A_745 = vector.shape_cast %max3A_740 : vector<16xf32> to vector<1x16xf32>
        tpu.vector_store %arg19[%swap3A_741, %swap3A_742], %swap3A_745 {strides = array<i32>} : memref<80x128xf32, #tpu.memory_space<vmem>>, vector<1x16xf32>,
        %get3A_746 = arith.index_cast %scan3A_676 : i32 to index
        %get3A_747 = arith.constant 96 : index
        %get3A_748 = tpu.vector_load %arg19[%get3A_746, %get3A_747] {strides = array<i32>} : memref<80x128xf32, #tpu.memory_space<vmem>>, vector<1x16xf32>,
        %get3A_749 = vector.shape_cast %get3A_748 : vector<1x16xf32> to vector<16xf32>
        %max3A_750 = arith.constant 0.000000e+00 : f32
        %max3A_751 = vector.broadcast %max3A_750 : f32 to vector<16xf32>
        %max3A_752 = arith.maximumf %get3A_749, %max3A_751 : vector<16xf32>
        %swap3A_753 = arith.index_cast %scan3A_676 : i32 to index
        %swap3A_754 = arith.constant 96 : index
        %swap3A_755 = tpu.vector_load %arg19[%swap3A_753, %swap3A_754] {strides = array<i32>} : memref<80x128xf32, #tpu.memory_space<vmem>>, vector<1x16xf32>,
        %swap3A_756 = vector.shape_cast %swap3A_755 : vector<1x16xf32> to vector<16xf32>
        %swap3A_757 = vector.shape_cast %max3A_752 : vector<16xf32> to vector<1x16xf32>
        tpu.vector_store %arg19[%swap3A_753, %swap3A_754], %swap3A_757 {strides = array<i32>} : memref<80x128xf32, #tpu.memory_space<vmem>>, vector<1x16xf32>,
        %get3A_758 = arith.index_cast %scan3A_676 : i32 to index
        %get3A_759 = arith.constant 112 : index
        %get3A_760 = tpu.vector_load %arg19[%get3A_758, %get3A_759] {strides = array<i32>} : memref<80x128xf32, #tpu.memory_space<vmem>>, vector<1x16xf32>,
        %get3A_761 = vector.shape_cast %get3A_760 : vector<1x16xf32> to vector<16xf32>
        %max3A_762 = arith.constant 0.000000e+00 : f32
        %max3A_763 = vector.broadcast %max3A_762 : f32 to vector<16xf32>
        %max3A_764 = arith.maximumf %get3A_761, %max3A_763 : vector<16xf32>
        %swap3A_765 = arith.index_cast %scan3A_676 : i32 to index
        %swap3A_766 = arith.constant 112 : index
        %swap3A_767 = tpu.vector_load %arg19[%swap3A_765, %swap3A_766] {strides = array<i32>} : memref<80x128xf32, #tpu.memory_space<vmem>>, vector<1x16xf32>,
        %swap3A_768 = vector.shape_cast %swap3A_767 : vector<1x16xf32> to vector<16xf32>
        %swap3A_769 = vector.shape_cast %max3A_764 : vector<16xf32> to vector<1x16xf32>
        tpu.vector_store %arg19[%swap3A_765, %swap3A_766], %swap3A_769 {strides = array<i32>} : memref<80x128xf32, #tpu.memory_space<vmem>>, vector<1x16xf32>,
      }
      %scan3A_606 = arith.constant 80 : i32
      %dma_start3A_607 = arith.constant 0 : i32
      %dma_start3A_608 = tpu.memref_slice %arg7[%add3A_594, %dma_start3A_607] : memref<320000x128xf32, #tpu.memory_space<hbm>> -> memref<80x128xf32, #tpu.memory_space<hbm>>
      %dma_start3A_609 = arith.constant 0 : i32
      %dma_start3A_610 = tpu.memref_slice %arg7[%add3A_594, %dma_start3A_609] : memref<320000x128xf32, #tpu.memory_space<hbm>> -> memref<80x128xf32, #tpu.memory_space<hbm>>
      tpu.enqueue_dma source(%arg19 : memref<80x128xf32, #tpu.memory_space<vmem>>) target(%dma_start3A_610 : memref<80x128xf32, #tpu.memory_space<hbm>>) target_semaphore(%arg33 : memref<!tpu.dma_semaphore, #tpu.memory_space<semaphore_mem>>)
      %dma_start3A_611 = arith.constant 0 : i32
      %dma_start3A_612 = arith.constant 0 : i32
      %dma_start3A_613 = tpu.memref_slice %arg22[%dma_start3A_611, %dma_start3A_612] : memref<10240x128xf32, #tpu.memory_space<vmem_shared>> -> memref<10240x128xf32, #tpu.memory_space<vmem_shared>>
      tpu.enqueue_indirect_dma source(%arg19 : memref<80x128xf32, #tpu.memory_space<vmem>>) target(%dma_start3A_613 : memref<10240x128xf32, #tpu.memory_space<vmem_shared>>) offsets(%arg11 : memref<80xi32, #tpu.memory_space<vmem>>) semaphore(%arg37 : memref<!tpu.dma_semaphore, #tpu.memory_space<semaphore_mem>>) {add = true}
      %add3A_614 = arith.constant 3 : i32
      %add3A_615 = arith.addi %mul3A_430, %add3A_614 : i32
      %dma_wait3A_616 = arith.constant 0 : i32
      %dma_wait3A_617 = tpu.memref_slice %arg6[%dma_wait3A_616] : memref<320000xi32, #tpu.memory_space<hbm>> -> memref<80xi32, #tpu.memory_space<hbm>>
      %dma_wait3A_618 = arith.constant 0 : i32
      %dma_wait3A_619 = tpu.memref_slice %arg6[%dma_wait3A_618] : memref<320000xi32, #tpu.memory_space<hbm>> -> memref<80xi32, #tpu.memory_space<hbm>>
      tpu.wait_dma2 semaphore(%arg23 : memref<!tpu.dma_semaphore, #tpu.memory_space<semaphore_mem>>) src(%dma_wait3A_619 : memref<80xi32, #tpu.memory_space<hbm>>) dst(%arg9 : memref<80xi32, #tpu.memory_space<vmem>>)
      %dma_wait3A_620 = arith.constant 0 : i32
      %dma_wait3A_621 = tpu.memref_slice %arg5[%dma_wait3A_620] : memref<320000xi32, #tpu.memory_space<hbm>> -> memref<80xi32, #tpu.memory_space<hbm>>
      %dma_wait3A_622 = arith.constant 0 : i32
      %dma_wait3A_623 = tpu.memref_slice %arg5[%dma_wait3A_622] : memref<320000xi32, #tpu.memory_space<hbm>> -> memref<80xi32, #tpu.memory_space<hbm>>
      tpu.wait_dma2 semaphore(%arg23 : memref<!tpu.dma_semaphore, #tpu.memory_space<semaphore_mem>>) src(%dma_wait3A_623 : memref<80xi32, #tpu.memory_space<hbm>>) dst(%arg13 : memref<80xi32, #tpu.memory_space<vmem>>)
      %dma_wait3A_624 = arith.constant 0 : i32
      %dma_wait3A_625 = arith.constant 0 : i32
      %dma_wait3A_626 = tpu.memref_slice %arg2[%dma_wait3A_624, %dma_wait3A_625] : memref<320000x128xf32, #tpu.memory_space<hbm>> -> memref<80x128xf32, #tpu.memory_space<hbm>>
      %dma_wait3A_627 = arith.constant 0 : i32
      %dma_wait3A_628 = arith.constant 0 : i32
      %dma_wait3A_629 = tpu.memref_slice %arg2[%dma_wait3A_627, %dma_wait3A_628] : memref<320000x128xf32, #tpu.memory_space<hbm>> -> memref<80x128xf32, #tpu.memory_space<hbm>>
      tpu.wait_dma2 semaphore(%arg23 : memref<!tpu.dma_semaphore, #tpu.memory_space<semaphore_mem>>) src(%dma_wait3A_629 : memref<80x128xf32, #tpu.memory_space<hbm>>) dst(%arg17 : memref<80x128xf32, #tpu.memory_space<vmem>>)
      %dma_start3A_630 = arith.constant 0 : i32
      %dma_start3A_631 = arith.constant 0 : i32
      %dma_start3A_632 = tpu.memref_slice %arg3[%dma_start3A_630, %dma_start3A_631] : memref<10000x128xf32, #tpu.memory_space<hbm>> -> memref<10000x128xf32, #tpu.memory_space<hbm>>
      tpu.enqueue_indirect_dma source(%dma_start3A_632 : memref<10000x128xf32, #tpu.memory_space<hbm>>) target(%arg17 : memref<80x128xf32, #tpu.memory_space<vmem>>) offsets(%arg9 : memref<80xi32, #tpu.memory_space<vmem>>) semaphore(%arg27 : memref<!tpu.dma_semaphore, #tpu.memory_space<semaphore_mem>>) {add = true}
      %dma_start3A_633 = arith.constant 0 : i32
      %dma_start3A_634 = arith.constant 0 : i32
      %dma_start3A_635 = tpu.memref_slice %arg4[%dma_start3A_633, %dma_start3A_634] : memref<10000x128xf32, #tpu.memory_space<hbm>> -> memref<10000x128xf32, #tpu.memory_space<hbm>>
      tpu.enqueue_indirect_dma source(%dma_start3A_635 : memref<10000x128xf32, #tpu.memory_space<hbm>>) target(%arg17 : memref<80x128xf32, #tpu.memory_space<vmem>>) offsets(%arg13 : memref<80xi32, #tpu.memory_space<vmem>>) semaphore(%arg27 : memref<!tpu.dma_semaphore, #tpu.memory_space<semaphore_mem>>) {add = true}
      %dma_wait3A_636 = arith.constant 0 : i32
      %dma_wait3A_637 = arith.constant 0 : i32
      %dma_wait3A_638 = tpu.memref_slice %arg7[%dma_wait3A_636, %dma_wait3A_637] : memref<320000x128xf32, #tpu.memory_space<hbm>> -> memref<80x128xf32, #tpu.memory_space<hbm>>
      %dma_wait3A_639 = arith.constant 0 : i32
      %dma_wait3A_640 = arith.constant 0 : i32
      %dma_wait3A_641 = tpu.memref_slice %arg7[%dma_wait3A_639, %dma_wait3A_640] : memref<320000x128xf32, #tpu.memory_space<hbm>> -> memref<80x128xf32, #tpu.memory_space<hbm>>
      tpu.wait_dma2 semaphore(%arg32 : memref<!tpu.dma_semaphore, #tpu.memory_space<semaphore_mem>>) src(%arg18 : memref<80x128xf32, #tpu.memory_space<vmem>>) dst(%dma_wait3A_641 : memref<80x128xf32, #tpu.memory_space<hbm>>)
      %dma_wait3A_642 = arith.constant 0 : i32
      %dma_wait3A_643 = arith.constant 0 : i32
      %dma_wait3A_644 = tpu.memref_slice %arg22[%dma_wait3A_642, %dma_wait3A_643] : memref<10240x128xf32, #tpu.memory_space<vmem_shared>> -> memref<10240x128xf32, #tpu.memory_space<vmem_shared>>
      tpu.wait_indirect_dma semaphore(%arg36 : memref<!tpu.dma_semaphore, #tpu.memory_space<semaphore_mem>>) src(%arg18 : memref<80x128xf32, #tpu.memory_space<vmem>>) dst(%dma_wait3A_644 : memref<10240x128xf32, #tpu.memory_space<vmem_shared>>)
      %add3A_645 = arith.constant 2 : i32
      %add3A_646 = arith.addi %add3A_615, %add3A_645 : i32
      %lt3A_647 = arith.constant 125 : i32
      %lt3A_648 = arith.cmpi slt, %add3A_646, %lt3A_647 : i32
      %convert_element_type3A_649 = arith.extui %lt3A_648 : i1 to i32
      %cond3A_650 = arith.constant 0 : i32
      %cond3A_651 = arith.cmpi ne, %convert_element_type3A_649, %cond3A_650 : i32
      scf.if %cond3A_651 {
        %add3A_676 = arith.constant 2 : i32
        %add3A_677 = arith.addi %add3A_615, %add3A_676 : i32
        %mul3A_678 = arith.constant 10000 : i32
        %mul3A_679 = arith.muli %add3A, %mul3A_678 : i32
        %mul3A_680 = arith.constant 80 : i32
        %mul3A_681 = arith.muli %add3A_677, %mul3A_680 : i32
        %add3A_682 = arith.addi %mul3A_679, %mul3A_681 : i32
        %dma_start3A_683 = tpu.memref_slice %arg6[%add3A_682] : memref<320000xi32, #tpu.memory_space<hbm>> -> memref<80xi32, #tpu.memory_space<hbm>>
        %dma_start3A_684 = tpu.memref_slice %arg6[%add3A_682] : memref<320000xi32, #tpu.memory_space<hbm>> -> memref<80xi32, #tpu.memory_space<hbm>>
        tpu.enqueue_dma source(%dma_start3A_684 : memref<80xi32, #tpu.memory_space<hbm>>) target(%arg10 : memref<80xi32, #tpu.memory_space<vmem>>) target_semaphore(%arg24 : memref<!tpu.dma_semaphore, #tpu.memory_space<semaphore_mem>>)
        %dma_start3A_685 = tpu.memref_slice %arg5[%add3A_682] : memref<320000xi32, #tpu.memory_space<hbm>> -> memref<80xi32, #tpu.memory_space<hbm>>
        %dma_start3A_686 = tpu.memref_slice %arg5[%add3A_682] : memref<320000xi32, #tpu.memory_space<hbm>> -> memref<80xi32, #tpu.memory_space<hbm>>
        tpu.enqueue_dma source(%dma_start3A_686 : memref<80xi32, #tpu.memory_space<hbm>>) target(%arg14 : memref<80xi32, #tpu.memory_space<vmem>>) target_semaphore(%arg24 : memref<!tpu.dma_semaphore, #tpu.memory_space<semaphore_mem>>)
        %dma_start3A_687 = arith.constant 0 : i32
        %dma_start3A_688 = tpu.memref_slice %arg2[%add3A_682, %dma_start3A_687] : memref<320000x128xf32, #tpu.memory_space<hbm>> -> memref<80x128xf32, #tpu.memory_space<hbm>>
        %dma_start3A_689 = arith.constant 0 : i32
        %dma_start3A_690 = tpu.memref_slice %arg2[%add3A_682, %dma_start3A_689] : memref<320000x128xf32, #tpu.memory_space<hbm>> -> memref<80x128xf32, #tpu.memory_space<hbm>>
        tpu.enqueue_dma source(%dma_start3A_690 : memref<80x128xf32, #tpu.memory_space<hbm>>) target(%arg18 : memref<80x128xf32, #tpu.memory_space<vmem>>) target_semaphore(%arg24 : memref<!tpu.dma_semaphore, #tpu.memory_space<semaphore_mem>>)
      } else {
      }
      %mul3A_652 = arith.constant 10000 : i32
      %mul3A_653 = arith.muli %add3A, %mul3A_652 : i32
      %mul3A_654 = arith.constant 80 : i32
      %mul3A_655 = arith.muli %add3A_615, %mul3A_654 : i32
      %add3A_656 = arith.addi %mul3A_653, %mul3A_655 : i32
      %dma_wait3A_657 = arith.constant 0 : i32
      %dma_wait3A_658 = arith.constant 0 : i32
      %dma_wait3A_659 = tpu.memref_slice %arg3[%dma_wait3A_657, %dma_wait3A_658] : memref<10000x128xf32, #tpu.memory_space<hbm>> -> memref<10000x128xf32, #tpu.memory_space<hbm>>
      tpu.wait_indirect_dma semaphore(%arg30 : memref<!tpu.dma_semaphore, #tpu.memory_space<semaphore_mem>>) src(%dma_wait3A_659 : memref<10000x128xf32, #tpu.memory_space<hbm>>) dst(%arg20 : memref<80x128xf32, #tpu.memory_space<vmem>>)
      %dma_wait3A_660 = arith.constant 0 : i32
      %dma_wait3A_661 = arith.constant 0 : i32
      %dma_wait3A_662 = tpu.memref_slice %arg4[%dma_wait3A_660, %dma_wait3A_661] : memref<10000x128xf32, #tpu.memory_space<hbm>> -> memref<10000x128xf32, #tpu.memory_space<hbm>>
      tpu.wait_indirect_dma semaphore(%arg30 : memref<!tpu.dma_semaphore, #tpu.memory_space<semaphore_mem>>) src(%dma_wait3A_662 : memref<10000x128xf32, #tpu.memory_space<hbm>>) dst(%arg20 : memref<80x128xf32, #tpu.memory_space<vmem>>)
      %scan3A_663 = arith.constant 0 : i32
      %scan3A_664 = arith.constant 0 : i32
      %scan3A_665 = arith.constant 80 : i32
      %scan3A_666 = arith.addi %scan3A_664, %scan3A_665 : i32
      %scan3A_667 = arith.constant 1 : i32
      scf.for %scan3A_676 = %scan3A_664 to %scan3A_666 step %scan3A_667  : i32 {
        %get3A = arith.index_cast %scan3A_676 : i32 to index
        %get3A_677 = arith.constant 0 : index
        %get3A_678 = tpu.vector_load %arg20[%get3A, %get3A_677] {strides = array<i32>} : memref<80x128xf32, #tpu.memory_space<vmem>>, vector<1x16xf32>,
        %get3A_679 = vector.shape_cast %get3A_678 : vector<1x16xf32> to vector<16xf32>
        %max3A = arith.constant 0.000000e+00 : f32
        %max3A_680 = vector.broadcast %max3A : f32 to vector<16xf32>
        %max3A_681 = arith.maximumf %get3A_679, %max3A_680 : vector<16xf32>
        %swap3A = arith.index_cast %scan3A_676 : i32 to index
        %swap3A_682 = arith.constant 0 : index
        %swap3A_683 = tpu.vector_load %arg20[%swap3A, %swap3A_682] {strides = array<i32>} : memref<80x128xf32, #tpu.memory_space<vmem>>, vector<1x16xf32>,
        %swap3A_684 = vector.shape_cast %swap3A_683 : vector<1x16xf32> to vector<16xf32>
        %swap3A_685 = vector.shape_cast %max3A_681 : vector<16xf32> to vector<1x16xf32>
        tpu.vector_store %arg20[%swap3A, %swap3A_682], %swap3A_685 {strides = array<i32>} : memref<80x128xf32, #tpu.memory_space<vmem>>, vector<1x16xf32>,
        %get3A_686 = arith.index_cast %scan3A_676 : i32 to index
        %get3A_687 = arith.constant 16 : index
        %get3A_688 = tpu.vector_load %arg20[%get3A_686, %get3A_687] {strides = array<i32>} : memref<80x128xf32, #tpu.memory_space<vmem>>, vector<1x16xf32>,
        %get3A_689 = vector.shape_cast %get3A_688 : vector<1x16xf32> to vector<16xf32>
        %max3A_690 = arith.constant 0.000000e+00 : f32
        %max3A_691 = vector.broadcast %max3A_690 : f32 to vector<16xf32>
        %max3A_692 = arith.maximumf %get3A_689, %max3A_691 : vector<16xf32>
        %swap3A_693 = arith.index_cast %scan3A_676 : i32 to index
        %swap3A_694 = arith.constant 16 : index
        %swap3A_695 = tpu.vector_load %arg20[%swap3A_693, %swap3A_694] {strides = array<i32>} : memref<80x128xf32, #tpu.memory_space<vmem>>, vector<1x16xf32>,
        %swap3A_696 = vector.shape_cast %swap3A_695 : vector<1x16xf32> to vector<16xf32>
        %swap3A_697 = vector.shape_cast %max3A_692 : vector<16xf32> to vector<1x16xf32>
        tpu.vector_store %arg20[%swap3A_693, %swap3A_694], %swap3A_697 {strides = array<i32>} : memref<80x128xf32, #tpu.memory_space<vmem>>, vector<1x16xf32>,
        %get3A_698 = arith.index_cast %scan3A_676 : i32 to index
        %get3A_699 = arith.constant 32 : index
        %get3A_700 = tpu.vector_load %arg20[%get3A_698, %get3A_699] {strides = array<i32>} : memref<80x128xf32, #tpu.memory_space<vmem>>, vector<1x16xf32>,
        %get3A_701 = vector.shape_cast %get3A_700 : vector<1x16xf32> to vector<16xf32>
        %max3A_702 = arith.constant 0.000000e+00 : f32
        %max3A_703 = vector.broadcast %max3A_702 : f32 to vector<16xf32>
        %max3A_704 = arith.maximumf %get3A_701, %max3A_703 : vector<16xf32>
        %swap3A_705 = arith.index_cast %scan3A_676 : i32 to index
        %swap3A_706 = arith.constant 32 : index
        %swap3A_707 = tpu.vector_load %arg20[%swap3A_705, %swap3A_706] {strides = array<i32>} : memref<80x128xf32, #tpu.memory_space<vmem>>, vector<1x16xf32>,
        %swap3A_708 = vector.shape_cast %swap3A_707 : vector<1x16xf32> to vector<16xf32>
        %swap3A_709 = vector.shape_cast %max3A_704 : vector<16xf32> to vector<1x16xf32>
        tpu.vector_store %arg20[%swap3A_705, %swap3A_706], %swap3A_709 {strides = array<i32>} : memref<80x128xf32, #tpu.memory_space<vmem>>, vector<1x16xf32>,
        %get3A_710 = arith.index_cast %scan3A_676 : i32 to index
        %get3A_711 = arith.constant 48 : index
        %get3A_712 = tpu.vector_load %arg20[%get3A_710, %get3A_711] {strides = array<i32>} : memref<80x128xf32, #tpu.memory_space<vmem>>, vector<1x16xf32>,
        %get3A_713 = vector.shape_cast %get3A_712 : vector<1x16xf32> to vector<16xf32>
        %max3A_714 = arith.constant 0.000000e+00 : f32
        %max3A_715 = vector.broadcast %max3A_714 : f32 to vector<16xf32>
        %max3A_716 = arith.maximumf %get3A_713, %max3A_715 : vector<16xf32>
        %swap3A_717 = arith.index_cast %scan3A_676 : i32 to index
        %swap3A_718 = arith.constant 48 : index
        %swap3A_719 = tpu.vector_load %arg20[%swap3A_717, %swap3A_718] {strides = array<i32>} : memref<80x128xf32, #tpu.memory_space<vmem>>, vector<1x16xf32>,
        %swap3A_720 = vector.shape_cast %swap3A_719 : vector<1x16xf32> to vector<16xf32>
        %swap3A_721 = vector.shape_cast %max3A_716 : vector<16xf32> to vector<1x16xf32>
        tpu.vector_store %arg20[%swap3A_717, %swap3A_718], %swap3A_721 {strides = array<i32>} : memref<80x128xf32, #tpu.memory_space<vmem>>, vector<1x16xf32>,
        %get3A_722 = arith.index_cast %scan3A_676 : i32 to index
        %get3A_723 = arith.constant 64 : index
        %get3A_724 = tpu.vector_load %arg20[%get3A_722, %get3A_723] {strides = array<i32>} : memref<80x128xf32, #tpu.memory_space<vmem>>, vector<1x16xf32>,
        %get3A_725 = vector.shape_cast %get3A_724 : vector<1x16xf32> to vector<16xf32>
        %max3A_726 = arith.constant 0.000000e+00 : f32
        %max3A_727 = vector.broadcast %max3A_726 : f32 to vector<16xf32>
        %max3A_728 = arith.maximumf %get3A_725, %max3A_727 : vector<16xf32>
        %swap3A_729 = arith.index_cast %scan3A_676 : i32 to index
        %swap3A_730 = arith.constant 64 : index
        %swap3A_731 = tpu.vector_load %arg20[%swap3A_729, %swap3A_730] {strides = array<i32>} : memref<80x128xf32, #tpu.memory_space<vmem>>, vector<1x16xf32>,
        %swap3A_732 = vector.shape_cast %swap3A_731 : vector<1x16xf32> to vector<16xf32>
        %swap3A_733 = vector.shape_cast %max3A_728 : vector<16xf32> to vector<1x16xf32>
        tpu.vector_store %arg20[%swap3A_729, %swap3A_730], %swap3A_733 {strides = array<i32>} : memref<80x128xf32, #tpu.memory_space<vmem>>, vector<1x16xf32>,
        %get3A_734 = arith.index_cast %scan3A_676 : i32 to index
        %get3A_735 = arith.constant 80 : index
        %get3A_736 = tpu.vector_load %arg20[%get3A_734, %get3A_735] {strides = array<i32>} : memref<80x128xf32, #tpu.memory_space<vmem>>, vector<1x16xf32>,
        %get3A_737 = vector.shape_cast %get3A_736 : vector<1x16xf32> to vector<16xf32>
        %max3A_738 = arith.constant 0.000000e+00 : f32
        %max3A_739 = vector.broadcast %max3A_738 : f32 to vector<16xf32>
        %max3A_740 = arith.maximumf %get3A_737, %max3A_739 : vector<16xf32>
        %swap3A_741 = arith.index_cast %scan3A_676 : i32 to index
        %swap3A_742 = arith.constant 80 : index
        %swap3A_743 = tpu.vector_load %arg20[%swap3A_741, %swap3A_742] {strides = array<i32>} : memref<80x128xf32, #tpu.memory_space<vmem>>, vector<1x16xf32>,
        %swap3A_744 = vector.shape_cast %swap3A_743 : vector<1x16xf32> to vector<16xf32>
        %swap3A_745 = vector.shape_cast %max3A_740 : vector<16xf32> to vector<1x16xf32>
        tpu.vector_store %arg20[%swap3A_741, %swap3A_742], %swap3A_745 {strides = array<i32>} : memref<80x128xf32, #tpu.memory_space<vmem>>, vector<1x16xf32>,
        %get3A_746 = arith.index_cast %scan3A_676 : i32 to index
        %get3A_747 = arith.constant 96 : index
        %get3A_748 = tpu.vector_load %arg20[%get3A_746, %get3A_747] {strides = array<i32>} : memref<80x128xf32, #tpu.memory_space<vmem>>, vector<1x16xf32>,
        %get3A_749 = vector.shape_cast %get3A_748 : vector<1x16xf32> to vector<16xf32>
        %max3A_750 = arith.constant 0.000000e+00 : f32
        %max3A_751 = vector.broadcast %max3A_750 : f32 to vector<16xf32>
        %max3A_752 = arith.maximumf %get3A_749, %max3A_751 : vector<16xf32>
        %swap3A_753 = arith.index_cast %scan3A_676 : i32 to index
        %swap3A_754 = arith.constant 96 : index
        %swap3A_755 = tpu.vector_load %arg20[%swap3A_753, %swap3A_754] {strides = array<i32>} : memref<80x128xf32, #tpu.memory_space<vmem>>, vector<1x16xf32>,
        %swap3A_756 = vector.shape_cast %swap3A_755 : vector<1x16xf32> to vector<16xf32>
        %swap3A_757 = vector.shape_cast %max3A_752 : vector<16xf32> to vector<1x16xf32>
        tpu.vector_store %arg20[%swap3A_753, %swap3A_754], %swap3A_757 {strides = array<i32>} : memref<80x128xf32, #tpu.memory_space<vmem>>, vector<1x16xf32>,
        %get3A_758 = arith.index_cast %scan3A_676 : i32 to index
        %get3A_759 = arith.constant 112 : index
        %get3A_760 = tpu.vector_load %arg20[%get3A_758, %get3A_759] {strides = array<i32>} : memref<80x128xf32, #tpu.memory_space<vmem>>, vector<1x16xf32>,
        %get3A_761 = vector.shape_cast %get3A_760 : vector<1x16xf32> to vector<16xf32>
        %max3A_762 = arith.constant 0.000000e+00 : f32
        %max3A_763 = vector.broadcast %max3A_762 : f32 to vector<16xf32>
        %max3A_764 = arith.maximumf %get3A_761, %max3A_763 : vector<16xf32>
        %swap3A_765 = arith.index_cast %scan3A_676 : i32 to index
        %swap3A_766 = arith.constant 112 : index
        %swap3A_767 = tpu.vector_load %arg20[%swap3A_765, %swap3A_766] {strides = array<i32>} : memref<80x128xf32, #tpu.memory_space<vmem>>, vector<1x16xf32>,
        %swap3A_768 = vector.shape_cast %swap3A_767 : vector<1x16xf32> to vector<16xf32>
        %swap3A_769 = vector.shape_cast %max3A_764 : vector<16xf32> to vector<1x16xf32>
        tpu.vector_store %arg20[%swap3A_765, %swap3A_766], %swap3A_769 {strides = array<i32>} : memref<80x128xf32, #tpu.memory_space<vmem>>, vector<1x16xf32>,
      }
      %scan3A_668 = arith.constant 80 : i32
      %dma_start3A_669 = arith.constant 0 : i32
      %dma_start3A_670 = tpu.memref_slice %arg7[%add3A_656, %dma_start3A_669] : memref<320000x128xf32, #tpu.memory_space<hbm>> -> memref<80x128xf32, #tpu.memory_space<hbm>>
      %dma_start3A_671 = arith.constant 0 : i32
      %dma_start3A_672 = tpu.memref_slice %arg7[%add3A_656, %dma_start3A_671] : memref<320000x128xf32, #tpu.memory_space<hbm>> -> memref<80x128xf32, #tpu.memory_space<hbm>>
      tpu.enqueue_dma source(%arg20 : memref<80x128xf32, #tpu.memory_space<vmem>>) target(%dma_start3A_672 : memref<80x128xf32, #tpu.memory_space<hbm>>) target_semaphore(%arg34 : memref<!tpu.dma_semaphore, #tpu.memory_space<semaphore_mem>>)
      %dma_start3A_673 = arith.constant 0 : i32
      %dma_start3A_674 = arith.constant 0 : i32
      %dma_start3A_675 = tpu.memref_slice %arg22[%dma_start3A_673, %dma_start3A_674] : memref<10240x128xf32, #tpu.memory_space<vmem_shared>> -> memref<10240x128xf32, #tpu.memory_space<vmem_shared>>
      tpu.enqueue_indirect_dma source(%arg20 : memref<80x128xf32, #tpu.memory_space<vmem>>) target(%dma_start3A_675 : memref<10240x128xf32, #tpu.memory_space<vmem_shared>>) offsets(%arg12 : memref<80xi32, #tpu.memory_space<vmem>>) semaphore(%arg38 : memref<!tpu.dma_semaphore, #tpu.memory_space<semaphore_mem>>) {add = true}
    }
    %scan3A_372 = arith.constant 30 : i32
    %dma_wait3A_373 = arith.constant 0 : i32
    %dma_wait3A_374 = arith.constant 0 : i32
    %dma_wait3A_375 = tpu.memref_slice %arg7[%dma_wait3A_373, %dma_wait3A_374] : memref<320000x128xf32, #tpu.memory_space<hbm>> -> memref<80x128xf32, #tpu.memory_space<hbm>>
    %dma_wait3A_376 = arith.constant 0 : i32
    %dma_wait3A_377 = arith.constant 0 : i32
    %dma_wait3A_378 = tpu.memref_slice %arg7[%dma_wait3A_376, %dma_wait3A_377] : memref<320000x128xf32, #tpu.memory_space<hbm>> -> memref<80x128xf32, #tpu.memory_space<hbm>>
    tpu.wait_dma2 semaphore(%arg33 : memref<!tpu.dma_semaphore, #tpu.memory_space<semaphore_mem>>) src(%arg19 : memref<80x128xf32, #tpu.memory_space<vmem>>) dst(%dma_wait3A_378 : memref<80x128xf32, #tpu.memory_space<hbm>>)
    %dma_wait3A_379 = arith.constant 0 : i32
    %dma_wait3A_380 = arith.constant 0 : i32
    %dma_wait3A_381 = tpu.memref_slice %arg22[%dma_wait3A_379, %dma_wait3A_380] : memref<10240x128xf32, #tpu.memory_space<vmem_shared>> -> memref<10240x128xf32, #tpu.memory_space<vmem_shared>>
    tpu.wait_indirect_dma semaphore(%arg37 : memref<!tpu.dma_semaphore, #tpu.memory_space<semaphore_mem>>) src(%arg19 : memref<80x128xf32, #tpu.memory_space<vmem>>) dst(%dma_wait3A_381 : memref<10240x128xf32, #tpu.memory_space<vmem_shared>>)
    %mul3A_382 = arith.constant 10000 : i32
    %mul3A_383 = arith.muli %add3A, %mul3A_382 : i32
    %add3A_384 = arith.constant 9920 : i32
    %add3A_385 = arith.addi %mul3A_383, %add3A_384 : i32
    %dma_wait3A_386 = arith.constant 0 : i32
    %dma_wait3A_387 = arith.constant 0 : i32
    %dma_wait3A_388 = tpu.memref_slice %arg3[%dma_wait3A_386, %dma_wait3A_387] : memref<10000x128xf32, #tpu.memory_space<hbm>> -> memref<10000x128xf32, #tpu.memory_space<hbm>>
    tpu.wait_indirect_dma semaphore(%arg27 : memref<!tpu.dma_semaphore, #tpu.memory_space<semaphore_mem>>) src(%dma_wait3A_388 : memref<10000x128xf32, #tpu.memory_space<hbm>>) dst(%arg17 : memref<80x128xf32, #tpu.memory_space<vmem>>)
    %dma_wait3A_389 = arith.constant 0 : i32
    %dma_wait3A_390 = arith.constant 0 : i32
    %dma_wait3A_391 = tpu.memref_slice %arg4[%dma_wait3A_389, %dma_wait3A_390] : memref<10000x128xf32, #tpu.memory_space<hbm>> -> memref<10000x128xf32, #tpu.memory_space<hbm>>
    tpu.wait_indirect_dma semaphore(%arg27 : memref<!tpu.dma_semaphore, #tpu.memory_space<semaphore_mem>>) src(%dma_wait3A_391 : memref<10000x128xf32, #tpu.memory_space<hbm>>) dst(%arg17 : memref<80x128xf32, #tpu.memory_space<vmem>>)
    %scan3A_392 = arith.constant 0 : i32
    %scan3A_393 = arith.constant 0 : i32
    %scan3A_394 = arith.constant 80 : i32
    %scan3A_395 = arith.addi %scan3A_393, %scan3A_394 : i32
    %scan3A_396 = arith.constant 1 : i32
    scf.for %scan3A_428 = %scan3A_393 to %scan3A_395 step %scan3A_396  : i32 {
      %get3A = arith.index_cast %scan3A_428 : i32 to index
      %get3A_429 = arith.constant 0 : index
      %get3A_430 = tpu.vector_load %arg17[%get3A, %get3A_429] {strides = array<i32>} : memref<80x128xf32, #tpu.memory_space<vmem>>, vector<1x16xf32>,
      %get3A_431 = vector.shape_cast %get3A_430 : vector<1x16xf32> to vector<16xf32>
      %max3A = arith.constant 0.000000e+00 : f32
      %max3A_432 = vector.broadcast %max3A : f32 to vector<16xf32>
      %max3A_433 = arith.maximumf %get3A_431, %max3A_432 : vector<16xf32>
      %swap3A = arith.index_cast %scan3A_428 : i32 to index
      %swap3A_434 = arith.constant 0 : index
      %swap3A_435 = tpu.vector_load %arg17[%swap3A, %swap3A_434] {strides = array<i32>} : memref<80x128xf32, #tpu.memory_space<vmem>>, vector<1x16xf32>,
      %swap3A_436 = vector.shape_cast %swap3A_435 : vector<1x16xf32> to vector<16xf32>
      %swap3A_437 = vector.shape_cast %max3A_433 : vector<16xf32> to vector<1x16xf32>
      tpu.vector_store %arg17[%swap3A, %swap3A_434], %swap3A_437 {strides = array<i32>} : memref<80x128xf32, #tpu.memory_space<vmem>>, vector<1x16xf32>,
      %get3A_438 = arith.index_cast %scan3A_428 : i32 to index
      %get3A_439 = arith.constant 16 : index
      %get3A_440 = tpu.vector_load %arg17[%get3A_438, %get3A_439] {strides = array<i32>} : memref<80x128xf32, #tpu.memory_space<vmem>>, vector<1x16xf32>,
      %get3A_441 = vector.shape_cast %get3A_440 : vector<1x16xf32> to vector<16xf32>
      %max3A_442 = arith.constant 0.000000e+00 : f32
      %max3A_443 = vector.broadcast %max3A_442 : f32 to vector<16xf32>
      %max3A_444 = arith.maximumf %get3A_441, %max3A_443 : vector<16xf32>
      %swap3A_445 = arith.index_cast %scan3A_428 : i32 to index
      %swap3A_446 = arith.constant 16 : index
      %swap3A_447 = tpu.vector_load %arg17[%swap3A_445, %swap3A_446] {strides = array<i32>} : memref<80x128xf32, #tpu.memory_space<vmem>>, vector<1x16xf32>,
      %swap3A_448 = vector.shape_cast %swap3A_447 : vector<1x16xf32> to vector<16xf32>
      %swap3A_449 = vector.shape_cast %max3A_444 : vector<16xf32> to vector<1x16xf32>
      tpu.vector_store %arg17[%swap3A_445, %swap3A_446], %swap3A_449 {strides = array<i32>} : memref<80x128xf32, #tpu.memory_space<vmem>>, vector<1x16xf32>,
      %get3A_450 = arith.index_cast %scan3A_428 : i32 to index
      %get3A_451 = arith.constant 32 : index
      %get3A_452 = tpu.vector_load %arg17[%get3A_450, %get3A_451] {strides = array<i32>} : memref<80x128xf32, #tpu.memory_space<vmem>>, vector<1x16xf32>,
      %get3A_453 = vector.shape_cast %get3A_452 : vector<1x16xf32> to vector<16xf32>
      %max3A_454 = arith.constant 0.000000e+00 : f32
      %max3A_455 = vector.broadcast %max3A_454 : f32 to vector<16xf32>
      %max3A_456 = arith.maximumf %get3A_453, %max3A_455 : vector<16xf32>
      %swap3A_457 = arith.index_cast %scan3A_428 : i32 to index
      %swap3A_458 = arith.constant 32 : index
      %swap3A_459 = tpu.vector_load %arg17[%swap3A_457, %swap3A_458] {strides = array<i32>} : memref<80x128xf32, #tpu.memory_space<vmem>>, vector<1x16xf32>,
      %swap3A_460 = vector.shape_cast %swap3A_459 : vector<1x16xf32> to vector<16xf32>
      %swap3A_461 = vector.shape_cast %max3A_456 : vector<16xf32> to vector<1x16xf32>
      tpu.vector_store %arg17[%swap3A_457, %swap3A_458], %swap3A_461 {strides = array<i32>} : memref<80x128xf32, #tpu.memory_space<vmem>>, vector<1x16xf32>,
      %get3A_462 = arith.index_cast %scan3A_428 : i32 to index
      %get3A_463 = arith.constant 48 : index
      %get3A_464 = tpu.vector_load %arg17[%get3A_462, %get3A_463] {strides = array<i32>} : memref<80x128xf32, #tpu.memory_space<vmem>>, vector<1x16xf32>,
      %get3A_465 = vector.shape_cast %get3A_464 : vector<1x16xf32> to vector<16xf32>
      %max3A_466 = arith.constant 0.000000e+00 : f32
      %max3A_467 = vector.broadcast %max3A_466 : f32 to vector<16xf32>
      %max3A_468 = arith.maximumf %get3A_465, %max3A_467 : vector<16xf32>
      %swap3A_469 = arith.index_cast %scan3A_428 : i32 to index
      %swap3A_470 = arith.constant 48 : index
      %swap3A_471 = tpu.vector_load %arg17[%swap3A_469, %swap3A_470] {strides = array<i32>} : memref<80x128xf32, #tpu.memory_space<vmem>>, vector<1x16xf32>,
      %swap3A_472 = vector.shape_cast %swap3A_471 : vector<1x16xf32> to vector<16xf32>
      %swap3A_473 = vector.shape_cast %max3A_468 : vector<16xf32> to vector<1x16xf32>
      tpu.vector_store %arg17[%swap3A_469, %swap3A_470], %swap3A_473 {strides = array<i32>} : memref<80x128xf32, #tpu.memory_space<vmem>>, vector<1x16xf32>,
      %get3A_474 = arith.index_cast %scan3A_428 : i32 to index
      %get3A_475 = arith.constant 64 : index
      %get3A_476 = tpu.vector_load %arg17[%get3A_474, %get3A_475] {strides = array<i32>} : memref<80x128xf32, #tpu.memory_space<vmem>>, vector<1x16xf32>,
      %get3A_477 = vector.shape_cast %get3A_476 : vector<1x16xf32> to vector<16xf32>
      %max3A_478 = arith.constant 0.000000e+00 : f32
      %max3A_479 = vector.broadcast %max3A_478 : f32 to vector<16xf32>
      %max3A_480 = arith.maximumf %get3A_477, %max3A_479 : vector<16xf32>
      %swap3A_481 = arith.index_cast %scan3A_428 : i32 to index
      %swap3A_482 = arith.constant 64 : index
      %swap3A_483 = tpu.vector_load %arg17[%swap3A_481, %swap3A_482] {strides = array<i32>} : memref<80x128xf32, #tpu.memory_space<vmem>>, vector<1x16xf32>,
      %swap3A_484 = vector.shape_cast %swap3A_483 : vector<1x16xf32> to vector<16xf32>
      %swap3A_485 = vector.shape_cast %max3A_480 : vector<16xf32> to vector<1x16xf32>
      tpu.vector_store %arg17[%swap3A_481, %swap3A_482], %swap3A_485 {strides = array<i32>} : memref<80x128xf32, #tpu.memory_space<vmem>>, vector<1x16xf32>,
      %get3A_486 = arith.index_cast %scan3A_428 : i32 to index
      %get3A_487 = arith.constant 80 : index
      %get3A_488 = tpu.vector_load %arg17[%get3A_486, %get3A_487] {strides = array<i32>} : memref<80x128xf32, #tpu.memory_space<vmem>>, vector<1x16xf32>,
      %get3A_489 = vector.shape_cast %get3A_488 : vector<1x16xf32> to vector<16xf32>
      %max3A_490 = arith.constant 0.000000e+00 : f32
      %max3A_491 = vector.broadcast %max3A_490 : f32 to vector<16xf32>
      %max3A_492 = arith.maximumf %get3A_489, %max3A_491 : vector<16xf32>
      %swap3A_493 = arith.index_cast %scan3A_428 : i32 to index
      %swap3A_494 = arith.constant 80 : index
      %swap3A_495 = tpu.vector_load %arg17[%swap3A_493, %swap3A_494] {strides = array<i32>} : memref<80x128xf32, #tpu.memory_space<vmem>>, vector<1x16xf32>,
      %swap3A_496 = vector.shape_cast %swap3A_495 : vector<1x16xf32> to vector<16xf32>
      %swap3A_497 = vector.shape_cast %max3A_492 : vector<16xf32> to vector<1x16xf32>
      tpu.vector_store %arg17[%swap3A_493, %swap3A_494], %swap3A_497 {strides = array<i32>} : memref<80x128xf32, #tpu.memory_space<vmem>>, vector<1x16xf32>,
      %get3A_498 = arith.index_cast %scan3A_428 : i32 to index
      %get3A_499 = arith.constant 96 : index
      %get3A_500 = tpu.vector_load %arg17[%get3A_498, %get3A_499] {strides = array<i32>} : memref<80x128xf32, #tpu.memory_space<vmem>>, vector<1x16xf32>,
      %get3A_501 = vector.shape_cast %get3A_500 : vector<1x16xf32> to vector<16xf32>
      %max3A_502 = arith.constant 0.000000e+00 : f32
      %max3A_503 = vector.broadcast %max3A_502 : f32 to vector<16xf32>
      %max3A_504 = arith.maximumf %get3A_501, %max3A_503 : vector<16xf32>
      %swap3A_505 = arith.index_cast %scan3A_428 : i32 to index
      %swap3A_506 = arith.constant 96 : index
      %swap3A_507 = tpu.vector_load %arg17[%swap3A_505, %swap3A_506] {strides = array<i32>} : memref<80x128xf32, #tpu.memory_space<vmem>>, vector<1x16xf32>,
      %swap3A_508 = vector.shape_cast %swap3A_507 : vector<1x16xf32> to vector<16xf32>
      %swap3A_509 = vector.shape_cast %max3A_504 : vector<16xf32> to vector<1x16xf32>
      tpu.vector_store %arg17[%swap3A_505, %swap3A_506], %swap3A_509 {strides = array<i32>} : memref<80x128xf32, #tpu.memory_space<vmem>>, vector<1x16xf32>,
      %get3A_510 = arith.index_cast %scan3A_428 : i32 to index
      %get3A_511 = arith.constant 112 : index
      %get3A_512 = tpu.vector_load %arg17[%get3A_510, %get3A_511] {strides = array<i32>} : memref<80x128xf32, #tpu.memory_space<vmem>>, vector<1x16xf32>,
      %get3A_513 = vector.shape_cast %get3A_512 : vector<1x16xf32> to vector<16xf32>
      %max3A_514 = arith.constant 0.000000e+00 : f32
      %max3A_515 = vector.broadcast %max3A_514 : f32 to vector<16xf32>
      %max3A_516 = arith.maximumf %get3A_513, %max3A_515 : vector<16xf32>
      %swap3A_517 = arith.index_cast %scan3A_428 : i32 to index
      %swap3A_518 = arith.constant 112 : index
      %swap3A_519 = tpu.vector_load %arg17[%swap3A_517, %swap3A_518] {strides = array<i32>} : memref<80x128xf32, #tpu.memory_space<vmem>>, vector<1x16xf32>,
      %swap3A_520 = vector.shape_cast %swap3A_519 : vector<1x16xf32> to vector<16xf32>
      %swap3A_521 = vector.shape_cast %max3A_516 : vector<16xf32> to vector<1x16xf32>
      tpu.vector_store %arg17[%swap3A_517, %swap3A_518], %swap3A_521 {strides = array<i32>} : memref<80x128xf32, #tpu.memory_space<vmem>>, vector<1x16xf32>,
    }
    %scan3A_397 = arith.constant 80 : i32
    %dma_start3A_398 = arith.constant 0 : i32
    %dma_start3A_399 = tpu.memref_slice %arg7[%add3A_385, %dma_start3A_398] : memref<320000x128xf32, #tpu.memory_space<hbm>> -> memref<80x128xf32, #tpu.memory_space<hbm>>
    %dma_start3A_400 = arith.constant 0 : i32
    %dma_start3A_401 = tpu.memref_slice %arg7[%add3A_385, %dma_start3A_400] : memref<320000x128xf32, #tpu.memory_space<hbm>> -> memref<80x128xf32, #tpu.memory_space<hbm>>
    tpu.enqueue_dma source(%arg17 : memref<80x128xf32, #tpu.memory_space<vmem>>) target(%dma_start3A_401 : memref<80x128xf32, #tpu.memory_space<hbm>>) target_semaphore(%arg31 : memref<!tpu.dma_semaphore, #tpu.memory_space<semaphore_mem>>)
    %dma_start3A_402 = arith.constant 0 : i32
    %dma_start3A_403 = arith.constant 0 : i32
    %dma_start3A_404 = tpu.memref_slice %arg22[%dma_start3A_402, %dma_start3A_403] : memref<10240x128xf32, #tpu.memory_space<vmem_shared>> -> memref<10240x128xf32, #tpu.memory_space<vmem_shared>>
    tpu.enqueue_indirect_dma source(%arg17 : memref<80x128xf32, #tpu.memory_space<vmem>>) target(%dma_start3A_404 : memref<10240x128xf32, #tpu.memory_space<vmem_shared>>) offsets(%arg9 : memref<80xi32, #tpu.memory_space<vmem>>) semaphore(%arg35 : memref<!tpu.dma_semaphore, #tpu.memory_space<semaphore_mem>>) {add = true}
    %dma_wait3A_405 = arith.constant 0 : i32
    %dma_wait3A_406 = arith.constant 0 : i32
    %dma_wait3A_407 = tpu.memref_slice %arg7[%dma_wait3A_405, %dma_wait3A_406] : memref<320000x128xf32, #tpu.memory_space<hbm>> -> memref<80x128xf32, #tpu.memory_space<hbm>>
    %dma_wait3A_408 = arith.constant 0 : i32
    %dma_wait3A_409 = arith.constant 0 : i32
    %dma_wait3A_410 = tpu.memref_slice %arg7[%dma_wait3A_408, %dma_wait3A_409] : memref<320000x128xf32, #tpu.memory_space<hbm>> -> memref<80x128xf32, #tpu.memory_space<hbm>>
    tpu.wait_dma2 semaphore(%arg34 : memref<!tpu.dma_semaphore, #tpu.memory_space<semaphore_mem>>) src(%arg20 : memref<80x128xf32, #tpu.memory_space<vmem>>) dst(%dma_wait3A_410 : memref<80x128xf32, #tpu.memory_space<hbm>>)
    %dma_wait3A_411 = arith.constant 0 : i32
    %dma_wait3A_412 = arith.constant 0 : i32
    %dma_wait3A_413 = tpu.memref_slice %arg22[%dma_wait3A_411, %dma_wait3A_412] : memref<10240x128xf32, #tpu.memory_space<vmem_shared>> -> memref<10240x128xf32, #tpu.memory_space<vmem_shared>>
    tpu.wait_indirect_dma semaphore(%arg38 : memref<!tpu.dma_semaphore, #tpu.memory_space<semaphore_mem>>) src(%arg20 : memref<80x128xf32, #tpu.memory_space<vmem>>) dst(%dma_wait3A_413 : memref<10240x128xf32, #tpu.memory_space<vmem_shared>>)
    %dma_wait3A_414 = arith.constant 0 : i32
    %dma_wait3A_415 = arith.constant 0 : i32
    %dma_wait3A_416 = tpu.memref_slice %arg7[%dma_wait3A_414, %dma_wait3A_415] : memref<320000x128xf32, #tpu.memory_space<hbm>> -> memref<80x128xf32, #tpu.memory_space<hbm>>
    %dma_wait3A_417 = arith.constant 0 : i32
    %dma_wait3A_418 = arith.constant 0 : i32
    %dma_wait3A_419 = tpu.memref_slice %arg7[%dma_wait3A_417, %dma_wait3A_418] : memref<320000x128xf32, #tpu.memory_space<hbm>> -> memref<80x128xf32, #tpu.memory_space<hbm>>
    tpu.wait_dma2 semaphore(%arg31 : memref<!tpu.dma_semaphore, #tpu.memory_space<semaphore_mem>>) src(%arg17 : memref<80x128xf32, #tpu.memory_space<vmem>>) dst(%dma_wait3A_419 : memref<80x128xf32, #tpu.memory_space<hbm>>)
    %dma_wait3A_420 = arith.constant 0 : i32
    %dma_wait3A_421 = arith.constant 0 : i32
    %dma_wait3A_422 = tpu.memref_slice %arg22[%dma_wait3A_420, %dma_wait3A_421] : memref<10240x128xf32, #tpu.memory_space<vmem_shared>> -> memref<10240x128xf32, #tpu.memory_space<vmem_shared>>
    tpu.wait_indirect_dma semaphore(%arg35 : memref<!tpu.dma_semaphore, #tpu.memory_space<semaphore_mem>>) src(%arg17 : memref<80x128xf32, #tpu.memory_space<vmem>>) dst(%dma_wait3A_422 : memref<10240x128xf32, #tpu.memory_space<vmem_shared>>)
    %barrier3A_423 = arith.constant 0 : index
    tpu.barrier barrier_id(%barrier3A_423)
    %mul3A_424 = arith.constant 640 : i32
    %mul3A_425 = arith.muli %arg1, %mul3A_424 : i32
    %mul3A_426 = arith.constant 640 : i32
    %mul3A_427 = arith.muli %arg1, %mul3A_426 : i32
    "tpu.region"() ({
      %run_scoped3A = tpu.sem_alloc : memref<!tpu.dma_semaphore, #tpu.memory_space<semaphore_mem>>
      %dma_start3A_428 = arith.constant 0 : i32
      %dma_start3A_429 = tpu.memref_slice %arg8[%arg0, %mul3A_427, %dma_start3A_428] : memref<2x10240x128xf32, #tpu.memory_space<hbm>> -> memref<1x640x128xf32, #tpu.memory_space<hbm>>
      %dma_start3A_430 = tpu.memref_squeeze %dma_start3A_429 : memref<1x640x128xf32, #tpu.memory_space<hbm>> -> memref<640x128xf32, #tpu.memory_space<hbm>>
      %dma_start3A_431 = arith.constant 0 : i32
      %dma_start3A_432 = tpu.memref_slice %arg22[%mul3A_425, %dma_start3A_431] : memref<10240x128xf32, #tpu.memory_space<vmem_shared>> -> memref<640x128xf32, #tpu.memory_space<vmem_shared>>
      tpu.enqueue_dma source(%dma_start3A_432 : memref<640x128xf32, #tpu.memory_space<vmem_shared>>) target(%dma_start3A_430 : memref<640x128xf32, #tpu.memory_space<hbm>>) target_semaphore(%run_scoped3A : memref<!tpu.dma_semaphore, #tpu.memory_space<semaphore_mem>>)
      %dma_wait3A_433 = arith.constant 0 : i32
      %dma_wait3A_434 = tpu.memref_slice %arg8[%arg0, %mul3A_427, %dma_wait3A_433] : memref<2x10240x128xf32, #tpu.memory_space<hbm>> -> memref<1x640x128xf32, #tpu.memory_space<hbm>>
      %dma_wait3A_435 = tpu.memref_squeeze %dma_wait3A_434 : memref<1x640x128xf32, #tpu.memory_space<hbm>> -> memref<640x128xf32, #tpu.memory_space<hbm>>
      %dma_wait3A_436 = arith.constant 0 : i32
      %dma_wait3A_437 = tpu.memref_slice %arg22[%mul3A_425, %dma_wait3A_436] : memref<10240x128xf32, #tpu.memory_space<vmem_shared>> -> memref<640x128xf32, #tpu.memory_space<vmem_shared>>
      tpu.wait_dma2 semaphore(%run_scoped3A : memref<!tpu.dma_semaphore, #tpu.memory_space<semaphore_mem>>) src(%dma_wait3A_437 : memref<640x128xf32, #tpu.memory_space<vmem_shared>>) dst(%dma_wait3A_435 : memref<640x128xf32, #tpu.memory_space<hbm>>)
      tpu.yield
    }) : () -> ()
    return
  }
}

module attributes {stable_mosaic.version = 14 : i64} {
  func.func @_proj_body(%arg0: i32, %arg1: memref<12800x16xf32, #tpu.memory_space<vmem>>, %arg2: memref<16x128xf32, #tpu.memory_space<vmem>>, %arg3: memref<1x128xf32, #tpu.memory_space<vmem>>, %arg4: memref<400x128xf32, #tpu.memory_space<vmem>>, %arg5: memref<128x128xf32, #tpu.memory_space<vmem>>, %arg6: memref<128x128xf32, #tpu.memory_space<vmem>>, %arg7: memref<12800x128xf32, #tpu.memory_space<vmem>>, %arg8: memref<400x128xf32, #tpu.memory_space<vmem>>, %arg9: memref<400x128xf32, #tpu.memory_space<vmem>>) attributes {dimension_semantics = [#tpu.dimension_semantics<arbitrary>], iteration_bounds = array<i64: 25>, scalar_prefetch = 0 : i64, scratch_operands = 0 : i64, tpu.core_type = #tpu.core_type<tc>, window_params = [{transform_indices = @transform_0, window_bounds = array<i64: 12800, 16>}, {pipeline_mode = #tpu.pipeline_mode<synchronous>, transform_indices = @transform_1, window_bounds = array<i64: 16, 128>}, {pipeline_mode = #tpu.pipeline_mode<synchronous>, transform_indices = @transform_2, window_bounds = array<i64: 1, 128>}, {transform_indices = @transform_3, window_bounds = array<i64: 400, 128>}, {pipeline_mode = #tpu.pipeline_mode<synchronous>, transform_indices = @transform_4, window_bounds = array<i64: 128, 128>}, {pipeline_mode = #tpu.pipeline_mode<synchronous>, transform_indices = @transform_5, window_bounds = array<i64: 128, 128>}, {transform_indices = @transform_6, window_bounds = array<i64: 12800, 128>}, {transform_indices = @transform_7, window_bounds = array<i64: 400, 128>}, {transform_indices = @transform_8, window_bounds = array<i64: 400, 128>}]} {
    %get3A = arith.constant 0 : index
    %get3A_0 = arith.constant 0 : index
    %get3A_1 = vector.load %arg1[%get3A, %get3A_0] : memref<12800x16xf32, #tpu.memory_space<vmem>>, vector<12800x16xf32>
    %get3A_2 = arith.constant 0 : index
    %get3A_3 = arith.constant 0 : index
    %get3A_4 = vector.load %arg2[%get3A_2, %get3A_3] : memref<16x128xf32, #tpu.memory_space<vmem>>, vector<16x128xf32>
    %dot_general3A = arith.constant dense<0.000000e+00> : vector<12800x128xf32>
    %dot_general3A_5 = tpu.matmul %get3A_1, %get3A_4, %dot_general3A {dimension_numbers = #tpu.dot_dimension_numbers<[1], [0], [0], [1], [0, 0, 1, 1], [], []>, transpose_lhs_hint = false} : vector<12800x16xf32>, vector<16x128xf32>, vector<12800x128xf32> -> vector<12800x128xf32>
    %get3A_6 = arith.constant 0 : index
    %get3A_7 = arith.constant 0 : index
    %get3A_8 = vector.load %arg3[%get3A_6, %get3A_7] : memref<1x128xf32, #tpu.memory_space<vmem>>, vector<1x128xf32>
    %add3A = vector.broadcast %get3A_8 : vector<1x128xf32> to vector<12800x128xf32>
    %add3A_9 = arith.addf %dot_general3A_5, %add3A : vector<12800x128xf32>
    %swap3A = arith.constant 0 : index
    %swap3A_10 = arith.constant 0 : index
    %swap3A_11 = vector.load %arg7[%swap3A, %swap3A_10] : memref<12800x128xf32, #tpu.memory_space<vmem>>, vector<12800x128xf32>
    tpu.vector_store %arg7[%swap3A, %swap3A_10], %add3A_9 {strides = array<i32>} : memref<12800x128xf32, #tpu.memory_space<vmem>>, vector<12800x128xf32>,
    %get3A_12 = arith.constant 0 : index
    %get3A_13 = arith.constant 0 : index
    %get3A_14 = vector.load %arg4[%get3A_12, %get3A_13] : memref<400x128xf32, #tpu.memory_space<vmem>>, vector<400x128xf32>
    %get3A_15 = arith.constant 0 : index
    %get3A_16 = arith.constant 0 : index
    %get3A_17 = vector.load %arg5[%get3A_15, %get3A_16] : memref<128x128xf32, #tpu.memory_space<vmem>>, vector<128x128xf32>
    %dot_general3A_18 = arith.constant dense<0.000000e+00> : vector<400x128xf32>
    %dot_general3A_19 = tpu.matmul %get3A_14, %get3A_17, %dot_general3A_18 {dimension_numbers = #tpu.dot_dimension_numbers<[1], [0], [0], [1], [0, 0, 1, 1], [], []>, transpose_lhs_hint = false} : vector<400x128xf32>, vector<128x128xf32>, vector<400x128xf32> -> vector<400x128xf32>
    %swap3A_20 = arith.constant 0 : index
    %swap3A_21 = arith.constant 0 : index
    %swap3A_22 = vector.load %arg8[%swap3A_20, %swap3A_21] : memref<400x128xf32, #tpu.memory_space<vmem>>, vector<400x128xf32>
    tpu.vector_store %arg8[%swap3A_20, %swap3A_21], %dot_general3A_19 {strides = array<i32>} : memref<400x128xf32, #tpu.memory_space<vmem>>, vector<400x128xf32>,
    %get3A_23 = arith.constant 0 : index
    %get3A_24 = arith.constant 0 : index
    %get3A_25 = vector.load %arg6[%get3A_23, %get3A_24] : memref<128x128xf32, #tpu.memory_space<vmem>>, vector<128x128xf32>
    %dot_general3A_26 = arith.constant dense<0.000000e+00> : vector<400x128xf32>
    %dot_general3A_27 = tpu.matmul %get3A_14, %get3A_25, %dot_general3A_26 {dimension_numbers = #tpu.dot_dimension_numbers<[1], [0], [0], [1], [0, 0, 1, 1], [], []>, transpose_lhs_hint = false} : vector<400x128xf32>, vector<128x128xf32>, vector<400x128xf32> -> vector<400x128xf32>
    %swap3A_28 = arith.constant 0 : index
    %swap3A_29 = arith.constant 0 : index
    %swap3A_30 = vector.load %arg9[%swap3A_28, %swap3A_29] : memref<400x128xf32, #tpu.memory_space<vmem>>, vector<400x128xf32>
    tpu.vector_store %arg9[%swap3A_28, %swap3A_29], %dot_general3A_27 {strides = array<i32>} : memref<400x128xf32, #tpu.memory_space<vmem>>, vector<400x128xf32>,
    return
  }
  func.func @transform_0(%arg0: i32) -> (i32, i32) {
    %c0_i32 = arith.constant 0 : i32
    %c0_i32_0 = arith.constant 0 : i32
    return %arg0, %c0_i32 : i32, i32
  }
  func.func @transform_1(%arg0: i32) -> (i32, i32) {
    %c0_i32 = arith.constant 0 : i32
    %c0_i32_0 = arith.constant 0 : i32
    %c0_i32_1 = arith.constant 0 : i32
    return %c0_i32, %c0_i32_0 : i32, i32
  }
  func.func @transform_2(%arg0: i32) -> (i32, i32) {
    %c0_i32 = arith.constant 0 : i32
    %c0_i32_0 = arith.constant 0 : i32
    %c0_i32_1 = arith.constant 0 : i32
    return %c0_i32, %c0_i32_0 : i32, i32
  }
  func.func @transform_3(%arg0: i32) -> (i32, i32) {
    %c0_i32 = arith.constant 0 : i32
    %c0_i32_0 = arith.constant 0 : i32
    return %arg0, %c0_i32 : i32, i32
  }
  func.func @transform_4(%arg0: i32) -> (i32, i32) {
    %c0_i32 = arith.constant 0 : i32
    %c0_i32_0 = arith.constant 0 : i32
    %c0_i32_1 = arith.constant 0 : i32
    return %c0_i32, %c0_i32_0 : i32, i32
  }
  func.func @transform_5(%arg0: i32) -> (i32, i32) {
    %c0_i32 = arith.constant 0 : i32
    %c0_i32_0 = arith.constant 0 : i32
    %c0_i32_1 = arith.constant 0 : i32
    return %c0_i32, %c0_i32_0 : i32, i32
  }
  func.func @transform_6(%arg0: i32) -> (i32, i32) {
    %c0_i32 = arith.constant 0 : i32
    %c0_i32_0 = arith.constant 0 : i32
    return %arg0, %c0_i32 : i32, i32
  }
  func.func @transform_7(%arg0: i32) -> (i32, i32) {
    %c0_i32 = arith.constant 0 : i32
    %c0_i32_0 = arith.constant 0 : i32
    return %arg0, %c0_i32 : i32, i32
  }
  func.func @transform_8(%arg0: i32) -> (i32, i32) {
    %c0_i32 = arith.constant 0 : i32
    %c0_i32_0 = arith.constant 0 : i32
    return %arg0, %c0_i32 : i32, i32
  }
}

module attributes {stable_mosaic.version = 14 : i64} {
  func.func @_node_global_body(%arg0: i32, %arg1: memref<2x10000x128xf32, #tpu.memory_space<vmem>>, %arg2: memref<10000x128xf32, #tpu.memory_space<vmem>>, %arg3: memref<128x128xf32, #tpu.memory_space<vmem>>, %arg4: memref<128x128xf32, #tpu.memory_space<vmem>>, %arg5: memref<1x128xf32, #tpu.memory_space<vmem>>, %arg6: memref<128x128xf32, #tpu.memory_space<vmem>>, %arg7: memref<128x128xf32, #tpu.memory_space<vmem>>, %arg8: memref<1x128xf32, #tpu.memory_space<vmem>>, %arg9: memref<10000x128xf32, #tpu.memory_space<vmem>>, %arg10: memref<1x128xf32, #tpu.memory_space<vmem>>) attributes {dimension_semantics = [#tpu.dimension_semantics<arbitrary>], iteration_bounds = array<i64: 1>, scalar_prefetch = 0 : i64, scratch_operands = 0 : i64, tpu.core_type = #tpu.core_type<tc>, window_params = [{pipeline_mode = #tpu.pipeline_mode<synchronous>, transform_indices = @transform_0, window_bounds = array<i64: 2, 10000, 128>}, {pipeline_mode = #tpu.pipeline_mode<synchronous>, transform_indices = @transform_1, window_bounds = array<i64: 10000, 128>}, {pipeline_mode = #tpu.pipeline_mode<synchronous>, transform_indices = @transform_2, window_bounds = array<i64: 128, 128>}, {pipeline_mode = #tpu.pipeline_mode<synchronous>, transform_indices = @transform_3, window_bounds = array<i64: 128, 128>}, {pipeline_mode = #tpu.pipeline_mode<synchronous>, transform_indices = @transform_4, window_bounds = array<i64: 1, 128>}, {pipeline_mode = #tpu.pipeline_mode<synchronous>, transform_indices = @transform_5, window_bounds = array<i64: 128, 128>}, {pipeline_mode = #tpu.pipeline_mode<synchronous>, transform_indices = @transform_6, window_bounds = array<i64: 128, 128>}, {pipeline_mode = #tpu.pipeline_mode<synchronous>, transform_indices = @transform_7, window_bounds = array<i64: 1, 128>}, {pipeline_mode = #tpu.pipeline_mode<synchronous>, transform_indices = @transform_8, window_bounds = array<i64: 10000, 128>}, {pipeline_mode = #tpu.pipeline_mode<synchronous>, transform_indices = @transform_9, window_bounds = array<i64: 1, 128>}]} {
    %get3A = arith.constant 0 : index
    %get3A_0 = arith.constant 0 : index
    %get3A_1 = arith.constant 0 : index
    %get3A_2 = vector.load %arg1[%get3A, %get3A_0, %get3A_1] : memref<2x10000x128xf32, #tpu.memory_space<vmem>>, vector<1x10000x128xf32>
    %get3A_3 = vector.shape_cast %get3A_2 : vector<1x10000x128xf32> to vector<10000x128xf32>
    %get3A_4 = arith.constant 1 : index
    %get3A_5 = arith.constant 0 : index
    %get3A_6 = arith.constant 0 : index
    %get3A_7 = vector.load %arg1[%get3A_4, %get3A_5, %get3A_6] : memref<2x10000x128xf32, #tpu.memory_space<vmem>>, vector<1x10000x128xf32>
    %get3A_8 = vector.shape_cast %get3A_7 : vector<1x10000x128xf32> to vector<10000x128xf32>
    %add3A = arith.addf %get3A_3, %get3A_8 : vector<10000x128xf32>
    %get3A_9 = arith.constant 0 : index
    %get3A_10 = arith.constant 0 : index
    %get3A_11 = vector.load %arg3[%get3A_9, %get3A_10] : memref<128x128xf32, #tpu.memory_space<vmem>>, vector<128x128xf32>
    %dot_general3A = arith.constant dense<0.000000e+00> : vector<10000x128xf32>
    %dot_general3A_12 = tpu.matmul %add3A, %get3A_11, %dot_general3A {dimension_numbers = #tpu.dot_dimension_numbers<[1], [0], [0], [1], [0, 0, 1, 1], [], []>, transpose_lhs_hint = false} : vector<10000x128xf32>, vector<128x128xf32>, vector<10000x128xf32> -> vector<10000x128xf32>
    %get3A_13 = arith.constant 0 : index
    %get3A_14 = arith.constant 0 : index
    %get3A_15 = vector.load %arg2[%get3A_13, %get3A_14] : memref<10000x128xf32, #tpu.memory_space<vmem>>, vector<10000x128xf32>
    %get3A_16 = arith.constant 0 : index
    %get3A_17 = arith.constant 0 : index
    %get3A_18 = vector.load %arg4[%get3A_16, %get3A_17] : memref<128x128xf32, #tpu.memory_space<vmem>>, vector<128x128xf32>
    %dot_general3A_19 = arith.constant dense<0.000000e+00> : vector<10000x128xf32>
    %dot_general3A_20 = tpu.matmul %get3A_15, %get3A_18, %dot_general3A_19 {dimension_numbers = #tpu.dot_dimension_numbers<[1], [0], [0], [1], [0, 0, 1, 1], [], []>, transpose_lhs_hint = false} : vector<10000x128xf32>, vector<128x128xf32>, vector<10000x128xf32> -> vector<10000x128xf32>
    %add3A_21 = arith.addf %dot_general3A_12, %dot_general3A_20 : vector<10000x128xf32>
    %get3A_22 = arith.constant 0 : index
    %get3A_23 = arith.constant 0 : index
    %get3A_24 = vector.load %arg5[%get3A_22, %get3A_23] : memref<1x128xf32, #tpu.memory_space<vmem>>, vector<1x128xf32>
    %add3A_25 = vector.broadcast %get3A_24 : vector<1x128xf32> to vector<10000x128xf32>
    %add3A_26 = arith.addf %add3A_21, %add3A_25 : vector<10000x128xf32>
    %max3A = arith.constant 0.000000e+00 : f32
    %max3A_27 = vector.broadcast %max3A : f32 to vector<10000x128xf32>
    %max3A_28 = arith.maximumf %add3A_26, %max3A_27 : vector<10000x128xf32>
    %swap3A = arith.constant 0 : index
    %swap3A_29 = arith.constant 0 : index
    %swap3A_30 = vector.load %arg9[%swap3A, %swap3A_29] : memref<10000x128xf32, #tpu.memory_space<vmem>>, vector<10000x128xf32>
    tpu.vector_store %arg9[%swap3A, %swap3A_29], %max3A_28 {strides = array<i32>} : memref<10000x128xf32, #tpu.memory_space<vmem>>, vector<10000x128xf32>,
    %reduce_sum3A = arith.constant dense<0.000000e+00> : vector<128xf32>
    %reduce_sum3A_31 = vector.multi_reduction <add>, %add3A, %reduce_sum3A [0] : vector<10000x128xf32> to vector<128xf32>
    %broadcast_in_dim3A = vector.shape_cast %reduce_sum3A_31 : vector<128xf32> to vector<1x128xf32>
    %reduce_sum3A_32 = arith.constant dense<0.000000e+00> : vector<128xf32>
    %reduce_sum3A_33 = vector.multi_reduction <add>, %max3A_28, %reduce_sum3A_32 [0] : vector<10000x128xf32> to vector<128xf32>
    %broadcast_in_dim3A_34 = vector.shape_cast %reduce_sum3A_33 : vector<128xf32> to vector<1x128xf32>
    %get3A_35 = arith.constant 0 : index
    %get3A_36 = arith.constant 0 : index
    %get3A_37 = vector.load %arg6[%get3A_35, %get3A_36] : memref<128x128xf32, #tpu.memory_space<vmem>>, vector<128x128xf32>
    %dot_general3A_38 = arith.constant dense<0.000000e+00> : vector<1x128xf32>
    %dot_general3A_39 = tpu.matmul %broadcast_in_dim3A, %get3A_37, %dot_general3A_38 {dimension_numbers = #tpu.dot_dimension_numbers<[1], [0], [0], [1], [0, 0, 1, 1], [], []>, transpose_lhs_hint = false} : vector<1x128xf32>, vector<128x128xf32>, vector<1x128xf32> -> vector<1x128xf32>
    %get3A_40 = arith.constant 0 : index
    %get3A_41 = arith.constant 0 : index
    %get3A_42 = vector.load %arg7[%get3A_40, %get3A_41] : memref<128x128xf32, #tpu.memory_space<vmem>>, vector<128x128xf32>
    %dot_general3A_43 = arith.constant dense<0.000000e+00> : vector<1x128xf32>
    %dot_general3A_44 = tpu.matmul %broadcast_in_dim3A_34, %get3A_42, %dot_general3A_43 {dimension_numbers = #tpu.dot_dimension_numbers<[1], [0], [0], [1], [0, 0, 1, 1], [], []>, transpose_lhs_hint = false} : vector<1x128xf32>, vector<128x128xf32>, vector<1x128xf32> -> vector<1x128xf32>
    %add3A_45 = arith.addf %dot_general3A_39, %dot_general3A_44 : vector<1x128xf32>
    %get3A_46 = arith.constant 0 : index
    %get3A_47 = arith.constant 0 : index
    %get3A_48 = vector.load %arg8[%get3A_46, %get3A_47] : memref<1x128xf32, #tpu.memory_space<vmem>>, vector<1x128xf32>
    %add3A_49 = arith.addf %add3A_45, %get3A_48 : vector<1x128xf32>
    %max3A_50 = arith.constant 0.000000e+00 : f32
    %max3A_51 = vector.broadcast %max3A_50 : f32 to vector<1x128xf32>
    %max3A_52 = arith.maximumf %add3A_49, %max3A_51 : vector<1x128xf32>
    %swap3A_53 = arith.constant 0 : index
    %swap3A_54 = arith.constant 0 : index
    %swap3A_55 = vector.load %arg10[%swap3A_53, %swap3A_54] : memref<1x128xf32, #tpu.memory_space<vmem>>, vector<1x128xf32>
    tpu.vector_store %arg10[%swap3A_53, %swap3A_54], %max3A_52 {strides = array<i32>} : memref<1x128xf32, #tpu.memory_space<vmem>>, vector<1x128xf32>,
    return
  }
  func.func @transform_0(%arg0: i32) -> (i32, i32, i32) {
    %c0_i32 = arith.constant 0 : i32
    %c0_i32_0 = arith.constant 0 : i32
    %c0_i32_1 = arith.constant 0 : i32
    %c0_i32_2 = arith.constant 0 : i32
    return %c0_i32, %c0_i32_0, %c0_i32_1 : i32, i32, i32
  }
  func.func @transform_1(%arg0: i32) -> (i32, i32) {
    %c0_i32 = arith.constant 0 : i32
    %c0_i32_0 = arith.constant 0 : i32
    %c0_i32_1 = arith.constant 0 : i32
    return %c0_i32, %c0_i32_0 : i32, i32
  }
  func.func @transform_2(%arg0: i32) -> (i32, i32) {
    %c0_i32 = arith.constant 0 : i32
    %c0_i32_0 = arith.constant 0 : i32
    %c0_i32_1 = arith.constant 0 : i32
    return %c0_i32, %c0_i32_0 : i32, i32
  }
  func.func @transform_3(%arg0: i32) -> (i32, i32) {
    %c0_i32 = arith.constant 0 : i32
    %c0_i32_0 = arith.constant 0 : i32
    %c0_i32_1 = arith.constant 0 : i32
    return %c0_i32, %c0_i32_0 : i32, i32
  }
  func.func @transform_4(%arg0: i32) -> (i32, i32) {
    %c0_i32 = arith.constant 0 : i32
    %c0_i32_0 = arith.constant 0 : i32
    %c0_i32_1 = arith.constant 0 : i32
    return %c0_i32, %c0_i32_0 : i32, i32
  }
  func.func @transform_5(%arg0: i32) -> (i32, i32) {
    %c0_i32 = arith.constant 0 : i32
    %c0_i32_0 = arith.constant 0 : i32
    %c0_i32_1 = arith.constant 0 : i32
    return %c0_i32, %c0_i32_0 : i32, i32
  }
  func.func @transform_6(%arg0: i32) -> (i32, i32) {
    %c0_i32 = arith.constant 0 : i32
    %c0_i32_0 = arith.constant 0 : i32
    %c0_i32_1 = arith.constant 0 : i32
    return %c0_i32, %c0_i32_0 : i32, i32
  }
  func.func @transform_7(%arg0: i32) -> (i32, i32) {
    %c0_i32 = arith.constant 0 : i32
    %c0_i32_0 = arith.constant 0 : i32
    %c0_i32_1 = arith.constant 0 : i32
    return %c0_i32, %c0_i32_0 : i32, i32
  }
  func.func @transform_8(%arg0: i32) -> (i32, i32) {
    %c0_i32 = arith.constant 0 : i32
    %c0_i32_0 = arith.constant 0 : i32
    %c0_i32_1 = arith.constant 0 : i32
    return %c0_i32, %c0_i32_0 : i32, i32
  }
  func.func @transform_9(%arg0: i32) -> (i32, i32) {
    %c0_i32 = arith.constant 0 : i32
    %c0_i32_0 = arith.constant 0 : i32
    %c0_i32_1 = arith.constant 0 : i32
    return %c0_i32, %c0_i32_0 : i32, i32
  }
}

</mosaic_0001>

<sc_bundles>
// kernel: kernel.5.cloned.1.call-start
scs
__scs_entry_jumppad:
0x0: {  	(pc) =	sbr.rel $0x88, $3  }
0x1: {  	(tag) =	ssettag $0x0;
	lr =	simm.s32 $0x1  }
0x2: {  	[smem:$0x3F97] =	sst lr;
	_ =	strace $0xD0000000  }
0x3: {  	_ = 	snop  }
0x4: {  	_ = 	snop  }
0x5: {  	_ = 	snop  }
0x6: {  	_ = 	snop  }
0x7: {  	_ = 	snop  }
__scs_overlays_trampoline_lowered:
0x8: {  	[smem:$0x3FA6] =	sst s0  }
0x9: {  	[smem:$0x3FA7] =	sst s1  }
0xa: {  	[smem:$0x3FA8] =	sst s2  }
0xb: {  	[smem:$0x3FA9] =	sst s3  }
0xc: {  	[smem:$0x3FAA] =	sst s4  }
0xd: {  	[smem:$0x3FAB] =	sst s5  }
0xe: {  	[smem:$0x3FAC] =	sst s6  }
0xf: {  	[smem:$0x3FAD] =	sst s7  }
0x10: {  	[smem:$0x3FAE] =	sst s8  }
0x11: {  	[smem:$0x3FAF] =	sst s9;
	s0 =	simm.s32 @!p0 $0x0  }
0x12: {  	s1 =	sld [smem:$0x3F95];
	s0 =	simm.s32 @p0 $0x1  }
0x13: {  	[smem:$0x3FB0] =	sst s0;
	s0 =	simm.s32 @!p1 $0x0  }
0x14: {  	s2 =	sld [smem:$0x3F94];
	s0 =	simm.s32 @p1 $0x1  }
0x15: {  	[smem:$0x3FB1] =	sst s0;
	s0 =	simm.s32 @!p2 $0x0  }
0x16: {  	s3 =	sld [smem:$0x3FDB];
	s0 =	simm.s32 @p2 $0x1  }
0x17: {  	s4 =	simm.s32 $0x1BF5;
	[smem:$0x3FB3] =	sst s0  }
0x18: {  	s0 =	sld [smem:$0x3F96];
	_ =	swait.ge [sflag:s4], $0x0  }
0x19: {  	s7 =	sld [smem:$0x3F97]  }
0x1a: {  	s8 =	sadd.s32 $0xFFFFE003, lr  }
0x1b: {  	s9 =	sadd.s32 $0xFFFFFEF7, lr;
	s5 =	simm.s32 $0xFFFFFFFF;
	p2 =	slt.u32 s8, $0xFFFFF086  }
0x1c: {  	p1 =	slt.u32 s9, $0xF7A;
	s5 =	simm.s32 @!p2 $0x0  }
0x1d: {  	s5 =	simm.s32 @p1 $0x1;
	p0 =	seq.s32 s7, s2  }
0x1e: {  	s7 =	smul.u32 @!p0 $0xF7A, s2;
	p2 =	seq.s32 @!p0 s5, $0x0  }
0x1f: {  	s9 =	smul.u32 $0xF7A, s1;
	s8 =	simm.s32 @!p0 $0x1BF5;
	p2 =	por !p2, p0  }
0x20: {  	[sflag:s8] =	ssyncset.s32 @!p0 $0xFFFFF086;
	s6 =	sadd.s32 @!p0 s3, s7;
	s7 =	simm.s32 @!p0 $0x108  }
0x21: {  	s3 =	sadd.s32 s3, s9;
	s6 =	sadd.s32 @!p0 $0x88, s6;
	s7 =	simm.s32 @p2 $0x1082  }
0x22: {  	[simem:s7], [sflag:s8] =	dma.local @!p0 [hbm:s6], $0xF7A  }
0x23: {  	s9 =	sor.u32 $0xD0000000, s2;
	s6 =	simm.s32 $0x108;
	_ =	swait.ge @!p0 [sflag:s8], $0x0  }
0x24: {  	s3 =	sadd.s32 $0x88, s3;
	s6 =	simm.s32 @!p1 $0x1082;
	[sflag:s4] =	ssyncset.s32 $0xFFFFF086  }
0x25: {  	[simem:s6], [sflag:s4] =	dma.local [hbm:s3], $0xF7A  }
0x26: {  	[smem:$0x3F97] =	sst s1;
	(tag) =	ssettag s2;
	_ =	strace s9  }
0x27: {  	s1 =	sld [smem:$0x3FA7]  }
0x28: {  	s2 =	sld [smem:$0x3FA8]  }
0x29: {  	s4 =	sld [smem:$0x3FAA]  }
0x2a: {  	p0 =	seq.s32 s5, $0x0;
	s5 =	sld [smem:$0x3FAB]  }
0x2b: {  	s6 =	sld [smem:$0x3FAC]  }
0x2c: {  	s7 =	sld [smem:$0x3FAD]  }
0x2d: {  	s3 =	simm.s32 $0x108;
	s8 =	sld [smem:$0x3FAE]  }
0x2e: {  	s3 =	simm.s32 @!p0 $0x1082;
	s9 =	sld [smem:$0x3FAF]  }
0x2f: {  	lr =	sadd.s32 s0, s3;
	s0 =	sld [smem:$0x3FA6]  }
0x30: {  	s3 =	sld [smem:$0x3FA9]  }
0x31: {  	[smem:$0x3FB2] =	sst s10  }
0x32: {  	s10 =	sld [smem:$0x3FB0];
	_ =	sdelay $0x3  }
0x33: {  	p0 =	seq.s32 s10, $0x1;
	s10 =	sld [smem:$0x3FB2];
	_ =	sdelay $0x3  }
0x34: {  	[smem:$0x3FB2] =	sst s10  }
0x35: {  	s10 =	sld [smem:$0x3FB1];
	_ =	sdelay $0x3  }
0x36: {  	p1 =	seq.s32 s10, $0x1;
	s10 =	sld [smem:$0x3FB2];
	_ =	sdelay $0x3  }
0x37: {  	[smem:$0x3FB2] =	sst s10  }
0x38: {  	s10 =	sld [smem:$0x3FB3]  }
0x39: {  	_ = 	snop;
	(pc) =	sbr.ind lr, $3  }
0x3a: {  	_ = 	snop  }
0x3b: {  	_ = 	snop  }
0x3c: {  	p2 =	seq.s32 s10, $0x1;
	s10 =	sld [smem:$0x3FB2]  }
0x3d: {  	_ =	shalt  }
0x3e: {  	_ =	shalt  }
0x3f: {  	_ =	shalt  }
0x40: {  	_ =	shalt  }
0x41: {  	_ =	shalt  }
0x42: {  	_ =	shalt  }
0x43: {  	_ =	shalt  }
0x44: {  	_ =	shalt  }
0x45: {  	_ =	shalt  }
0x46: {  	_ =	shalt  }
0x47: {  	_ =	shalt  }
0x48: {  	_ =	shalt  }
0x49: {  	_ =	shalt  }
0x4a: {  	_ =	shalt  }
0x4b: {  	_ =	shalt  }
0x4c: {  	_ =	shalt  }
0x4d: {  	_ =	shalt  }
0x4e: {  	_ =	shalt  }
0x4f: {  	_ =	shalt  }
0x50: {  	_ =	shalt  }
0x51: {  	_ =	shalt  }
0x52: {  	_ =	shalt  }
0x53: {  	_ =	shalt  }
0x54: {  	_ =	shalt  }
0x55: {  	_ =	shalt  }
0x56: {  	_ =	shalt  }
0x57: {  	_ =	shalt  }
0x58: {  	_ =	shalt  }
0x59: {  	_ =	shalt  }
0x5a: {  	_ =	shalt  }
0x5b: {  	_ =	shalt  }
0x5c: {  	_ =	shalt  }
0x5d: {  	_ =	shalt  }
0x5e: {  	_ =	shalt  }
0x5f: {  	_ =	shalt  }
0x60: {  	_ =	shalt  }
0x61: {  	_ =	shalt  }
0x62: {  	_ =	shalt  }
0x63: {  	_ =	shalt  }
0x64: {  	_ =	shalt  }
0x65: {  	_ =	shalt  }
0x66: {  	_ =	shalt  }
0x67: {  	_ =	shalt  }
0x68: {  	_ =	shalt  }
0x69: {  	_ =	shalt  }
0x6a: {  	_ =	shalt  }
0x6b: {  	_ =	shalt  }
0x6c: {  	_ =	shalt  }
0x6d: {  	_ =	shalt  }
0x6e: {  	_ =	shalt  }
0x6f: {  	_ =	shalt  }
0x70: {  	_ =	shalt  }
0x71: {  	_ =	shalt  }
0x72: {  	_ =	shalt  }
0x73: {  	_ =	shalt  }
0x74: {  	_ =	shalt  }
0x75: {  	_ =	shalt  }
0x76: {  	_ =	shalt  }
0x77: {  	_ =	shalt  }
0x78: {  	_ =	shalt  }
0x79: {  	_ =	shalt  }
0x7a: {  	_ =	shalt  }
0x7b: {  	_ =	shalt  }
0x7c: {  	_ =	shalt  }
0x7d: {  	_ =	shalt  }
0x7e: {  	_ =	shalt  }
0x7f: {  	_ =	shalt  }
0x80: {  	_ =	shalt  }
0x81: {  	_ =	shalt  }
0x82: {  	_ =	shalt  }
0x83: {  	_ =	shalt  }
0x84: {  	_ =	shalt  }
0x85: {  	_ =	shalt  }
0x86: {  	_ =	shalt  }
0x87: {  	_ =	shalt  }
.Lfunc_end0:
.L_simem_size_0:
called_computation_lowered:
.L_overlay_start_0:
0x88: {  	s2 =	sld [smem:$0x3FD9]  }
0x89: {  	s3 =	sld [smem:$0x3FFE];
	_ =	sdelay $0x1  }
0x8a: {  	s1 =	srdreg.scid  }
0x8b: {  	s0 =	sand.u32 $0x1, s1  }
0x8c: {  	s14 =	sshll.u32 s0, $0xA;
	s2 =	sadd.s32 s3, s2  }
0x8d: {  	s2 =	sadd.s32 s2, s14  }
0x8e: {  	[smem:$0x3FBE] =	sst s2  }
0x8f: {  	_ = 	snop  }
0x90: {  	s2 =	sld [smem:$0x3FD0];
	_ =	sdelay $0x1  }
0x91: {  	s15 =	sld [smem:$0x3FC7]  }
0x92: {  	s5 =	simm.s32 $0xA;
	s6 =	simm.s32 $0x10;
	s4 =	sld [smem:$0x3FC6]  }
0x93: {  	[smem:s6], [sflag:s5] =	dma.local [hbm:s2], $0x1  }
0x94: {  	_ =	swait.eq [sflag:s5], $0x1  }
0x95: {  	[sflag:s5] =	ssyncset.done $0x0  }
0x96: {  	s16 =	sld [smem:$0x10];
	[sflag:s5] =	ssyncadd.s32 $0xFFFFFFFF  }
0x97: {  	s17 =	sld [smem:$0x11];
	(tm) =	ssettm $0x1  }
0x98: {  	s18 =	sld [smem:$0x3FFB];
	_ =	sdelay $0x3  }
0x99: {  	_ =	strace s18  }
0x9a: {  	s6 =	sld [smem:$0x3FFC];
	_ =	sdelay $0x3  }
0x9b: {  	_ =	strace s6  }
0x9c: {  	s6 =	sld [smem:$0x3FFD];
	_ =	sdelay $0x3  }
0x9d: {  	_ =	strace s6  }
0x9e: {  	_ =	strace $0x8FFFFFFF  }
0x9f: {  	s19 =	sld [smem:$0x3FDB];
	_ =	sdelay $0x1  }
0xa0: {  	s7 =	simm.s32 $_scs_section_size  }
0xa1: {  	s8 =	simm.s32 $_size__tile_overlayer_lowered;
	s9 =	simm.s32 $_tile_overlayer_lowered  }
0xa2: {  	s22 =	simm.s32 $0x1BFF;
	s21 =	sshll.u32 s9, $0x1;
	s6 =	sadd.s32 s7, s19  }
0xa3: {  	s10 =	simm.s32 $0x0;
	s20 =	sshll.u32 s8, $0x1;
	s8 =	sadd.s32 s21, s6  }
0xa4: {  	[timem:s10], [sflag:s22] =	dma.local [hbm:s8], s20  }
0xa5: {  	_ =	swait.ge [sflag:s22], s20  }
0xa6: {  	s7 =	ssub.s32 $0x0, s20;
	[sflag:s22] =	ssyncset.done $0x0  }
0xa7: {  	[sflag:s22] =	ssyncadd.s32 s7;
	_ =	sdelay $0x1  }
0xa8: {  	s23 =	simm.s32 $0x1B8B  }
0xa9: {  	_ =	swait.ge [sflag:s23], $0x1  }
0xaa: {  	[sflag:s23] =	ssyncset.done $0x0  }
0xab: {  	s25 =	simm.s32 $0x1B8E;
	s24 =	sld [smem:$0x3FFE];
	[sflag:s23] =	ssyncadd.s32 $0xFFFFFFFF  }
0xac: {  	s26 =	simm.s32 $execute0_lowered;
	[smem:$0x3FD2] =	sst s25  }
0xad: {  	s8 =	sshll.u32 s26, $0x1;
	_ =	strace $0x80000046;
	[dreg:$0x1] =	wrdreg $0xFFFFFFFF  }
0xae: {  	s28 =	simm.s32 $_size_execute0_lowered;
	s6 =	sadd.s32 s6, s8;
	[dreg:$0x0] =	wrdreg $0x0  }
0xaf: {  	s8 =	sshll.u32 s28, $0x1;
	[dreg:$0x2] =	wrdreg s6  }
0xb0: {  	[dreg:$0x3] =	wrdreg s8  }
0xb1: {  	[dreg:$0x4] =	wrdreg $0xC0  }
0xb2: {  	_ =	task [dreg:s10], $0x5FFFF  }
0xb3: {  	[dreg:$0x1] =	wrdreg $0xFFFFFFFF  }
0xb4: {  	[dreg:$0x0] =	wrdreg $0x60  }
0xb5: {  	[dreg:$0x2] =	wrdreg s24  }
0xb6: {  	[dreg:$0x3] =	wrdreg s17  }
0xb7: {  	[dreg:$0x4] =	wrdreg s15  }
0xb8: {  	[dreg:$0x5] =	wrdreg s4  }
0xb9: {  	[dreg:$0x6] =	wrdreg s16  }
0xba: {  	[dreg:$0x7] =	wrdreg $0xB4000  }
0xbb: {  	[dreg:$0x8] =	wrdreg $0x9  }
0xbc: {  	_ =	task.clear_ibuf [dreg:s10], $0x9FFFF;
	_ =	strace $0x90000046  }
0xbd: {  	s29 =	simm.s32 $0x9;
	_ =	strace $0x80000048  }
0xbe: {  	_ =	swait.ge [sflag:s29], $0x1  }
0xbf: {  	[sflag:s29] =	ssyncadd.s32 $0xFFFFFFFF  }
0xc0: {  	_ =	strace $0x90000048  }
0xc1: {  	_ =	sfence  }
0xc2: {  	s30 =	sld [smem:$0x0];
	_ =	sdelay $0x2  }
0xc3: {  	s31 =	sshll.u32 s1, $0xD;
	s1 =	sshrl.u32 s1, $0x2  }
0xc4: {  	s3 =	sand.u32 $0x4000, s31;
	s1 =	sadd.s32 s1, s30  }
0xc5: {  	s0 =	sor.u32 s3, s0;
	s1 =	sshll.u32 s1, $0x11  }
0xc6: {  	s0 =	sor.u32 s1, s0  }
0xc7: {  	s0 =	sadd.s32 $0x8F2B, s0  }
0xc8: {  	[sflag:s0] =	ssyncadd.remote.s32 $0x1  }
0xc9: {  	_ =	sfence.sel $0xFFFF  }
0xca: {  	[dreg:$0x0] =	wrdreg $0xFFFFFFFF;
	(pc) =	sbr.abs _section_cstart, $3  }
0xcb: {  	[dreg:$0x1] =	wrdreg $0xFFFFFFFF  }
0xcc: {  	_ =	task.clear_ibuf [dreg:s10], $0x2FFFF;
	_ =	strace $0x9FFFFFFF  }
0xcd: {  	(tm) =	ssettm $0x7FFFFFFF  }
tec
execute0_lowered:
.L_overlay_start_1:
0x0: {  	(tag) =	ssettag $0x1  }
0x1: {  	s0 =	rddreg [dreg:$0x0]  }
0x2: {  	s1 =	rddreg [dreg:$0x1]  }
0x3: {  	s2 =	rddreg [dreg:$0x2]  }
0x4: {  	s3 =	rddreg [dreg:$0x3]  }
0x5: {  	s4 =	rddreg [dreg:$0x4]  }
0x6: {  	s5 =	rddreg [dreg:$0x5]  }
0x7: {  	s6 =	srdreg.scid;
	s31 =	simm.s32 $0x0;
	s12 =	stileid.u32  }
0x8: {  	s6 =	sand.u32 $0x1, s6;
	s10 =	smul.u32 $0x14000, s12;
	s23 =	sshll.u32 s12, $0x1  }
0x9: {  	s7 =	smul.u32 $0x140000, s6;
	s11 =	ssub.s32 $0x2, s6;
	s6 =	sor.u32 s6, s23  }
0xa: {  	[smem:$0x7FF] =	sst s31;
	s13 =	smul.u32 $0x2710, s6  }
0xb: {  	s8 =	sadd.s32 $0x2800, s0;
	s9 =	sadd.s32 $0x4E4800, s0;
	s17 =	smul.u32 $0x27100, s6  }
0xc: {  	s24 =	smul.u32 $0x50000, s12;
	_ =	strace $0x80000047;
	s25 =	sshrl.u32 s11, $0x1  }
0xd: {  	s7 =	sadd.s32 s10, s7;
	s22 =	sadd.s32 s8, s17;
	[dreg:$0x7] =	wrdreg s13  }
0xe: {  	s10 =	sshrl.u32 s24, $0x2;
	s28 =	sadd.s32 $0x50, s13;
	[dreg:$0x12] =	wrdreg s22  }
0xf: {  	s7 =	sshrl.u32 s7, $0x3;
	s18 =	sadd.s32 $0xA0, s13;
	[dreg:$0x9] =	wrdreg s28  }
0x10: {  	s21 =	sadd.s32 s10, s5;
	s26 =	sshrl.u32 s13, $0x3;
	[dreg:$0xd] =	wrdreg s18  }
0x11: {  	s0 =	sadd.s32 s7, s0;
	s15 =	sadd.s32 s3, s26;
	[dreg:$0x8] =	wrdreg s21  }
0x12: {  	s7 =	ssub.s32 s11, s25;
	s10 =	sadd.s32 s2, s26;
	[dreg:$0xa] =	wrdreg s15  }
0x13: {  	s16 =	sshrl.u32 s28, $0x3;
	s11 =	sadd.s32 s4, s17;
	[dreg:$0xb] =	wrdreg s10  }
0x14: {  	s19 =	sshrl.u32 s18, $0x3;
	s25 =	sadd.s32 $0x140, s13;
	[dreg:$0x13] =	wrdreg s11  }
0x15: {  	s17 =	sshll.u32 s18, $0x4;
	s18 =	sadd.s32 $0x190, s13;
	[dreg:$0x16] =	wrdreg s25  }
0x16: {  	s14 =	sadd.s32 s3, s16;
	[dreg:$0x1c] =	wrdreg s18  }
0x17: {  	s6 =	smul.u32 $0x138800, s6;
	s10 =	sadd.s32 s2, s16;
	[dreg:$0xc] =	wrdreg s14  }
0x18: {  	s24 =	sshll.u32 s28, $0x4;
	s16 =	sadd.s32 s3, s19;
	[dreg:$0xe] =	wrdreg s10  }
0x19: {  	s6 =	sshrl.u32 s6, $0x3;
	s12 =	sadd.s32 s8, s24;
	[dreg:$0x10] =	wrdreg s16  }
0x1a: {  	s6 =	sadd.s32 s4, s6;
	s15 =	sadd.s32 $0xF0, s13;
	[dreg:$0x17] =	wrdreg s12  }
0x1b: {  	s6 =	sadd.s32 $0x26C00, s6;
	[dreg:$0xf] =	wrdreg s15  }
0x1c: {  	s0 =	sadd.s32 $0x50BA00, s0;
	[smem:$0x7E8] =	sst s6  }
0x1d: {  	s13 =	sadd.s32 $0x6000, s21;
	[smem:$0x7E9] =	sst s0  }
0x1e: {  	s26 =	sshrl.u32 s25, $0x3;
	s10 =	sadd.s32 s2, s19;
	[smem:$0x7F0] =	sst s13  }
0x1f: {  	s28 =	sadd.s32 s3, s26;
	[dreg:$0x11] =	wrdreg s10  }
0x20: {  	s19 =	sadd.s32 s8, s17;
	[dreg:$0x19] =	wrdreg s28  }
0x21: {  	s6 =	sadd.s32 $0x1000, s21;
	[dreg:$0x1d] =	wrdreg s19  }
0x22: {  	s12 =	sadd.s32 $0x5000, s21;
	[smem:$0x7EB] =	sst s6  }
0x23: {  	s20 =	sshrl.u32 s15, $0x3;
	s14 =	sadd.s32 $0x7000, s21;
	[smem:$0x7EF] =	sst s12  }
0x24: {  	s16 =	sshll.u32 s25, $0x4;
	s23 =	sadd.s32 s3, s20;
	[smem:$0x7F1] =	sst s14  }
0x25: {  	s25 =	sshll.u32 s18, $0x4;
	s10 =	sadd.s32 s2, s20;
	[dreg:$0x14] =	wrdreg s23  }
0x26: {  	s11 =	sadd.s32 s8, s25;
	[dreg:$0x15] =	wrdreg s10  }
0x27: {  	s28 =	smax.u32 s7, $0x1;
	[smem:$0x7E5] =	sst s11  }
0x28: {  	s7 =	sadd.s32 $0x2000, s21;
	[smem:$0x7EA] =	sst s28  }
0x29: {  	s20 =	sshrl.u32 s18, $0x3;
	s18 =	sadd.s32 $0xB000, s21;
	[smem:$0x7EC] =	sst s7  }
0x2a: {  	s19 =	sadd.s32 $0xC000, s21;
	[smem:$0x7F5] =	sst s18  }
0x2b: {  	s25 =	sadd.s32 $0x11000, s21;
	[smem:$0x7F6] =	sst s19  }
0x2c: {  	s10 =	sadd.s32 s4, s24;
	[smem:$0x7FB] =	sst s25  }
0x2d: {  	s22 =	sadd.s32 s3, s20;
	[dreg:$0x18] =	wrdreg s10  }
0x2e: {  	s29 =	simm.s32 $0x7C00;
	s23 =	sadd.s32 s2, s20;
	[dreg:$0x1f] =	wrdreg s22  }
0x2f: {  	s30 =	simm.s32 $0x8;
	s11 =	sadd.s32 $0x4000, s21;
	[smem:$0x7E4] =	sst s23  }
0x30: {  	s24 =	sshll.u32 s15, $0x4;
	s15 =	sadd.s32 $0x8000, s21;
	[smem:$0x7EE] =	sst s11  }
0x31: {  	s13 =	simm.s32 $0x10;
	s20 =	sadd.s32 $0xD000, s21;
	[smem:$0x7F2] =	sst s15  }
0x32: {  	s6 =	simm.s32 $0x400;
	s28 =	sadd.s32 $0x13000, s21;
	[smem:$0x7F7] =	sst s20  }
0x33: {  	s14 =	simm.s32 $0x6;
	s10 =	sadd.s32 s2, s26;
	[smem:$0x7FD] =	sst s28  }
0x34: {  	s12 =	simm.s32 $0x9;
	s26 =	sadd.s32 s8, s24;
	[dreg:$0x1a] =	wrdreg s10  }
0x35: {  	s19 =	simm.s32 $0x50;
	s22 =	sadd.s32 $0xE000, s21;
	[smem:$0x7E6] =	sst s26  }
0x36: {  	s18 =	simm.s32 $0x7;
	s23 =	sadd.s32 $0xF000, s21;
	[smem:$0x7F8] =	sst s22  }
0x37: {  	s7 =	simm.s32 $0x0;
	s10 =	sadd.s32 s8, s16;
	[smem:$0x7F9] =	sst s23  }
0x38: {  	s11 =	simm.s32 $0x11;
	s16 =	sadd.s32 $0x9000, s21;
	[dreg:$0x1b] =	wrdreg s10  }
0x39: {  	s15 =	simm.s32 $0x2C00;
	s26 =	sadd.s32 $0x12000, s21;
	[smem:$0x7F3] =	sst s16  }
0x3a: {  	s20 =	simm.s32 $0x2;
	s10 =	sadd.s32 s4, s17;
	[smem:$0x7FC] =	sst s26  }
0x3b: {  	s23 =	simm.s32 $0x5400;
	s17 =	sadd.s32 $0xA000, s21;
	[dreg:$0x1e] =	wrdreg s10  }
0x3c: {  	s26 =	simm.s32 $0x3;
	s10 =	sadd.s32 s4, s24;
	[smem:$0x7F4] =	sst s17  }
0x3d: {  	s16 =	simm.s32 $0xD;
	s24 =	sadd.s32 $0x10000, s21;
	[smem:$0x7E7] =	sst s10  }
0x3e: {  	s17 =	simm.s32 $0x1;
	s10 =	sadd.s32 $0x3000, s21;
	[smem:$0x7FA] =	sst s24  }
0x3f: {  	v0 =	vimm.f32 $0.0e+00;
	s24 =	simm.s32 $0x5;
	[smem:$0x7ED] =	sst s10;
	s10 =	simm.s32 $0x4  }
.LBB2_1:
0x40: {  	[smem:$0x7E3] =	sst s7;
	s0 =	simm.s32 $0x0;
	s7 =	simm.s32 $0x200  }
.LBB2_2:
0x41: {  	p0 =	sne.s32 s7, $0x3E00;
	[tilespmem:s0+$0xA470] =	vst v0  }
0x42: {  	[tilespmem:s0+$0xA400] =	vst v0  }
0x43: {  	[tilespmem:s0+$0xA410] =	vst v0  }
.Ltmp0:
0x44: {  	[tilespmem:s0+$0xA420] =	vst v0;
	(pc) =	sbr.rel @p0 .LBB2_2-.Ltmp0, $4  }
0x45: {  	[tilespmem:s0+$0xA430] =	vst v0  }
0x46: {  	[tilespmem:s0+$0xA440] =	vst v0  }
0x47: {  	[tilespmem:s0+$0xA450] =	vst v0  }
0x48: {  	[tilespmem:s0+$0xA460] =	vst v0;
	s0 =	sshra.s32 s7, $0x2;
	s7 =	sadd.s32 $0x200, s7  }
0x49: {  	[tilespmem:s0+$0xA470] =	vst v0  }
0x4a: {  	[tilespmem:s0+$0xA400] =	vst v0  }
0x4b: {  	[tilespmem:s0+$0xA410] =	vst v0  }
0x4c: {  	[tilespmem:s0+$0xA420] =	vst v0  }
0x4d: {  	[tilespmem:s0+$0xA430] =	vst v0  }
0x4e: {  	[tilespmem:s0+$0xA440] =	vst v0  }
0x4f: {  	[tilespmem:s0+$0xA450] =	vst v0  }
0x50: {  	[tilespmem:s0+$0xA460] =	vst v0;
	s7 =	simm.s32 $0xA400  }
0x51: {  	[spmem:s21] =	stream.linear.scatter [tilespmem:s7], [sflag:$0x11], $0x1000, $0x38;
	[tilespmem:$0x1F400] =	vst v63  }
0x52: {  	_ =	swait.ge [sflag:s11], $0x1000  }
0x53: {  	s28 =	sld [smem:$0x7EB]  }
0x54: {  	[sflag:s11] =	ssyncset.done $0x0  }
0x55: {  	[sflag:s11] =	ssyncadd.s32 $0xFFFFF000  }
0x56: {  	[spmem:s28] =	stream.linear.scatter [tilespmem:s7], [sflag:$0x11], $0x1000, $0x38;
	[tilespmem:$0x1F400] =	vst v63  }
0x57: {  	_ =	swait.ge [sflag:s11], $0x1000  }
0x58: {  	s21 =	sld [smem:$0x7EC]  }
0x59: {  	[sflag:s11] =	ssyncset.done $0x0  }
0x5a: {  	[sflag:s11] =	ssyncadd.s32 $0xFFFFF000  }
0x5b: {  	[spmem:s21] =	stream.linear.scatter [tilespmem:s7], [sflag:$0x11], $0x1000, $0x38;
	[tilespmem:$0x1F400] =	vst v63  }
0x5c: {  	_ =	swait.ge [sflag:s11], $0x1000  }
0x5d: {  	s22 =	sld [smem:$0x7ED]  }
0x5e: {  	[sflag:s11] =	ssyncset.done $0x0  }
0x5f: {  	[sflag:s11] =	ssyncadd.s32 $0xFFFFF000  }
0x60: {  	[spmem:s22] =	stream.linear.scatter [tilespmem:s7], [sflag:$0x11], $0x1000, $0x38;
	[tilespmem:$0x1F400] =	vst v63  }
0x61: {  	_ =	swait.ge [sflag:s11], $0x1000  }
0x62: {  	s25 =	sld [smem:$0x7EE]  }
0x63: {  	[sflag:s11] =	ssyncset.done $0x0  }
0x64: {  	[sflag:s11] =	ssyncadd.s32 $0xFFFFF000  }
0x65: {  	[spmem:s25] =	stream.linear.scatter [tilespmem:s7], [sflag:$0x11], $0x1000, $0x38;
	[tilespmem:$0x1F400] =	vst v63  }
0x66: {  	_ =	swait.ge [sflag:s11], $0x1000  }
0x67: {  	s28 =	sld [smem:$0x7EF]  }
0x68: {  	[sflag:s11] =	ssyncset.done $0x0  }
0x69: {  	[sflag:s11] =	ssyncadd.s32 $0xFFFFF000  }
0x6a: {  	[spmem:s28] =	stream.linear.scatter [tilespmem:s7], [sflag:$0x11], $0x1000, $0x38;
	[tilespmem:$0x1F400] =	vst v63  }
0x6b: {  	_ =	swait.ge [sflag:s11], $0x1000  }
0x6c: {  	s21 =	sld [smem:$0x7F0]  }
0x6d: {  	[sflag:s11] =	ssyncset.done $0x0  }
0x6e: {  	[sflag:s11] =	ssyncadd.s32 $0xFFFFF000  }
0x6f: {  	[spmem:s21] =	stream.linear.scatter [tilespmem:s7], [sflag:$0x11], $0x1000, $0x38;
	[tilespmem:$0x1F400] =	vst v63  }
0x70: {  	_ =	swait.ge [sflag:s11], $0x1000  }
0x71: {  	s22 =	sld [smem:$0x7F1]  }
0x72: {  	[sflag:s11] =	ssyncset.done $0x0  }
0x73: {  	[sflag:s11] =	ssyncadd.s32 $0xFFFFF000  }
0x74: {  	[spmem:s22] =	stream.linear.scatter [tilespmem:s7], [sflag:$0x11], $0x1000, $0x38;
	[tilespmem:$0x1F400] =	vst v63  }
0x75: {  	_ =	swait.ge [sflag:s11], $0x1000  }
0x76: {  	s25 =	sld [smem:$0x7F2]  }
0x77: {  	[sflag:s11] =	ssyncset.done $0x0  }
0x78: {  	[sflag:s11] =	ssyncadd.s32 $0xFFFFF000  }
0x79: {  	[spmem:s25] =	stream.linear.scatter [tilespmem:s7], [sflag:$0x11], $0x1000, $0x38;
	[tilespmem:$0x1F400] =	vst v63  }
0x7a: {  	_ =	swait.ge [sflag:s11], $0x1000  }
0x7b: {  	s28 =	sld [smem:$0x7F3]  }
0x7c: {  	[sflag:s11] =	ssyncset.done $0x0  }
0x7d: {  	[sflag:s11] =	ssyncadd.s32 $0xFFFFF000  }
0x7e: {  	[spmem:s28] =	stream.linear.scatter [tilespmem:s7], [sflag:$0x11], $0x1000, $0x38;
	[tilespmem:$0x1F400] =	vst v63  }
0x7f: {  	_ =	swait.ge [sflag:s11], $0x1000  }
0x80: {  	s21 =	sld [smem:$0x7F4]  }
0x81: {  	[sflag:s11] =	ssyncset.done $0x0  }
0x82: {  	[sflag:s11] =	ssyncadd.s32 $0xFFFFF000  }
0x83: {  	[spmem:s21] =	stream.linear.scatter [tilespmem:s7], [sflag:$0x11], $0x1000, $0x38;
	[tilespmem:$0x1F400] =	vst v63  }
0x84: {  	_ =	swait.ge [sflag:s11], $0x1000  }
0x85: {  	s22 =	sld [smem:$0x7F5]  }
0x86: {  	[sflag:s11] =	ssyncset.done $0x0  }
0x87: {  	[sflag:s11] =	ssyncadd.s32 $0xFFFFF000  }
0x88: {  	[spmem:s22] =	stream.linear.scatter [tilespmem:s7], [sflag:$0x11], $0x1000, $0x38;
	[tilespmem:$0x1F400] =	vst v63  }
0x89: {  	_ =	swait.ge [sflag:s11], $0x1000  }
0x8a: {  	s25 =	sld [smem:$0x7F6]  }
0x8b: {  	[sflag:s11] =	ssyncset.done $0x0  }
0x8c: {  	[sflag:s11] =	ssyncadd.s32 $0xFFFFF000  }
0x8d: {  	[spmem:s25] =	stream.linear.scatter [tilespmem:s7], [sflag:$0x11], $0x1000, $0x38;
	[tilespmem:$0x1F400] =	vst v63  }
0x8e: {  	_ =	swait.ge [sflag:s11], $0x1000  }
0x8f: {  	s28 =	sld [smem:$0x7F7]  }
0x90: {  	[sflag:s11] =	ssyncset.done $0x0  }
0x91: {  	[sflag:s11] =	ssyncadd.s32 $0xFFFFF000  }
0x92: {  	[spmem:s28] =	stream.linear.scatter [tilespmem:s7], [sflag:$0x11], $0x1000, $0x38;
	[tilespmem:$0x1F400] =	vst v63  }
0x93: {  	_ =	swait.ge [sflag:s11], $0x1000  }
0x94: {  	s21 =	sld [smem:$0x7F8]  }
0x95: {  	[sflag:s11] =	ssyncset.done $0x0  }
0x96: {  	[sflag:s11] =	ssyncadd.s32 $0xFFFFF000  }
0x97: {  	[spmem:s21] =	stream.linear.scatter [tilespmem:s7], [sflag:$0x11], $0x1000, $0x38;
	[tilespmem:$0x1F400] =	vst v63  }
0x98: {  	_ =	swait.ge [sflag:s11], $0x1000  }
0x99: {  	s22 =	sld [smem:$0x7F9]  }
0x9a: {  	[sflag:s11] =	ssyncset.done $0x0  }
0x9b: {  	[sflag:s11] =	ssyncadd.s32 $0xFFFFF000  }
0x9c: {  	[spmem:s22] =	stream.linear.scatter [tilespmem:s7], [sflag:$0x11], $0x1000, $0x38;
	[tilespmem:$0x1F400] =	vst v63  }
0x9d: {  	_ =	swait.ge [sflag:s11], $0x1000  }
0x9e: {  	s25 =	sld [smem:$0x7FA]  }
0x9f: {  	[sflag:s11] =	ssyncset.done $0x0  }
0xa0: {  	[sflag:s11] =	ssyncadd.s32 $0xFFFFF000  }
0xa1: {  	[spmem:s25] =	stream.linear.scatter [tilespmem:s7], [sflag:$0x11], $0x1000, $0x38;
	[tilespmem:$0x1F400] =	vst v63  }
0xa2: {  	_ =	swait.ge [sflag:s11], $0x1000  }
0xa3: {  	s28 =	sld [smem:$0x7FB]  }
0xa4: {  	[sflag:s11] =	ssyncset.done $0x0  }
0xa5: {  	[sflag:s11] =	ssyncadd.s32 $0xFFFFF000  }
0xa6: {  	[spmem:s28] =	stream.linear.scatter [tilespmem:s7], [sflag:$0x11], $0x1000, $0x38;
	[tilespmem:$0x1F400] =	vst v63  }
0xa7: {  	_ =	swait.ge [sflag:s11], $0x1000  }
0xa8: {  	s21 =	sld [smem:$0x7FC]  }
0xa9: {  	[sflag:s11] =	ssyncset.done $0x0  }
0xaa: {  	[sflag:s11] =	ssyncadd.s32 $0xFFFFF000  }
0xab: {  	[spmem:s21] =	stream.linear.scatter [tilespmem:s7], [sflag:$0x11], $0x1000, $0x38;
	[tilespmem:$0x1F400] =	vst v63  }
0xac: {  	_ =	swait.ge [sflag:s11], $0x1000  }
0xad: {  	s22 =	sld [smem:$0x7FD]  }
0xae: {  	[sflag:s11] =	ssyncset.done $0x0  }
0xaf: {  	[sflag:s11] =	ssyncadd.s32 $0xFFFFF000  }
0xb0: {  	[spmem:s22] =	stream.linear.scatter [tilespmem:s7], [sflag:$0x11], $0x1000, $0x38;
	[tilespmem:$0x1F400] =	vst v63  }
0xb1: {  	_ =	swait.ge [sflag:s11], $0x1000  }
0xb2: {  	[sflag:s11] =	ssyncset.done $0x0  }
0xb3: {  	[sflag:s11] =	ssyncadd.s32 $0xFFFFF000  }
0xb4: {  	[bflag:$0x0] =	sbarrier.arrive $0xFFFF  }
0xb5: {  	s0 =	simm.s32 $0x0;
	s25 =	rddreg [dreg:$0xa]  }
0xb6: {  	[tilespmem:s0], [sflag:$0x1] =	stream.linear.gather [hbm4b:s25+s0], $0x50, $0x38;
	[tilespmem:$0x1F400] =	vst v63  }
0xb7: {  	s11 =	simm.s32 $0x200;
	s28 =	rddreg [dreg:$0xb]  }
0xb8: {  	[tilespmem:s11], [sflag:$0x1] =	stream.linear.gather [hbm4b:s28+s0], $0x50, $0x38;
	[tilespmem:$0x1F400] =	vst v63  }
0xb9: {  	s21 =	rddreg [dreg:$0x12]  }
0xba: {  	[tilespmem:s6], [sflag:$0x1] =	stream.linear.gather [hbm4b:s21+s0], $0x2800, $0x38;
	[tilespmem:$0x1F400] =	vst v63  }
0xbb: {  	s22 =	rddreg [dreg:$0xc];
	s21 =	simm.s32 $0x80  }
0xbc: {  	[tilespmem:s21], [sflag:$0x2] =	stream.linear.gather [hbm4b:s22+s0], $0x50, $0x38;
	[tilespmem:$0x1F400] =	vst v63  }
0xbd: {  	s25 =	rddreg [dreg:$0xe];
	s22 =	simm.s32 $0x280  }
0xbe: {  	[tilespmem:s22], [sflag:$0x2] =	stream.linear.gather [hbm4b:s25+s0], $0x50, $0x38;
	[tilespmem:$0x1F400] =	vst v63  }
0xbf: {  	s28 =	rddreg [dreg:$0x17]  }
0xc0: {  	[tilespmem:s15], [sflag:$0x2] =	stream.linear.gather [hbm4b:s28+s0], $0x2800, $0x38;
	[tilespmem:$0x1F400] =	vst v63  }
0xc1: {  	_ =	swait.ge [sflag:s17], $0x50  }
0xc2: {  	[sflag:s17] =	ssyncset.done $0x0  }
0xc3: {  	[sflag:s17] =	ssyncadd.s32 $0xFFFFFFB0  }
0xc4: {  	_ =	swait.ge [sflag:s17], $0x50  }
0xc5: {  	[sflag:s17] =	ssyncset.done $0x0  }
0xc6: {  	[sflag:s17] =	ssyncadd.s32 $0xFFFFFFB0  }
0xc7: {  	_ =	swait.ge [sflag:s17], $0x2800  }
0xc8: {  	[sflag:s17] =	ssyncset.done $0x0  }
0xc9: {  	[sflag:s17] =	ssyncadd.s32 $0xFFFFD800  }
0xca: {  	[tilespmem:s6], [sflag:$0x5] =	stream.indirect.gather.add.f32 [hbm:s1], $0x80, s0, s19, $0xb8;
	[tilespmem:$0x1F400] =	vst v63  }
0xcb: {  	_ = 	snop  }
0xcc: {  	[tilespmem:s6], [sflag:$0x5] =	stream.indirect.gather.add.f32 [hbm:s9], $0x80, s11, s19, $0xb8;
	[tilespmem:$0x1F400] =	vst v63  }
0xcd: {  	_ =	swait.ge [sflag:s20], $0x50  }
0xce: {  	[sflag:s20] =	ssyncset.done $0x0  }
0xcf: {  	[sflag:s20] =	ssyncadd.s32 $0xFFFFFFB0  }
0xd0: {  	_ =	swait.ge [sflag:s20], $0x50  }
0xd1: {  	[sflag:s20] =	ssyncset.done $0x0  }
0xd2: {  	[sflag:s20] =	ssyncadd.s32 $0xFFFFFFB0  }
0xd3: {  	_ =	swait.ge [sflag:s20], $0x2800  }
0xd4: {  	[sflag:s20] =	ssyncset.done $0x0  }
0xd5: {  	[sflag:s20] =	ssyncadd.s32 $0xFFFFD800  }
0xd6: {  	[tilespmem:s15], [sflag:$0x6] =	stream.indirect.gather.add.f32 [hbm:s1], $0x80, s21, s19, $0xb8;
	[tilespmem:$0x1F400] =	vst v63  }
0xd7: {  	_ = 	snop  }
0xd8: {  	[tilespmem:s15], [sflag:$0x6] =	stream.indirect.gather.add.f32 [hbm:s9], $0x80, s22, s19, $0xb8;
	[tilespmem:$0x1F400] =	vst v63  }
0xd9: {  	s11 =	rddreg [dreg:$0x10];
	s21 =	simm.s32 $0x100  }
0xda: {  	[tilespmem:s21], [sflag:$0x3] =	stream.linear.gather [hbm4b:s11+s0], $0x50, $0x38;
	[tilespmem:$0x1F400] =	vst v63  }
0xdb: {  	s25 =	simm.s32 $0x300;
	s22 =	rddreg [dreg:$0x11]  }
0xdc: {  	[tilespmem:s25], [sflag:$0x3] =	stream.linear.gather [hbm4b:s22+s0], $0x50, $0x38;
	[tilespmem:$0x1F400] =	vst v63  }
0xdd: {  	s28 =	rddreg [dreg:$0x1d]  }
0xde: {  	[tilespmem:s23], [sflag:$0x3] =	stream.linear.gather [hbm4b:s28+s0], $0x2800, $0x38;
	[tilespmem:$0x1F400] =	vst v63  }
0xdf: {  	_ =	swait.ge [sflag:s24], $0x2800  }
0xe0: {  	[sflag:s24] =	ssyncset.done $0x0  }
0xe1: {  	[sflag:s24] =	ssyncadd.s32 $0xFFFFD800  }
0xe2: {  	_ =	swait.ge [sflag:s24], $0x2800  }
0xe3: {  	[sflag:s24] =	ssyncset.done $0x0  }
0xe4: {  	s0 =	simm.s32 $0x0;
	[sflag:s24] =	ssyncadd.s32 $0xFFFFD800  }
0xe5: {  	v3 =	vld [tilespmem:s0+$0x400]  }
0xe6: {  	v5 =	vld [tilespmem:s0+$0x410]  }
0xe7: {  	v4 =	vld [tilespmem:s0+$0x420]  }
0xe8: {  	v2 =	vld [tilespmem:s0+$0x430]  }
0xe9: {  	v1 =	vld [tilespmem:s0+$0x440]  }
0xea: {  	v6 =	vmax.f32 v3, $0.0e+00;
	v3 =	vld [tilespmem:s0+$0x450]  }
0xeb: {  	s7 =	simm.s32 $0x200;
	[tilespmem:s0+$0x400] =	vst v6;
	v6 =	vmax.f32 v5, $0.0e+00;
	v5 =	vld [tilespmem:s0+$0x460]  }
.LBB2_4:
0xec: {  	s21 =	sshra.s32 s7, $0x2;
	p0 =	sne.s32 s7, $0x9E00;
	[tilespmem:s0+$0x410] =	vst v6;
	v4 =	vmax.f32 v4, $0.0e+00;
	v6 =	vld [tilespmem:s0+$0x470]  }
0xed: {  	v7 =	vld [tilespmem:s21+$0x400];
	[tilespmem:s0+$0x420] =	vst v4;
	v2 =	vmax.f32 v2, $0.0e+00  }
0xee: {  	v8 =	vld [tilespmem:s21+$0x410];
	[tilespmem:s0+$0x430] =	vst v2;
	v1 =	vmax.f32 v1, $0.0e+00  }
.Ltmp1:
0xef: {  	v4 =	vld [tilespmem:s21+$0x420];
	[tilespmem:s0+$0x440] =	vst v1;
	v1 =	vmax.f32 v3, $0.0e+00;
	(pc) =	sbr.rel @p0 .LBB2_4-.Ltmp1, $4  }
0xf0: {  	v2 =	vld [tilespmem:s21+$0x430];
	[tilespmem:s0+$0x450] =	vst v1;
	v3 =	vmax.f32 v5, $0.0e+00  }
0xf1: {  	v1 =	vld [tilespmem:s21+$0x440];
	[tilespmem:s0+$0x460] =	vst v3;
	v5 =	vmax.f32 v6, $0.0e+00  }
0xf2: {  	v6 =	vmax.f32 v7, $0.0e+00;
	v3 =	vld [tilespmem:s21+$0x450];
	[tilespmem:s0+$0x470] =	vst v5;
	s0 =	smov.u32 s21  }
0xf3: {  	s7 =	sadd.s32 $0x200, s7;
	[tilespmem:s0+$0x400] =	vst v6;
	v6 =	vmax.f32 v8, $0.0e+00;
	v5 =	vld [tilespmem:s0+$0x460]  }
0xf4: {  	[tilespmem:s0+$0x410] =	vst v6;
	v4 =	vmax.f32 v4, $0.0e+00;
	v6 =	vld [tilespmem:s0+$0x470]  }
0xf5: {  	[tilespmem:s0+$0x420] =	vst v4;
	v2 =	vmax.f32 v2, $0.0e+00  }
0xf6: {  	[tilespmem:s0+$0x430] =	vst v2;
	v1 =	vmax.f32 v1, $0.0e+00  }
0xf7: {  	[tilespmem:s0+$0x440] =	vst v1;
	v1 =	vmax.f32 v3, $0.0e+00  }
0xf8: {  	[tilespmem:s0+$0x450] =	vst v1;
	v1 =	vmax.f32 v5, $0.0e+00  }
0xf9: {  	[tilespmem:s0+$0x460] =	vst v1;
	v1 =	vmax.f32 v6, $0.0e+00  }
0xfa: {  	s7 =	rddreg [dreg:$0x13];
	[tilespmem:s0+$0x470] =	vst v1;
	s0 =	simm.s32 $0x0  }
0xfb: {  	[hbm4b:s7+s0] =	stream.linear.scatter [tilespmem:s6], [sflag:$0x9], $0x2800, $0x38;
	[tilespmem:$0x1F400] =	vst v63  }
0xfc: {  	_ = 	snop  }
0xfd: {  	[spmem:s5] =	stream.indirect.scatter.add.f32 [tilespmem:s6], [sflag:$0xD], $0x80, s0, s19, $0xb8;
	[tilespmem:$0x1F400] =	vst v63  }
0xfe: {  	_ =	swait.ge [sflag:s26], $0x50  }
0xff: {  	[sflag:s26] =	ssyncset.done $0x0  }
0x100: {  	[sflag:s26] =	ssyncadd.s32 $0xFFFFFFB0  }
0x101: {  	_ =	swait.ge [sflag:s26], $0x50  }
0x102: {  	[sflag:s26] =	ssyncset.done $0x0  }
0x103: {  	[sflag:s26] =	ssyncadd.s32 $0xFFFFFFB0  }
0x104: {  	_ =	swait.ge [sflag:s26], $0x2800  }
0x105: {  	[sflag:s26] =	ssyncset.done $0x0  }
0x106: {  	s28 =	simm.s32 $0x100;
	[sflag:s26] =	ssyncadd.s32 $0xFFFFD800  }
0x107: {  	[tilespmem:s23], [sflag:$0x7] =	stream.indirect.gather.add.f32 [hbm:s1], $0x80, s28, s19, $0xb8;
	[tilespmem:$0x1F400] =	vst v63  }
0x108: {  	s11 =	simm.s32 $0x300;
	s21 =	rddreg [dreg:$0x14]  }
0x109: {  	[tilespmem:s23], [sflag:$0x7] =	stream.indirect.gather.add.f32 [hbm:s9], $0x80, s11, s19, $0xb8;
	[tilespmem:$0x1F400] =	vst v63  }
0x10a: {  	s22 =	rddreg [dreg:$0x15];
	s11 =	simm.s32 $0x180  }
0x10b: {  	[tilespmem:s11], [sflag:$0x4] =	stream.linear.gather [hbm4b:s21+s0], $0x50, $0x38;
	[tilespmem:$0x1F400] =	vst v63  }
0x10c: {  	s25 =	simm.s32 $0x380;
	s28 =	sld [smem:$0x7E6]  }
0x10d: {  	[tilespmem:s25], [sflag:$0x4] =	stream.linear.gather [hbm4b:s22+s0], $0x50, $0x38;
	[tilespmem:$0x1F400] =	vst v63  }
0x10e: {  	_ = 	snop  }
0x10f: {  	[tilespmem:s29], [sflag:$0x4] =	stream.linear.gather [hbm4b:s28+s0], $0x2800, $0x38;
	[tilespmem:$0x1F400] =	vst v63  }
0x110: {  	_ =	swait.ge [sflag:s14], $0x2800  }
0x111: {  	[sflag:s14] =	ssyncset.done $0x0  }
0x112: {  	[sflag:s14] =	ssyncadd.s32 $0xFFFFD800  }
0x113: {  	_ =	swait.ge [sflag:s14], $0x2800  }
0x114: {  	[sflag:s14] =	ssyncset.done $0x0  }
0x115: {  	s0 =	simm.s32 $0x0;
	[sflag:s14] =	ssyncadd.s32 $0xFFFFD800  }
0x116: {  	v3 =	vld [tilespmem:s0+$0x2C00]  }
0x117: {  	v5 =	vld [tilespmem:s0+$0x2C10]  }
0x118: {  	v4 =	vld [tilespmem:s0+$0x2C20]  }
0x119: {  	v2 =	vld [tilespmem:s0+$0x2C30]  }
0x11a: {  	v1 =	vld [tilespmem:s0+$0x2C40]  }
0x11b: {  	v6 =	vmax.f32 v3, $0.0e+00;
	v3 =	vld [tilespmem:s0+$0x2C50]  }
0x11c: {  	s7 =	simm.s32 $0x200;
	[tilespmem:s0+$0x2C00] =	vst v6;
	v6 =	vmax.f32 v5, $0.0e+00;
	v5 =	vld [tilespmem:s0+$0x2C60]  }
.LBB2_6:
0x11d: {  	s21 =	sshra.s32 s7, $0x2;
	p0 =	sne.s32 s7, $0x9E00;
	[tilespmem:s0+$0x2C10] =	vst v6;
	v4 =	vmax.f32 v4, $0.0e+00;
	v6 =	vld [tilespmem:s0+$0x2C70]  }
0x11e: {  	v7 =	vld [tilespmem:s21+$0x2C00];
	[tilespmem:s0+$0x2C20] =	vst v4;
	v2 =	vmax.f32 v2, $0.0e+00  }
0x11f: {  	v8 =	vld [tilespmem:s21+$0x2C10];
	[tilespmem:s0+$0x2C30] =	vst v2;
	v1 =	vmax.f32 v1, $0.0e+00  }
.Ltmp2:
0x120: {  	v4 =	vld [tilespmem:s21+$0x2C20];
	[tilespmem:s0+$0x2C40] =	vst v1;
	v1 =	vmax.f32 v3, $0.0e+00;
	(pc) =	sbr.rel @p0 .LBB2_6-.Ltmp2, $4  }
0x121: {  	v2 =	vld [tilespmem:s21+$0x2C30];
	[tilespmem:s0+$0x2C50] =	vst v1;
	v3 =	vmax.f32 v5, $0.0e+00  }
0x122: {  	v1 =	vld [tilespmem:s21+$0x2C40];
	[tilespmem:s0+$0x2C60] =	vst v3;
	v5 =	vmax.f32 v6, $0.0e+00  }
0x123: {  	v6 =	vmax.f32 v7, $0.0e+00;
	v3 =	vld [tilespmem:s21+$0x2C50];
	[tilespmem:s0+$0x2C70] =	vst v5;
	s0 =	smov.u32 s21  }
0x124: {  	s7 =	sadd.s32 $0x200, s7;
	[tilespmem:s0+$0x2C00] =	vst v6;
	v6 =	vmax.f32 v8, $0.0e+00;
	v5 =	vld [tilespmem:s0+$0x2C60]  }
0x125: {  	[tilespmem:s0+$0x2C10] =	vst v6;
	v4 =	vmax.f32 v4, $0.0e+00;
	v6 =	vld [tilespmem:s0+$0x2C70]  }
0x126: {  	[tilespmem:s0+$0x2C20] =	vst v4;
	v2 =	vmax.f32 v2, $0.0e+00  }
0x127: {  	[tilespmem:s0+$0x2C30] =	vst v2;
	v1 =	vmax.f32 v1, $0.0e+00  }
0x128: {  	[tilespmem:s0+$0x2C40] =	vst v1;
	v1 =	vmax.f32 v3, $0.0e+00  }
0x129: {  	[tilespmem:s0+$0x2C50] =	vst v1;
	v1 =	vmax.f32 v5, $0.0e+00  }
0x12a: {  	[tilespmem:s0+$0x2C60] =	vst v1;
	v1 =	vmax.f32 v6, $0.0e+00  }
0x12b: {  	s7 =	rddreg [dreg:$0x18];
	[tilespmem:s0+$0x2C70] =	vst v1;
	s0 =	simm.s32 $0x0  }
0x12c: {  	[hbm4b:s7+s0] =	stream.linear.scatter [tilespmem:s15], [sflag:$0xA], $0x2800, $0x38;
	[tilespmem:$0x1F400] =	vst v63  }
0x12d: {  	s28 =	simm.s32 $0x80  }
0x12e: {  	[spmem:s5] =	stream.indirect.scatter.add.f32 [tilespmem:s15], [sflag:$0xE], $0x80, s28, s19, $0xb8;
	[tilespmem:$0x1F400] =	vst v63  }
0x12f: {  	_ =	swait.ge [sflag:s10], $0x50  }
0x130: {  	[sflag:s10] =	ssyncset.done $0x0  }
0x131: {  	[sflag:s10] =	ssyncadd.s32 $0xFFFFFFB0  }
0x132: {  	_ =	swait.ge [sflag:s10], $0x50  }
0x133: {  	[sflag:s10] =	ssyncset.done $0x0  }
0x134: {  	[sflag:s10] =	ssyncadd.s32 $0xFFFFFFB0  }
0x135: {  	_ =	swait.ge [sflag:s10], $0x2800  }
0x136: {  	[sflag:s10] =	ssyncset.done $0x0  }
0x137: {  	s11 =	simm.s32 $0x180;
	[sflag:s10] =	ssyncadd.s32 $0xFFFFD800  }
0x138: {  	[tilespmem:s29], [sflag:$0x8] =	stream.indirect.gather.add.f32 [hbm:s1], $0x80, s11, s19, $0xb8;
	[tilespmem:$0x1F400] =	vst v63  }
0x139: {  	s21 =	simm.s32 $0x380  }
0x13a: {  	[tilespmem:s29], [sflag:$0x8] =	stream.indirect.gather.add.f32 [hbm:s9], $0x80, s21, s19, $0xb8;
	[tilespmem:$0x1F400] =	vst v63  }
0x13b: {  	_ =	swait.ge [sflag:s12], $0x2800  }
0x13c: {  	[sflag:s12] =	ssyncset.done $0x0  }
0x13d: {  	[sflag:s12] =	ssyncadd.s32 $0xFFFFD800  }
0x13e: {  	_ =	swait.ge [sflag:s16], $0x2800  }
0x13f: {  	[sflag:s16] =	ssyncset.done $0x0  }
0x140: {  	s22 =	rddreg [dreg:$0x19];
	[sflag:s16] =	ssyncadd.s32 $0xFFFFD800  }
0x141: {  	[tilespmem:s0], [sflag:$0x1] =	stream.linear.gather [hbm4b:s22+s0], $0x50, $0x38;
	[tilespmem:$0x1F400] =	vst v63  }
0x142: {  	s11 =	simm.s32 $0x200;
	s25 =	rddreg [dreg:$0x1a]  }
0x143: {  	[tilespmem:s11], [sflag:$0x1] =	stream.linear.gather [hbm4b:s25+s0], $0x50, $0x38;
	[tilespmem:$0x1F400] =	vst v63  }
0x144: {  	s28 =	rddreg [dreg:$0x1b]  }
0x145: {  	[tilespmem:s6], [sflag:$0x1] =	stream.linear.gather [hbm4b:s28+s0], $0x2800, $0x38;
	[tilespmem:$0x1F400] =	vst v63  }
0x146: {  	_ =	swait.ge [sflag:s18], $0x2800  }
0x147: {  	[sflag:s18] =	ssyncset.done $0x0  }
0x148: {  	[sflag:s18] =	ssyncadd.s32 $0xFFFFD800  }
0x149: {  	_ =	swait.ge [sflag:s18], $0x2800  }
0x14a: {  	[sflag:s18] =	ssyncset.done $0x0  }
0x14b: {  	s0 =	simm.s32 $0x0;
	[sflag:s18] =	ssyncadd.s32 $0xFFFFD800  }
0x14c: {  	v3 =	vld [tilespmem:s0+$0x5400]  }
0x14d: {  	v5 =	vld [tilespmem:s0+$0x5410]  }
0x14e: {  	v4 =	vld [tilespmem:s0+$0x5420]  }
0x14f: {  	v2 =	vld [tilespmem:s0+$0x5430]  }
0x150: {  	v1 =	vld [tilespmem:s0+$0x5440]  }
0x151: {  	v6 =	vmax.f32 v3, $0.0e+00;
	v3 =	vld [tilespmem:s0+$0x5450]  }
0x152: {  	s7 =	simm.s32 $0x200;
	[tilespmem:s0+$0x5400] =	vst v6;
	v6 =	vmax.f32 v5, $0.0e+00;
	v5 =	vld [tilespmem:s0+$0x5460]  }
.LBB2_8:
0x153: {  	s21 =	sshra.s32 s7, $0x2;
	p0 =	sne.s32 s7, $0x9E00;
	[tilespmem:s0+$0x5410] =	vst v6;
	v4 =	vmax.f32 v4, $0.0e+00;
	v6 =	vld [tilespmem:s0+$0x5470]  }
0x154: {  	v7 =	vld [tilespmem:s21+$0x5400];
	[tilespmem:s0+$0x5420] =	vst v4;
	v2 =	vmax.f32 v2, $0.0e+00  }
0x155: {  	v8 =	vld [tilespmem:s21+$0x5410];
	[tilespmem:s0+$0x5430] =	vst v2;
	v1 =	vmax.f32 v1, $0.0e+00  }
.Ltmp3:
0x156: {  	v4 =	vld [tilespmem:s21+$0x5420];
	[tilespmem:s0+$0x5440] =	vst v1;
	v1 =	vmax.f32 v3, $0.0e+00;
	(pc) =	sbr.rel @p0 .LBB2_8-.Ltmp3, $4  }
0x157: {  	v2 =	vld [tilespmem:s21+$0x5430];
	[tilespmem:s0+$0x5450] =	vst v1;
	v3 =	vmax.f32 v5, $0.0e+00  }
0x158: {  	v1 =	vld [tilespmem:s21+$0x5440];
	[tilespmem:s0+$0x5460] =	vst v3;
	v5 =	vmax.f32 v6, $0.0e+00  }
0x159: {  	v6 =	vmax.f32 v7, $0.0e+00;
	v3 =	vld [tilespmem:s21+$0x5450];
	[tilespmem:s0+$0x5470] =	vst v5;
	s0 =	smov.u32 s21  }
0x15a: {  	s7 =	sadd.s32 $0x200, s7;
	[tilespmem:s0+$0x5400] =	vst v6;
	v6 =	vmax.f32 v8, $0.0e+00;
	v5 =	vld [tilespmem:s0+$0x5460]  }
0x15b: {  	[tilespmem:s0+$0x5410] =	vst v6;
	v4 =	vmax.f32 v4, $0.0e+00;
	v6 =	vld [tilespmem:s0+$0x5470]  }
0x15c: {  	[tilespmem:s0+$0x5420] =	vst v4;
	v2 =	vmax.f32 v2, $0.0e+00  }
0x15d: {  	[tilespmem:s0+$0x5430] =	vst v2;
	v1 =	vmax.f32 v1, $0.0e+00  }
0x15e: {  	[tilespmem:s0+$0x5440] =	vst v1;
	v1 =	vmax.f32 v3, $0.0e+00  }
0x15f: {  	[tilespmem:s0+$0x5450] =	vst v1;
	v1 =	vmax.f32 v5, $0.0e+00  }
0x160: {  	[tilespmem:s0+$0x5460] =	vst v1;
	v1 =	vmax.f32 v6, $0.0e+00  }
0x161: {  	s7 =	rddreg [dreg:$0x1e];
	[tilespmem:s0+$0x5470] =	vst v1;
	s0 =	simm.s32 $0x0  }
0x162: {  	[hbm4b:s7+s0] =	stream.linear.scatter [tilespmem:s23], [sflag:$0xB], $0x2800, $0x38;
	[tilespmem:$0x1F400] =	vst v63  }
0x163: {  	s22 =	simm.s32 $0x100  }
0x164: {  	[spmem:s5] =	stream.indirect.scatter.add.f32 [tilespmem:s23], [sflag:$0xF], $0x80, s22, s19, $0xb8;
	[tilespmem:$0x1F400] =	vst v63  }
0x165: {  	_ =	swait.ge [sflag:s17], $0x50  }
0x166: {  	[sflag:s17] =	ssyncset.done $0x0  }
0x167: {  	[sflag:s17] =	ssyncadd.s32 $0xFFFFFFB0  }
0x168: {  	_ =	swait.ge [sflag:s17], $0x50  }
0x169: {  	[sflag:s17] =	ssyncset.done $0x0  }
0x16a: {  	[sflag:s17] =	ssyncadd.s32 $0xFFFFFFB0  }
0x16b: {  	_ =	swait.ge [sflag:s17], $0x2800  }
0x16c: {  	[sflag:s17] =	ssyncset.done $0x0  }
0x16d: {  	[sflag:s17] =	ssyncadd.s32 $0xFFFFD800  }
0x16e: {  	[tilespmem:s6], [sflag:$0x5] =	stream.indirect.gather.add.f32 [hbm:s1], $0x80, s0, s19, $0xb8;
	[tilespmem:$0x1F400] =	vst v63  }
0x16f: {  	s25 =	simm.s32 $0x200;
	s28 =	simm.s32 $0xA  }
0x170: {  	[tilespmem:s6], [sflag:$0x5] =	stream.indirect.gather.add.f32 [hbm:s9], $0x80, s25, s19, $0xb8;
	[tilespmem:$0x1F400] =	vst v63  }
0x171: {  	_ =	swait.ge [sflag:s28], $0x2800  }
0x172: {  	[sflag:s28] =	ssyncset.done $0x0  }
0x173: {  	s11 =	simm.s32 $0xE;
	[sflag:s28] =	ssyncadd.s32 $0xFFFFD800  }
0x174: {  	_ =	swait.ge [sflag:s11], $0x2800  }
0x175: {  	[sflag:s11] =	ssyncset.done $0x0;
	s21 =	rddreg [dreg:$0x1f]  }
0x176: {  	s22 =	sld [smem:$0x7E4];
	[sflag:s11] =	ssyncadd.s32 $0xFFFFD800;
	s11 =	simm.s32 $0x80  }
0x177: {  	[tilespmem:s11], [sflag:$0x2] =	stream.linear.gather [hbm4b:s21+s0], $0x50, $0x38;
	[tilespmem:$0x1F400] =	vst v63  }
0x178: {  	s25 =	simm.s32 $0x280;
	s28 =	sld [smem:$0x7E5]  }
0x179: {  	[tilespmem:s25], [sflag:$0x2] =	stream.linear.gather [hbm4b:s22+s0], $0x50, $0x38;
	[tilespmem:$0x1F400] =	vst v63  }
0x17a: {  	_ = 	snop  }
0x17b: {  	[tilespmem:s15], [sflag:$0x2] =	stream.linear.gather [hbm4b:s28+s0], $0x2800, $0x38;
	[tilespmem:$0x1F400] =	vst v63  }
0x17c: {  	_ =	swait.ge [sflag:s30], $0x2800  }
0x17d: {  	[sflag:s30] =	ssyncset.done $0x0  }
0x17e: {  	[sflag:s30] =	ssyncadd.s32 $0xFFFFD800  }
0x17f: {  	_ =	swait.ge [sflag:s30], $0x2800  }
0x180: {  	[sflag:s30] =	ssyncset.done $0x0  }
0x181: {  	s0 =	simm.s32 $0x0;
	[sflag:s30] =	ssyncadd.s32 $0xFFFFD800  }
0x182: {  	v3 =	vld [tilespmem:s0+$0x7C00]  }
0x183: {  	v5 =	vld [tilespmem:s0+$0x7C10]  }
0x184: {  	v4 =	vld [tilespmem:s0+$0x7C20]  }
0x185: {  	v2 =	vld [tilespmem:s0+$0x7C30]  }
0x186: {  	v1 =	vld [tilespmem:s0+$0x7C40]  }
0x187: {  	v6 =	vmax.f32 v3, $0.0e+00;
	v3 =	vld [tilespmem:s0+$0x7C50]  }
0x188: {  	s7 =	simm.s32 $0x200;
	[tilespmem:s0+$0x7C00] =	vst v6;
	v6 =	vmax.f32 v5, $0.0e+00;
	v5 =	vld [tilespmem:s0+$0x7C60]  }
.LBB2_10:
0x189: {  	s21 =	sshra.s32 s7, $0x2;
	p0 =	sne.s32 s7, $0x9E00;
	[tilespmem:s0+$0x7C10] =	vst v6;
	v4 =	vmax.f32 v4, $0.0e+00;
	v6 =	vld [tilespmem:s0+$0x7C70]  }
0x18a: {  	v7 =	vld [tilespmem:s21+$0x7C00];
	[tilespmem:s0+$0x7C20] =	vst v4;
	v2 =	vmax.f32 v2, $0.0e+00  }
0x18b: {  	v8 =	vld [tilespmem:s21+$0x7C10];
	[tilespmem:s0+$0x7C30] =	vst v2;
	v1 =	vmax.f32 v1, $0.0e+00  }
.Ltmp4:
0x18c: {  	v4 =	vld [tilespmem:s21+$0x7C20];
	[tilespmem:s0+$0x7C40] =	vst v1;
	v1 =	vmax.f32 v3, $0.0e+00;
	(pc) =	sbr.rel @p0 .LBB2_10-.Ltmp4, $4  }
0x18d: {  	v2 =	vld [tilespmem:s21+$0x7C30];
	[tilespmem:s0+$0x7C50] =	vst v1;
	v3 =	vmax.f32 v5, $0.0e+00  }
0x18e: {  	v1 =	vld [tilespmem:s21+$0x7C40];
	[tilespmem:s0+$0x7C60] =	vst v3;
	v5 =	vmax.f32 v6, $0.0e+00  }
0x18f: {  	v6 =	vmax.f32 v7, $0.0e+00;
	v3 =	vld [tilespmem:s21+$0x7C50];
	[tilespmem:s0+$0x7C70] =	vst v5;
	s0 =	smov.u32 s21  }
0x190: {  	s7 =	sadd.s32 $0x200, s7;
	[tilespmem:s0+$0x7C00] =	vst v6;
	v6 =	vmax.f32 v8, $0.0e+00;
	v5 =	vld [tilespmem:s0+$0x7C60]  }
0x191: {  	[tilespmem:s0+$0x7C10] =	vst v6;
	v4 =	vmax.f32 v4, $0.0e+00;
	v63 =	vld [tilespmem:s0+$0x7C70]  }
0x192: {  	[tilespmem:s0+$0x7C20] =	vst v4;
	v2 =	vmax.f32 v2, $0.0e+00  }
0x193: {  	[tilespmem:s0+$0x7C30] =	vst v2;
	v1 =	vmax.f32 v1, $0.0e+00  }
0x194: {  	[tilespmem:s0+$0x7C40] =	vst v1;
	v1 =	vmax.f32 v3, $0.0e+00  }
0x195: {  	s28 =	sld [smem:$0x7E7];
	[tilespmem:s0+$0x7C50] =	vst v1;
	v1 =	vmax.f32 v5, $0.0e+00  }
0x196: {  	[tilespmem:s0+$0x7C60] =	vst v1;
	v1 =	vmax.f32 v63, $0.0e+00  }
0x197: {  	[tilespmem:s0+$0x7C70] =	vst v1  }
0x198: {  	[hbm4b:s28+s31] =	stream.linear.scatter [tilespmem:s29], [sflag:$0xC], $0x2800, $0x38;
	[tilespmem:$0x1F400] =	vst v63  }
0x199: {  	s7 =	simm.s32 $0x1;
	s31 =	simm.s32 $0x180  }
0x19a: {  	[spmem:s5] =	stream.indirect.scatter.add.f32 [tilespmem:s29], [sflag:$0x10], $0x80, s31, s19, $0xb8;
	[tilespmem:$0x1F400] =	vst v63  }
.LBB2_12:
0x19b: {  	_ =	swait.ge [sflag:s20], $0x50  }
0x19c: {  	[sflag:s20] =	ssyncset.done $0x0  }
0x19d: {  	[sflag:s20] =	ssyncadd.s32 $0xFFFFFFB0  }
0x19e: {  	_ =	swait.ge [sflag:s20], $0x50  }
0x19f: {  	[sflag:s20] =	ssyncset.done $0x0  }
0x1a0: {  	[sflag:s20] =	ssyncadd.s32 $0xFFFFFFB0  }
0x1a1: {  	_ =	swait.ge [sflag:s20], $0x2800  }
0x1a2: {  	[sflag:s20] =	ssyncset.done $0x0  }
0x1a3: {  	s0 =	simm.s32 $0x80;
	[sflag:s20] =	ssyncadd.s32 $0xFFFFD800  }
0x1a4: {  	[tilespmem:s15], [sflag:$0x6] =	stream.indirect.gather.add.f32 [hbm:s1], $0x80, s0, s19, $0xb8;
	[tilespmem:$0x1F400] =	vst v63  }
0x1a5: {  	s21 =	simm.s32 $0x280;
	s22 =	simm.s32 $0xB  }
0x1a6: {  	[tilespmem:s15], [sflag:$0x6] =	stream.indirect.gather.add.f32 [hbm:s9], $0x80, s21, s19, $0xb8;
	[tilespmem:$0x1F400] =	vst v63  }
0x1a7: {  	_ =	swait.ge [sflag:s22], $0x2800  }
0x1a8: {  	[sflag:s22] =	ssyncset.done $0x0  }
0x1a9: {  	s11 =	simm.s32 $0xF;
	[sflag:s22] =	ssyncadd.s32 $0xFFFFD800  }
0x1aa: {  	s21 =	smul.u32 $0x140, s7;
	_ =	swait.ge [sflag:s11], $0x2800  }
0x1ab: {  	s25 =	rddreg [dreg:$0xd]  }
0x1ac: {  	s0 =	sadd.s32 s25, s21  }
0x1ad: {  	s28 =	simm.s32 $0x0;
	[sflag:s11] =	ssyncset.done $0x0;
	s22 =	sshrl.u32 s0, $0x3  }
0x1ae: {  	s31 =	simm.s32 $0x100;
	[sflag:s11] =	ssyncadd.s32 $0xFFFFD800;
	s25 =	sadd.s32 s3, s22  }
0x1af: {  	[tilespmem:s31], [sflag:$0x3] =	stream.linear.gather [hbm4b:s25+s28], $0x50, $0x38;
	[tilespmem:$0x1F400] =	vst v63  }
0x1b0: {  	s22 =	sadd.s32 s2, s22;
	s31 =	simm.s32 $0x300;
	s25 =	sshll.u32 s0, $0x4  }
0x1b1: {  	[tilespmem:s31], [sflag:$0x3] =	stream.linear.gather [hbm4b:s22+s28], $0x50, $0x38;
	[tilespmem:$0x1F400] =	vst v63  }
0x1b2: {  	s0 =	sadd.s32 s8, s25  }
0x1b3: {  	[tilespmem:s23], [sflag:$0x3] =	stream.linear.gather [hbm4b:s0+s28], $0x2800, $0x38;
	[tilespmem:$0x1F400] =	vst v63  }
0x1b4: {  	_ =	swait.ge [sflag:s24], $0x2800  }
0x1b5: {  	[sflag:s24] =	ssyncset.done $0x0  }
0x1b6: {  	[sflag:s24] =	ssyncadd.s32 $0xFFFFD800  }
0x1b7: {  	_ =	swait.ge [sflag:s24], $0x2800  }
0x1b8: {  	[sflag:s24] =	ssyncset.done $0x0  }
0x1b9: {  	s28 =	simm.s32 $0x0;
	[sflag:s24] =	ssyncadd.s32 $0xFFFFD800  }
0x1ba: {  	v3 =	vld [tilespmem:s28+$0x400]  }
0x1bb: {  	v5 =	vld [tilespmem:s28+$0x410]  }
0x1bc: {  	v4 =	vld [tilespmem:s28+$0x420]  }
0x1bd: {  	v2 =	vld [tilespmem:s28+$0x430]  }
0x1be: {  	v1 =	vld [tilespmem:s28+$0x440]  }
0x1bf: {  	v6 =	vmax.f32 v3, $0.0e+00;
	v3 =	vld [tilespmem:s28+$0x450]  }
0x1c0: {  	s0 =	simm.s32 $0x200;
	[tilespmem:s28+$0x400] =	vst v6;
	v6 =	vmax.f32 v5, $0.0e+00;
	v5 =	vld [tilespmem:s28+$0x460]  }
.LBB2_13:
0x1c1: {  	s22 =	sshra.s32 s0, $0x2;
	p0 =	sne.s32 s0, $0x9E00;
	[tilespmem:s28+$0x410] =	vst v6;
	v4 =	vmax.f32 v4, $0.0e+00;
	v6 =	vld [tilespmem:s28+$0x470]  }
0x1c2: {  	v7 =	vld [tilespmem:s22+$0x400];
	[tilespmem:s28+$0x420] =	vst v4;
	v2 =	vmax.f32 v2, $0.0e+00  }
0x1c3: {  	v8 =	vld [tilespmem:s22+$0x410];
	[tilespmem:s28+$0x430] =	vst v2;
	v1 =	vmax.f32 v1, $0.0e+00  }
.Ltmp5:
0x1c4: {  	v4 =	vld [tilespmem:s22+$0x420];
	[tilespmem:s28+$0x440] =	vst v1;
	v1 =	vmax.f32 v3, $0.0e+00;
	(pc) =	sbr.rel @p0 .LBB2_13-.Ltmp5, $4  }
0x1c5: {  	v2 =	vld [tilespmem:s22+$0x430];
	[tilespmem:s28+$0x450] =	vst v1;
	v3 =	vmax.f32 v5, $0.0e+00  }
0x1c6: {  	v1 =	vld [tilespmem:s22+$0x440];
	[tilespmem:s28+$0x460] =	vst v3;
	v5 =	vmax.f32 v6, $0.0e+00  }
0x1c7: {  	v6 =	vmax.f32 v7, $0.0e+00;
	v3 =	vld [tilespmem:s22+$0x450];
	[tilespmem:s28+$0x470] =	vst v5;
	s28 =	smov.u32 s22  }
0x1c8: {  	s0 =	sadd.s32 $0x200, s0;
	[tilespmem:s28+$0x400] =	vst v6;
	v6 =	vmax.f32 v8, $0.0e+00;
	v5 =	vld [tilespmem:s28+$0x460]  }
0x1c9: {  	[tilespmem:s28+$0x410] =	vst v6;
	v4 =	vmax.f32 v4, $0.0e+00;
	v6 =	vld [tilespmem:s28+$0x470]  }
0x1ca: {  	[tilespmem:s28+$0x420] =	vst v4;
	v2 =	vmax.f32 v2, $0.0e+00  }
0x1cb: {  	[tilespmem:s28+$0x430] =	vst v2;
	v1 =	vmax.f32 v1, $0.0e+00  }
0x1cc: {  	s0 =	rddreg [dreg:$0x7];
	[tilespmem:s28+$0x440] =	vst v1;
	v1 =	vmax.f32 v3, $0.0e+00  }
0x1cd: {  	s0 =	sadd.s32 s0, s21;
	[tilespmem:s28+$0x450] =	vst v1;
	v1 =	vmax.f32 v5, $0.0e+00  }
0x1ce: {  	s0 =	sshll.u32 s0, $0x4;
	[tilespmem:s28+$0x460] =	vst v1;
	v1 =	vmax.f32 v6, $0.0e+00  }
0x1cf: {  	s22 =	simm.s32 $0x0;
	s0 =	sadd.s32 s4, s0;
	[tilespmem:s28+$0x470] =	vst v1  }
0x1d0: {  	[hbm4b:s0+s22] =	stream.linear.scatter [tilespmem:s6], [sflag:$0x9], $0x2800, $0x38;
	[tilespmem:$0x1F400] =	vst v63  }
0x1d1: {  	_ = 	snop  }
0x1d2: {  	[spmem:s5] =	stream.indirect.scatter.add.f32 [tilespmem:s6], [sflag:$0xD], $0x80, s22, s19, $0xb8;
	[tilespmem:$0x1F400] =	vst v63  }
0x1d3: {  	_ =	swait.ge [sflag:s26], $0x50  }
0x1d4: {  	[sflag:s26] =	ssyncset.done $0x0  }
0x1d5: {  	[sflag:s26] =	ssyncadd.s32 $0xFFFFFFB0  }
0x1d6: {  	_ =	swait.ge [sflag:s26], $0x50  }
0x1d7: {  	[sflag:s26] =	ssyncset.done $0x0  }
0x1d8: {  	[sflag:s26] =	ssyncadd.s32 $0xFFFFFFB0  }
0x1d9: {  	_ =	swait.ge [sflag:s26], $0x2800  }
0x1da: {  	[sflag:s26] =	ssyncset.done $0x0  }
0x1db: {  	s31 =	simm.s32 $0x100;
	[sflag:s26] =	ssyncadd.s32 $0xFFFFD800  }
0x1dc: {  	[tilespmem:s23], [sflag:$0x7] =	stream.indirect.gather.add.f32 [hbm:s1], $0x80, s31, s19, $0xb8;
	[tilespmem:$0x1F400] =	vst v63  }
0x1dd: {  	s11 =	simm.s32 $0x300;
	s31 =	simm.s32 $0xC  }
0x1de: {  	[tilespmem:s23], [sflag:$0x7] =	stream.indirect.gather.add.f32 [hbm:s9], $0x80, s11, s19, $0xb8;
	[tilespmem:$0x1F400] =	vst v63  }
0x1df: {  	_ =	swait.ge [sflag:s31], $0x2800  }
0x1e0: {  	[sflag:s31] =	ssyncset.done $0x0  }
0x1e1: {  	[sflag:s31] =	ssyncadd.s32 $0xFFFFD800  }
0x1e2: {  	_ =	swait.ge [sflag:s13], $0x2800  }
0x1e3: {  	s11 =	rddreg [dreg:$0xf]  }
0x1e4: {  	s0 =	sadd.s32 s11, s21  }
0x1e5: {  	[sflag:s13] =	ssyncset.done $0x0;
	s28 =	sshrl.u32 s0, $0x3  }
0x1e6: {  	s31 =	simm.s32 $0x180;
	[sflag:s13] =	ssyncadd.s32 $0xFFFFD800;
	s11 =	sadd.s32 s3, s28  }
0x1e7: {  	[tilespmem:s31], [sflag:$0x4] =	stream.linear.gather [hbm4b:s11+s22], $0x50, $0x38;
	[tilespmem:$0x1F400] =	vst v63  }
0x1e8: {  	s31 =	sadd.s32 s2, s28;
	s28 =	simm.s32 $0x380  }
0x1e9: {  	[tilespmem:s28], [sflag:$0x4] =	stream.linear.gather [hbm4b:s31+s22], $0x50, $0x38;
	[tilespmem:$0x1F400] =	vst v63  }
0x1ea: {  	s28 =	sshll.u32 s0, $0x4  }
0x1eb: {  	s0 =	sadd.s32 s8, s28  }
0x1ec: {  	[tilespmem:s29], [sflag:$0x4] =	stream.linear.gather [hbm4b:s0+s22], $0x2800, $0x38;
	[tilespmem:$0x1F400] =	vst v63  }
0x1ed: {  	_ =	swait.ge [sflag:s14], $0x2800  }
0x1ee: {  	[sflag:s14] =	ssyncset.done $0x0  }
0x1ef: {  	[sflag:s14] =	ssyncadd.s32 $0xFFFFD800  }
0x1f0: {  	_ =	swait.ge [sflag:s14], $0x2800  }
0x1f1: {  	[sflag:s14] =	ssyncset.done $0x0  }
0x1f2: {  	s0 =	simm.s32 $0x0;
	[sflag:s14] =	ssyncadd.s32 $0xFFFFD800  }
0x1f3: {  	v3 =	vld [tilespmem:s0+$0x2C00]  }
0x1f4: {  	v5 =	vld [tilespmem:s0+$0x2C10]  }
0x1f5: {  	v4 =	vld [tilespmem:s0+$0x2C20]  }
0x1f6: {  	v2 =	vld [tilespmem:s0+$0x2C30]  }
0x1f7: {  	v1 =	vld [tilespmem:s0+$0x2C40]  }
0x1f8: {  	v6 =	vmax.f32 v3, $0.0e+00;
	v3 =	vld [tilespmem:s0+$0x2C50]  }
0x1f9: {  	s22 =	simm.s32 $0x200;
	[tilespmem:s0+$0x2C00] =	vst v6;
	v6 =	vmax.f32 v5, $0.0e+00;
	v5 =	vld [tilespmem:s0+$0x2C60]  }
.LBB2_15:
0x1fa: {  	s11 =	sshra.s32 s22, $0x2;
	p0 =	sne.s32 s22, $0x9E00;
	[tilespmem:s0+$0x2C10] =	vst v6;
	v4 =	vmax.f32 v4, $0.0e+00;
	v6 =	vld [tilespmem:s0+$0x2C70]  }
0x1fb: {  	v7 =	vld [tilespmem:s11+$0x2C00];
	[tilespmem:s0+$0x2C20] =	vst v4;
	v2 =	vmax.f32 v2, $0.0e+00  }
0x1fc: {  	v8 =	vld [tilespmem:s11+$0x2C10];
	[tilespmem:s0+$0x2C30] =	vst v2;
	v1 =	vmax.f32 v1, $0.0e+00  }
.Ltmp6:
0x1fd: {  	v4 =	vld [tilespmem:s11+$0x2C20];
	[tilespmem:s0+$0x2C40] =	vst v1;
	v1 =	vmax.f32 v3, $0.0e+00;
	(pc) =	sbr.rel @p0 .LBB2_15-.Ltmp6, $4  }
0x1fe: {  	v2 =	vld [tilespmem:s11+$0x2C30];
	[tilespmem:s0+$0x2C50] =	vst v1;
	v3 =	vmax.f32 v5, $0.0e+00  }
0x1ff: {  	v1 =	vld [tilespmem:s11+$0x2C40];
	[tilespmem:s0+$0x2C60] =	vst v3;
	v5 =	vmax.f32 v6, $0.0e+00  }
0x200: {  	v6 =	vmax.f32 v7, $0.0e+00;
	v3 =	vld [tilespmem:s11+$0x2C50];
	[tilespmem:s0+$0x2C70] =	vst v5;
	s0 =	smov.u32 s11  }
0x201: {  	s22 =	sadd.s32 $0x200, s22;
	[tilespmem:s0+$0x2C00] =	vst v6;
	v6 =	vmax.f32 v8, $0.0e+00;
	v5 =	vld [tilespmem:s0+$0x2C60]  }
0x202: {  	[tilespmem:s0+$0x2C10] =	vst v6;
	v4 =	vmax.f32 v4, $0.0e+00;
	v6 =	vld [tilespmem:s0+$0x2C70]  }
0x203: {  	[tilespmem:s0+$0x2C20] =	vst v4;
	v2 =	vmax.f32 v2, $0.0e+00  }
0x204: {  	[tilespmem:s0+$0x2C30] =	vst v2;
	v1 =	vmax.f32 v1, $0.0e+00  }
0x205: {  	s11 =	rddreg [dreg:$0x9];
	[tilespmem:s0+$0x2C40] =	vst v1;
	v1 =	vmax.f32 v3, $0.0e+00  }
0x206: {  	s11 =	sadd.s32 s21, s11;
	[tilespmem:s0+$0x2C50] =	vst v1;
	v1 =	vmax.f32 v5, $0.0e+00  }
0x207: {  	s11 =	sshll.u32 s11, $0x4;
	[tilespmem:s0+$0x2C60] =	vst v1;
	v1 =	vmax.f32 v6, $0.0e+00  }
0x208: {  	s31 =	sadd.s32 s4, s11;
	s11 =	simm.s32 $0x0;
	[tilespmem:s0+$0x2C70] =	vst v1  }
0x209: {  	[hbm4b:s31+s11] =	stream.linear.scatter [tilespmem:s15], [sflag:$0xA], $0x2800, $0x38;
	[tilespmem:$0x1F400] =	vst v63  }
0x20a: {  	s22 =	simm.s32 $0x80  }
0x20b: {  	[spmem:s5] =	stream.indirect.scatter.add.f32 [tilespmem:s15], [sflag:$0xE], $0x80, s22, s19, $0xb8;
	[tilespmem:$0x1F400] =	vst v63  }
0x20c: {  	_ =	swait.ge [sflag:s10], $0x50  }
0x20d: {  	[sflag:s10] =	ssyncset.done $0x0  }
0x20e: {  	[sflag:s10] =	ssyncadd.s32 $0xFFFFFFB0  }
0x20f: {  	_ =	swait.ge [sflag:s10], $0x50  }
0x210: {  	[sflag:s10] =	ssyncset.done $0x0  }
0x211: {  	[sflag:s10] =	ssyncadd.s32 $0xFFFFFFB0  }
0x212: {  	_ =	swait.ge [sflag:s10], $0x2800  }
0x213: {  	[sflag:s10] =	ssyncset.done $0x0  }
0x214: {  	s31 =	simm.s32 $0x180;
	[sflag:s10] =	ssyncadd.s32 $0xFFFFD800  }
0x215: {  	[tilespmem:s29], [sflag:$0x8] =	stream.indirect.gather.add.f32 [hbm:s1], $0x80, s31, s19, $0xb8;
	[tilespmem:$0x1F400] =	vst v63  }
0x216: {  	s22 =	simm.s32 $0x380  }
0x217: {  	[tilespmem:s29], [sflag:$0x8] =	stream.indirect.gather.add.f32 [hbm:s9], $0x80, s22, s19, $0xb8;
	[tilespmem:$0x1F400] =	vst v63  }
0x218: {  	_ =	swait.ge [sflag:s12], $0x2800  }
0x219: {  	[sflag:s12] =	ssyncset.done $0x0  }
0x21a: {  	[sflag:s12] =	ssyncadd.s32 $0xFFFFD800  }
0x21b: {  	_ =	swait.ge [sflag:s16], $0x2800  }
0x21c: {  	s31 =	rddreg [dreg:$0x16]  }
0x21d: {  	s0 =	sadd.s32 s21, s31  }
0x21e: {  	[sflag:s16] =	ssyncset.done $0x0;
	s22 =	sshrl.u32 s0, $0x3  }
0x21f: {  	[sflag:s16] =	ssyncadd.s32 $0xFFFFD800;
	s31 =	sadd.s32 s3, s22  }
0x220: {  	[tilespmem:s11], [sflag:$0x1] =	stream.linear.gather [hbm4b:s31+s11], $0x50, $0x38;
	[tilespmem:$0x1F400] =	vst v63  }
0x221: {  	s0 =	sshll.u32 s0, $0x4;
	s22 =	sadd.s32 s2, s22;
	s31 =	simm.s32 $0x200  }
0x222: {  	[tilespmem:s31], [sflag:$0x1] =	stream.linear.gather [hbm4b:s22+s11], $0x50, $0x38;
	[tilespmem:$0x1F400] =	vst v63  }
0x223: {  	s0 =	sadd.s32 s8, s0  }
0x224: {  	[tilespmem:s6], [sflag:$0x1] =	stream.linear.gather [hbm4b:s0+s11], $0x2800, $0x38;
	[tilespmem:$0x1F400] =	vst v63  }
0x225: {  	_ =	swait.ge [sflag:s18], $0x2800  }
0x226: {  	[sflag:s18] =	ssyncset.done $0x0  }
0x227: {  	[sflag:s18] =	ssyncadd.s32 $0xFFFFD800  }
0x228: {  	_ =	swait.ge [sflag:s18], $0x2800  }
0x229: {  	[sflag:s18] =	ssyncset.done $0x0  }
0x22a: {  	s0 =	simm.s32 $0x0;
	[sflag:s18] =	ssyncadd.s32 $0xFFFFD800  }
0x22b: {  	v3 =	vld [tilespmem:s0+$0x5400]  }
0x22c: {  	v5 =	vld [tilespmem:s0+$0x5410]  }
0x22d: {  	v4 =	vld [tilespmem:s0+$0x5420]  }
0x22e: {  	v2 =	vld [tilespmem:s0+$0x5430]  }
0x22f: {  	v1 =	vld [tilespmem:s0+$0x5440]  }
0x230: {  	v6 =	vmax.f32 v3, $0.0e+00;
	v3 =	vld [tilespmem:s0+$0x5450]  }
0x231: {  	s22 =	simm.s32 $0x200;
	[tilespmem:s0+$0x5400] =	vst v6;
	v6 =	vmax.f32 v5, $0.0e+00;
	v5 =	vld [tilespmem:s0+$0x5460]  }
.LBB2_17:
0x232: {  	s11 =	sshra.s32 s22, $0x2;
	p0 =	sne.s32 s22, $0x9E00;
	[tilespmem:s0+$0x5410] =	vst v6;
	v4 =	vmax.f32 v4, $0.0e+00;
	v6 =	vld [tilespmem:s0+$0x5470]  }
0x233: {  	v7 =	vld [tilespmem:s11+$0x5400];
	[tilespmem:s0+$0x5420] =	vst v4;
	v2 =	vmax.f32 v2, $0.0e+00  }
0x234: {  	v8 =	vld [tilespmem:s11+$0x5410];
	[tilespmem:s0+$0x5430] =	vst v2;
	v1 =	vmax.f32 v1, $0.0e+00  }
.Ltmp7:
0x235: {  	v4 =	vld [tilespmem:s11+$0x5420];
	[tilespmem:s0+$0x5440] =	vst v1;
	v1 =	vmax.f32 v3, $0.0e+00;
	(pc) =	sbr.rel @p0 .LBB2_17-.Ltmp7, $4  }
0x236: {  	v2 =	vld [tilespmem:s11+$0x5430];
	[tilespmem:s0+$0x5450] =	vst v1;
	v3 =	vmax.f32 v5, $0.0e+00  }
0x237: {  	v1 =	vld [tilespmem:s11+$0x5440];
	[tilespmem:s0+$0x5460] =	vst v3;
	v5 =	vmax.f32 v6, $0.0e+00  }
0x238: {  	v6 =	vmax.f32 v7, $0.0e+00;
	v3 =	vld [tilespmem:s11+$0x5450];
	[tilespmem:s0+$0x5470] =	vst v5;
	s0 =	smov.u32 s11  }
0x239: {  	s22 =	sadd.s32 $0x200, s22;
	[tilespmem:s0+$0x5400] =	vst v6;
	v6 =	vmax.f32 v8, $0.0e+00;
	v5 =	vld [tilespmem:s0+$0x5460]  }
0x23a: {  	[tilespmem:s0+$0x5410] =	vst v6;
	v4 =	vmax.f32 v4, $0.0e+00;
	v6 =	vld [tilespmem:s0+$0x5470]  }
0x23b: {  	[tilespmem:s0+$0x5420] =	vst v4;
	v2 =	vmax.f32 v2, $0.0e+00  }
0x23c: {  	[tilespmem:s0+$0x5430] =	vst v2;
	v1 =	vmax.f32 v1, $0.0e+00  }
0x23d: {  	[tilespmem:s0+$0x5440] =	vst v1;
	v1 =	vmax.f32 v3, $0.0e+00  }
0x23e: {  	[tilespmem:s0+$0x5450] =	vst v1;
	v1 =	vmax.f32 v5, $0.0e+00  }
0x23f: {  	[tilespmem:s0+$0x5460] =	vst v1;
	v1 =	vmax.f32 v6, $0.0e+00  }
0x240: {  	s25 =	sadd.s32 s4, s25;
	s31 =	simm.s32 $0x0;
	[tilespmem:s0+$0x5470] =	vst v1  }
0x241: {  	[hbm4b:s25+s31] =	stream.linear.scatter [tilespmem:s23], [sflag:$0xB], $0x2800, $0x38;
	[tilespmem:$0x1F400] =	vst v63  }
0x242: {  	s11 =	simm.s32 $0x100  }
0x243: {  	[spmem:s5] =	stream.indirect.scatter.add.f32 [tilespmem:s23], [sflag:$0xF], $0x80, s11, s19, $0xb8;
	[tilespmem:$0x1F400] =	vst v63  }
0x244: {  	_ =	swait.ge [sflag:s17], $0x50  }
0x245: {  	[sflag:s17] =	ssyncset.done $0x0  }
0x246: {  	[sflag:s17] =	ssyncadd.s32 $0xFFFFFFB0  }
0x247: {  	_ =	swait.ge [sflag:s17], $0x50  }
0x248: {  	[sflag:s17] =	ssyncset.done $0x0  }
0x249: {  	[sflag:s17] =	ssyncadd.s32 $0xFFFFFFB0  }
0x24a: {  	_ =	swait.ge [sflag:s17], $0x2800  }
0x24b: {  	[sflag:s17] =	ssyncset.done $0x0  }
0x24c: {  	[sflag:s17] =	ssyncadd.s32 $0xFFFFD800  }
0x24d: {  	[tilespmem:s6], [sflag:$0x5] =	stream.indirect.gather.add.f32 [hbm:s1], $0x80, s31, s19, $0xb8;
	[tilespmem:$0x1F400] =	vst v63  }
0x24e: {  	s22 =	simm.s32 $0x200;
	s25 =	simm.s32 $0xA  }
0x24f: {  	[tilespmem:s6], [sflag:$0x5] =	stream.indirect.gather.add.f32 [hbm:s9], $0x80, s22, s19, $0xb8;
	[tilespmem:$0x1F400] =	vst v63  }
0x250: {  	_ =	swait.ge [sflag:s25], $0x2800  }
0x251: {  	[sflag:s25] =	ssyncset.done $0x0  }
0x252: {  	s11 =	simm.s32 $0xE;
	[sflag:s25] =	ssyncadd.s32 $0xFFFFD800  }
0x253: {  	_ =	swait.ge [sflag:s11], $0x2800  }
0x254: {  	p0 =	seq.s32 s7, $0x1E;
	s0 =	rddreg [dreg:$0x1c]  }
0x255: {  	[sflag:s11] =	ssyncset.done $0x0;
	s0 =	sadd.s32 @!p0 s21, s0  }
0x256: {  	[sflag:s11] =	ssyncadd.s32 $0xFFFFD800;
	s11 =	sshrl.u32 @!p0 s0, $0x3  }
0x257: {  	s22 =	simm.s32 @!p0 $0x0;
	s25 =	simm.s32 @!p0 $0x80;
	s21 =	sadd.s32 @!p0 s3, s11  }
0x258: {  	[tilespmem:s25], [sflag:$0x2] =	stream.linear.gather @!p0 [hbm4b:s21+s22], $0x50, $0x38;
	[tilespmem:$0x1F400] =	vst v63  }
0x259: {  	s0 =	sshll.u32 @!p0 s0, $0x4;
	s11 =	sadd.s32 @!p0 s2, s11;
	s21 =	simm.s32 @!p0 $0x280  }
0x25a: {  	[tilespmem:s21], [sflag:$0x2] =	stream.linear.gather @!p0 [hbm4b:s11+s22], $0x50, $0x38;
	[tilespmem:$0x1F400] =	vst v63  }
0x25b: {  	s0 =	sadd.s32 @!p0 s8, s0;
	s11 =	simm.s32 @!p0 $0x2C00  }
0x25c: {  	[tilespmem:s11], [sflag:$0x2] =	stream.linear.gather @!p0 [hbm4b:s0+s22], $0x2800, $0x38;
	[tilespmem:$0x1F400] =	vst v63  }
0x25d: {  	_ =	swait.ge [sflag:s30], $0x2800  }
0x25e: {  	[sflag:s30] =	ssyncset.done $0x0  }
0x25f: {  	[sflag:s30] =	ssyncadd.s32 $0xFFFFD800  }
0x260: {  	_ =	swait.ge [sflag:s30], $0x2800  }
0x261: {  	[sflag:s30] =	ssyncset.done $0x0  }
0x262: {  	s0 =	simm.s32 $0x0;
	[sflag:s30] =	ssyncadd.s32 $0xFFFFD800  }
0x263: {  	v3 =	vld [tilespmem:s0+$0x7C00]  }
0x264: {  	v5 =	vld [tilespmem:s0+$0x7C10]  }
0x265: {  	v4 =	vld [tilespmem:s0+$0x7C20]  }
0x266: {  	v2 =	vld [tilespmem:s0+$0x7C30]  }
0x267: {  	v1 =	vld [tilespmem:s0+$0x7C40]  }
0x268: {  	v6 =	vmax.f32 v3, $0.0e+00;
	v3 =	vld [tilespmem:s0+$0x7C50]  }
0x269: {  	s21 =	simm.s32 $0x200;
	[tilespmem:s0+$0x7C00] =	vst v6;
	v6 =	vmax.f32 v5, $0.0e+00;
	v5 =	vld [tilespmem:s0+$0x7C60]  }
.LBB2_19:
0x26a: {  	s11 =	sshra.s32 s21, $0x2;
	p0 =	sne.s32 s21, $0x9E00;
	[tilespmem:s0+$0x7C10] =	vst v6;
	v4 =	vmax.f32 v4, $0.0e+00;
	v6 =	vld [tilespmem:s0+$0x7C70]  }
0x26b: {  	v7 =	vld [tilespmem:s11+$0x7C00];
	[tilespmem:s0+$0x7C20] =	vst v4;
	v2 =	vmax.f32 v2, $0.0e+00  }
0x26c: {  	v8 =	vld [tilespmem:s11+$0x7C10];
	[tilespmem:s0+$0x7C30] =	vst v2;
	v1 =	vmax.f32 v1, $0.0e+00  }
.Ltmp8:
0x26d: {  	v4 =	vld [tilespmem:s11+$0x7C20];
	[tilespmem:s0+$0x7C40] =	vst v1;
	v1 =	vmax.f32 v3, $0.0e+00;
	(pc) =	sbr.rel @p0 .LBB2_19-.Ltmp8, $4  }
0x26e: {  	v2 =	vld [tilespmem:s11+$0x7C30];
	[tilespmem:s0+$0x7C50] =	vst v1;
	v3 =	vmax.f32 v5, $0.0e+00  }
0x26f: {  	v1 =	vld [tilespmem:s11+$0x7C40];
	[tilespmem:s0+$0x7C60] =	vst v3;
	v5 =	vmax.f32 v6, $0.0e+00  }
0x270: {  	v6 =	vmax.f32 v7, $0.0e+00;
	v3 =	vld [tilespmem:s11+$0x7C50];
	[tilespmem:s0+$0x7C70] =	vst v5;
	s0 =	smov.u32 s11  }
0x271: {  	s21 =	sadd.s32 $0x200, s21;
	[tilespmem:s0+$0x7C00] =	vst v6;
	v6 =	vmax.f32 v8, $0.0e+00;
	v5 =	vld [tilespmem:s0+$0x7C60]  }
0x272: {  	[tilespmem:s0+$0x7C10] =	vst v6;
	v4 =	vmax.f32 v4, $0.0e+00;
	v63 =	vld [tilespmem:s0+$0x7C70]  }
0x273: {  	[tilespmem:s0+$0x7C20] =	vst v4;
	v2 =	vmax.f32 v2, $0.0e+00  }
0x274: {  	[tilespmem:s0+$0x7C30] =	vst v2;
	v1 =	vmax.f32 v1, $0.0e+00  }
0x275: {  	s7 =	sadd.s32 $0x1, s7;
	[tilespmem:s0+$0x7C40] =	vst v1;
	v1 =	vmax.f32 v3, $0.0e+00  }
0x276: {  	p0 =	sne.s32 s7, $0x1F;
	[tilespmem:s0+$0x7C50] =	vst v1;
	v1 =	vmax.f32 v5, $0.0e+00  }
.Ltmp9:
0x277: {  	[tilespmem:s0+$0x7C60] =	vst v1;
	v1 =	vmax.f32 v63, $0.0e+00;
	(pc) =	sbr.rel @p0 .LBB2_12-.Ltmp9, $4  }
0x278: {  	s25 =	sadd.s32 s4, s28;
	[tilespmem:s0+$0x7C70] =	vst v1  }
0x279: {  	[hbm4b:s25+s31] =	stream.linear.scatter [tilespmem:s29], [sflag:$0xC], $0x2800, $0x38;
	[tilespmem:$0x1F400] =	vst v63  }
0x27a: {  	s28 =	simm.s32 $0x180  }
0x27b: {  	[spmem:s5] =	stream.indirect.scatter.add.f32 [tilespmem:s29], [sflag:$0x10], $0x80, s28, s19, $0xb8;
	[tilespmem:$0x1F400] =	vst v63  }
0x27c: {  	s0 =	simm.s32 $0xB  }
0x27d: {  	_ =	swait.ge [sflag:s0], $0x2800  }
0x27e: {  	[sflag:s0] =	ssyncset.done $0x0  }
0x27f: {  	s28 =	simm.s32 $0xF;
	[sflag:s0] =	ssyncadd.s32 $0xFFFFD800  }
0x280: {  	_ =	swait.ge [sflag:s28], $0x2800  }
0x281: {  	[sflag:s28] =	ssyncset.done $0x0  }
0x282: {  	[sflag:s28] =	ssyncadd.s32 $0xFFFFD800  }
0x283: {  	_ =	swait.ge [sflag:s24], $0x2800  }
0x284: {  	[sflag:s24] =	ssyncset.done $0x0  }
0x285: {  	[sflag:s24] =	ssyncadd.s32 $0xFFFFD800  }
0x286: {  	_ =	swait.ge [sflag:s24], $0x2800  }
0x287: {  	[sflag:s24] =	ssyncset.done $0x0  }
0x288: {  	s0 =	simm.s32 $0x0;
	[sflag:s24] =	ssyncadd.s32 $0xFFFFD800  }
0x289: {  	v3 =	vld [tilespmem:s0+$0x400]  }
0x28a: {  	v5 =	vld [tilespmem:s0+$0x410]  }
0x28b: {  	v4 =	vld [tilespmem:s0+$0x420]  }
0x28c: {  	v2 =	vld [tilespmem:s0+$0x430]  }
0x28d: {  	v1 =	vld [tilespmem:s0+$0x440]  }
0x28e: {  	v6 =	vmax.f32 v3, $0.0e+00;
	v3 =	vld [tilespmem:s0+$0x450]  }
0x28f: {  	s7 =	simm.s32 $0x200;
	s21 =	rddreg [dreg:$0x8];
	[tilespmem:s0+$0x400] =	vst v6;
	v6 =	vmax.f32 v5, $0.0e+00;
	v5 =	vld [tilespmem:s0+$0x460]  }
.LBB2_22:
0x290: {  	s11 =	sshra.s32 s7, $0x2;
	p0 =	sne.s32 s7, $0x9E00;
	[tilespmem:s0+$0x410] =	vst v6;
	v4 =	vmax.f32 v4, $0.0e+00;
	v6 =	vld [tilespmem:s0+$0x470]  }
0x291: {  	v7 =	vld [tilespmem:s11+$0x400];
	[tilespmem:s0+$0x420] =	vst v4;
	v2 =	vmax.f32 v2, $0.0e+00  }
0x292: {  	v8 =	vld [tilespmem:s11+$0x410];
	[tilespmem:s0+$0x430] =	vst v2;
	v1 =	vmax.f32 v1, $0.0e+00  }
.Ltmp10:
0x293: {  	v4 =	vld [tilespmem:s11+$0x420];
	[tilespmem:s0+$0x440] =	vst v1;
	v1 =	vmax.f32 v3, $0.0e+00;
	(pc) =	sbr.rel @p0 .LBB2_22-.Ltmp10, $4  }
0x294: {  	v2 =	vld [tilespmem:s11+$0x430];
	[tilespmem:s0+$0x450] =	vst v1;
	v3 =	vmax.f32 v5, $0.0e+00  }
0x295: {  	v1 =	vld [tilespmem:s11+$0x440];
	[tilespmem:s0+$0x460] =	vst v3;
	v5 =	vmax.f32 v6, $0.0e+00  }
0x296: {  	v6 =	vmax.f32 v7, $0.0e+00;
	v3 =	vld [tilespmem:s11+$0x450];
	[tilespmem:s0+$0x470] =	vst v5;
	s0 =	smov.u32 s11  }
0x297: {  	s7 =	sadd.s32 $0x200, s7;
	[tilespmem:s0+$0x400] =	vst v6;
	v6 =	vmax.f32 v8, $0.0e+00;
	v5 =	vld [tilespmem:s0+$0x460]  }
0x298: {  	[tilespmem:s0+$0x410] =	vst v6;
	v4 =	vmax.f32 v4, $0.0e+00;
	v63 =	vld [tilespmem:s0+$0x470]  }
0x299: {  	[tilespmem:s0+$0x420] =	vst v4;
	v2 =	vmax.f32 v2, $0.0e+00  }
0x29a: {  	[tilespmem:s0+$0x430] =	vst v2;
	v1 =	vmax.f32 v1, $0.0e+00  }
0x29b: {  	[tilespmem:s0+$0x440] =	vst v1;
	v1 =	vmax.f32 v3, $0.0e+00  }
0x29c: {  	s7 =	sld [smem:$0x7E8];
	[tilespmem:s0+$0x450] =	vst v1;
	v1 =	vmax.f32 v5, $0.0e+00  }
0x29d: {  	[tilespmem:s0+$0x460] =	vst v1;
	v1 =	vmax.f32 v63, $0.0e+00  }
0x29e: {  	[tilespmem:s0+$0x470] =	vst v1  }
0x29f: {  	[hbm4b:s7+s31] =	stream.linear.scatter [tilespmem:s6], [sflag:$0x9], $0x2800, $0x38;
	[tilespmem:$0x1F400] =	vst v63  }
0x2a0: {  	s11 =	simm.s32 $0xC  }
0x2a1: {  	[spmem:s5] =	stream.indirect.scatter.add.f32 [tilespmem:s6], [sflag:$0xD], $0x80, s31, s19, $0xb8;
	[tilespmem:$0x1F400] =	vst v63  }
0x2a2: {  	_ =	swait.ge [sflag:s11], $0x2800  }
0x2a3: {  	[sflag:s11] =	ssyncset.done $0x0  }
0x2a4: {  	[sflag:s11] =	ssyncadd.s32 $0xFFFFD800  }
0x2a5: {  	_ =	swait.ge [sflag:s13], $0x2800  }
0x2a6: {  	[sflag:s13] =	ssyncset.done $0x0  }
0x2a7: {  	[sflag:s13] =	ssyncadd.s32 $0xFFFFD800  }
0x2a8: {  	_ =	swait.ge [sflag:s12], $0x2800  }
0x2a9: {  	[sflag:s12] =	ssyncset.done $0x0  }
0x2aa: {  	[sflag:s12] =	ssyncadd.s32 $0xFFFFD800  }
0x2ab: {  	_ =	swait.ge [sflag:s16], $0x2800  }
0x2ac: {  	[sflag:s16] =	ssyncset.done $0x0  }
0x2ad: {  	[sflag:s16] =	ssyncadd.s32 $0xFFFFD800  }
0x2ae: {  	[bflag:$0x0] =	sbarrier.arrive $0xFFFF  }
0x2af: {  	s22 =	stileid.u32;
	s11 =	sld [smem:$0x7E9]  }
0x2b0: {  	s0 =	sshll.u32 s22, $0x6  }
0x2b1: {  	s0 =	sor.u32 $0x1C11, s0;
	s7 =	sshrl.u32 s21, $0x3  }
0x2b2: {  	[hbm:s11], [sflag:s0] =	dma.local [spmem:s7], $0x2800  }
0x2b3: {  	s11 =	simm.s32 $0x11  }
0x2b4: {  	_ =	swait.ge [sflag:s11], $0x2800  }
0x2b5: {  	s25 =	sld [smem:$0x7E3]  }
0x2b6: {  	s28 =	sld [smem:$0x7EA];
	_ =	sdelay $0x1  }
0x2b7: {  	s7 =	sadd.s32 $0x1, s25  }
0x2b8: {  	p0 =	sne.s32 s7, s28  }
.Ltmp11:
0x2b9: {  	_ = 	snop;
	(pc) =	sbr.rel @p0 .LBB2_1-.Ltmp11, $3  }
0x2ba: {  	_ =	sdelay $0x1  }
0x2bb: {  	[sflag:s11] =	ssyncset.done $0x0  }
0x2bc: {  	[sflag:s11] =	ssyncadd.s32 $0xFFFFD800  }
0x2bd: {  	_ =	sfence.sel $0x180000  }
0x2be: {  	[bflag:$0x0] =	sbarrier.arrive $0xFFFF  }
0x2bf: {  	_ =	strace $0x90000047  }
0x2c0: {  	s0 =	stileid.u32;
	[bflag:$0x2] =	sbarrier.arrive $0xFFFF  }
0x2c1: {  	p0 =	sne.s32 s0, $0x0;
	s0 =	rddreg [dreg:$0x6]  }
0x2c2: {  	s0 =	sadd.s32 @!p0 $0x100000, s0  }
0x2c3: {  	[sflag:s0] =	ssyncadd.tile.s32 @!p0 $0x1;
	_ =	shalt  }
.Lfunc_end2:
_tile_overlayer_lowered:
.L_overlay_start_2:
0x2c4: {  	(tag) =	ssettag $0x2  }
0x2c5: {  	s0 =	rddreg [dreg:$0x0];
	s2 =	stileid.u32  }
0x2c6: {  	s1 =	rddreg [dreg:$0x1];
	p0 =	sne.s32 s2, $0x0  }
0x2c7: {  	s3 =	rddreg [dreg:$0x2];
	[bflag:$0x3] =	sbarrier.arrive $0xFFFF;
	s2 =	simm.s32 @!p0 $0x1C11  }
0x2c8: {  	[timem:s3], [sflag:s2] =	dma.local @!p0 [hbm:s0], s1  }
0x2c9: {  	s0 =	simm.s32 @!p0 $0x11  }
0x2ca: {  	_ =	swait.ge @!p0 [sflag:s0], s1  }
0x2cb: {  	s1 =	ssub.s32 @!p0 $0x0, s1;
	[sflag:s0] =	ssyncset.done @!p0 $0x0  }
0x2cc: {  	[sflag:s0] =	ssyncadd.s32 @!p0 s1  }
0x2cd: {  	[bflag:$0x3] =	sbarrier.arrive $0xFFFF  }
0x2ce: {  	_ =	shalt  }

</sc_bundles>
